<compile_context>
chip_gen: v7x
topology: tpu7x:2x2x1
jax: 0.10.2.dev20260603
libtpu: 0.0.44.dev20260713+nightly
codegen_flags: <defaults>
</compile_context>

<pallas_src>
import functools

import jax
import jax.numpy as jnp
from jax import lax
from jax.experimental import pallas as pl
from jax.experimental.pallas import tpu as pltpu
from jax.experimental.pallas import tpu_sc as plsc

_NUM_CENTERS = 1000000
_DIM = 64
_BATCH = 16384
_LANES = 128
_LAST_RC = (_NUM_CENTERS - 1) // _LANES

_info = plsc.get_sparse_core_info()
_NC, _NS = _info.num_cores, _info.num_subcores
_NW = _NC * _NS
_RPW = _BATCH // _NW
_NBUF = 8
_BLK = 64
_NBLK = _RPW // _BLK

_mesh = plsc.VectorSubcoreMesh(core_axis_name="c", subcore_axis_name="s")


def _worker_id():
    return lax.axis_index("s") * _NC + lax.axis_index("c")


def _iota16():
    return lax.iota(jnp.int32, 16)


def _sload(ref, i):
    g = pl.multiple_of((i // 16) * 16, 8)
    grp = ref[pl.ds(g, 16)]
    return jnp.sum(jnp.where(_iota16() == i - g, grp, 0))


def _sstore(ref, i, val):
    plsc.store_scatter(
        ref,
        [jnp.full((16,), i, jnp.int32)],
        jnp.full((16,), val, jnp.int32),
        mask=_iota16() == 0,
    )


@functools.partial(
    pl.kernel,
    mesh=_mesh,
    out_type=jax.ShapeDtypeStruct((_BATCH, _LANES), jnp.float32),
    scratch_types=[
        pltpu.VMEM((_RPW,), jnp.int32),
        pltpu.VMEM((_RPW + 16,), jnp.int32),
        pltpu.VMEM((_NBLK, _BLK), jnp.int32),
        pltpu.VMEM((_NBUF, _DIM, _LANES), jnp.float32),
        pltpu.VMEM((4, _BLK, _LANES), jnp.float32),
        pltpu.SemaphoreType.DMA((_NBUF,)),
        pltpu.SemaphoreType.DMA,
    ],
    compiler_params=pltpu.CompilerParams(
        use_tc_tiling_on_sc=True, needs_layout_passes=False),
)
def _gather1(sorted_hbm, ord_hbm, tableT_hbm, tail_hbm, out_hbm,
             s_v, runs_v, ord_v, slab_v, rbuf, gsem, osem):
    w = _worker_id()
    base = w * _RPW
    iota16 = _iota16()
    pltpu.sync_copy(sorted_hbm.at[pl.ds(base, _RPW)], s_v)
    pltpu.sync_copy(ord_hbm.at[pl.ds(w * _NBLK, _NBLK), :], ord_v)

    def scan_body(g, carry):
        off, prev = carry
        vrc = s_v[pl.ds(g * 16, 16)] >> 7
        sh = jnp.take(vrc, jnp.maximum(iota16 - 1, 0))
        pr = jnp.where(iota16 == 0, prev, sh)
        is_new = vrc != pr
        plsc.store_compressed(
            runs_v.at[pl.ds(off, 16)], iota16 + 16 * g, mask=is_new)
        cnt = jnp.max(plsc.all_reduce_population_count(is_new))
        last = jnp.take(vrc, jnp.full((16,), 15, jnp.int32))
        return off + cnt, last

    nrun, _ = lax.fori_loop(
        0, _RPW // 16, scan_body,
        (0, jnp.full((16,), -1, jnp.int32)))
    _sstore(runs_v, nrun, _RPW)

    def fetch(r, buf):
        rc = _sload(s_v, _sload(runs_v, r)) >> 7

        @pl.when(rc < _LAST_RC)
        def _():
            start = pl.multiple_of(rc * _LANES, _LANES)
            pltpu.async_copy(
                tableT_hbm.at[:, pl.ds(start, _LANES)],
                slab_v.at[buf], gsem.at[buf])

        @pl.when(rc >= _LAST_RC)
        def _():
            pltpu.async_copy(tail_hbm, slab_v.at[buf], gsem.at[buf])

    for k in range(_NBUF - 1):
        @pl.when(k < nrun)
        def _(k=k):
            fetch(k, k)

    def run_body(r, _):
        buf = lax.rem(r, _NBUF)
        r2 = r + _NBUF - 1

        @pl.when(r2 < nrun)
        def _():
            fetch(r2, lax.rem(r2, _NBUF))

        pltpu.make_async_copy(
            tableT_hbm.at[:, pl.ds(0, _LANES)], slab_v.at[buf], gsem.at[buf]
        ).wait()

        def row_body(q, _):
            par = lax.rem(q // _BLK, 4)
            qm = lax.rem(q, _BLK)

            @pl.when(jnp.logical_and(qm == 0, q >= 4 * _BLK))
            def _():
                pltpu.make_async_copy(
                    rbuf.at[0], out_hbm.at[pl.ds(0, _BLK), :], osem
                ).wait()

            g = pl.multiple_of((q // 16) * 16, 8)
            grp_rl = s_v[pl.ds(g, 16)] & (_LANES - 1)
            rlv = jnp.take(grp_rl, jnp.full((16,), q - g, jnp.int32))
            for k in range(_DIM // 16):
                vals = plsc.load_gather(
                    slab_v.at[buf], [iota16 + (16 * k), rlv])
                rbuf[par, qm, pl.ds(16 * k, 16)] = vals

            @pl.when(qm == _BLK - 1)
            def _():
                pltpu.async_copy(
                    rbuf.at[par],
                    out_hbm.at[ord_v.at[q // _BLK]],
                    osem)

            return 0

        lax.fori_loop(_sload(runs_v, r), _sload(runs_v, r + 1), row_body, 0)
        return 0

    lax.fori_loop(0, nrun, run_body, 0)
    for _ in range(4):
        pltpu.make_async_copy(
            rbuf.at[0], out_hbm.at[pl.ds(0, _BLK), :], osem
        ).wait()


def kernel(idx, stored_mean):
    sorted_idx, ord_ = lax.sort(
        (idx, jnp.arange(_BATCH, dtype=jnp.int32)), num_keys=1)
    ord2 = ord_.reshape(_NW * _NBLK, _BLK)
    tableT = stored_mean.T
    tail = jnp.pad(
        tableT[:, _LAST_RC * _LANES:],
        ((0, 0), (0, _LAST_RC * _LANES + _LANES - _NUM_CENTERS)))
    out128 = _gather1(sorted_idx, ord2, tableT, tail)
    return out128[:, :_DIM]

# --- scband reference (transcript-rebuilt; emitter-appended) ---
"""Pipeline reference for scband-activation-mean-24060406792899 (READ-ONLY COPY).

The authoritative reference and input builder live on the scoring server;
editing this copy changes nothing except your own understanding.
"""

import jax, jax.numpy as jnp
import numpy as np

NUM_CENTERS = 1000000
DIM = 64
BATCH = 16384

def setup_inputs(seed: int = 0) -> dict:
    key = jax.random.key(seed)
    k1, k2 = jax.random.split(key)
    # stored_mean is the 'intermediates' variable (self.name + '_mean') materialized
    # as a table of per-center mean activations; fix_tuple unwraps the sow tuple,
    # here we just use the array directly.
    stored_mean = jax.random.normal(k1, (NUM_CENTERS, DIM), dtype=jnp.float32)
    # idx is the first element of the `centers` tuple in mode='partial'
    idx = jax.random.randint(k2, (BATCH,), 0, NUM_CENTERS, dtype=jnp.int32)
    return {"idx": idx, "stored_mean": stored_mean}

def reference(idx, stored_mean):
    # ActivationMean.__call__ with mode='partial', centers=(idx, _):
    #   stored_mean = get_variable('intermediates', name + '_mean')  (unwrapped)
    #   return stored_mean[idx, ...]
    return jnp.take(stored_mean, idx, axis=0)

if __name__ == "__main__":
    import jax
    _d = setup_inputs()
    print(jax.jit(kernel)(*tuple(_d.values())))

</pallas_src>

<mosaic_0001>
#map = affine_map<(d0, d1) -> (0)>
#map1 = affine_map<(d0, d1) -> (0, 0)>
module attributes {stable_mosaic.version = 14 : i64} {
  func.func @_gather1(%arg0: i32, %arg1: i32, %arg2: memref<16384xi32, #tpu.memory_space<hbm>>, %arg3: memref<256x64xi32, #tpu.memory_space<hbm>>, %arg4: memref<64x1000000xf32, #tpu.memory_space<hbm>>, %arg5: memref<64x128xf32, #tpu.memory_space<hbm>>, %arg6: memref<16384x128xf32, #tpu.memory_space<hbm>>, %arg7: memref<512xi32, #tpu.memory_space<vmem>>, %arg8: memref<528xi32, #tpu.memory_space<vmem>>, %arg9: memref<8x64xi32, #tpu.memory_space<vmem>>, %arg10: memref<8x64x128xf32, #tpu.memory_space<vmem>>, %arg11: memref<4x64x128xf32, #tpu.memory_space<vmem>>, %arg12: memref<8x!tpu.dma_semaphore, #tpu.memory_space<semaphore_mem>>, %arg13: memref<!tpu.dma_semaphore, #tpu.memory_space<semaphore_mem>>) attributes {dimension_semantics = [#tpu.dimension_semantics<core_parallel>, #tpu.dimension_semantics<subcore_parallel>], iteration_bounds = array<i64: 2, 16>, scalar_prefetch = 0 : i64, scratch_operands = 7 : i64, tpu.core_type = #tpu.core_type<sc_vector_subcore>, window_params = [{transform_indices = #map}, {transform_indices = #map1}, {transform_indices = #map1}, {transform_indices = #map1}, {transform_indices = #map1}]} {
    %mul3A = arith.constant 2 : i32
    %mul3A_0 = arith.muli %arg1, %mul3A : i32
    %add3A = arith.addi %mul3A_0, %arg0 : i32
    %mul3A_1 = arith.constant 512 : i32
    %mul3A_2 = arith.muli %add3A, %mul3A_1 : i32
    %iota3A = tpu.iota {dimensions = array<i32: 0>} : vector<16xi32>
    "tpu.region"() ({
      %run_scoped3A = tpu.sem_alloc : memref<!tpu.dma_semaphore, #tpu.memory_space<semaphore_mem>>
      %dma_start3A = tpu.memref_slice %arg2[%mul3A_2] : memref<16384xi32, #tpu.memory_space<hbm>> -> memref<512xi32, #tpu.memory_space<hbm>>
      %dma_start3A_120 = tpu.memref_slice %arg2[%mul3A_2] : memref<16384xi32, #tpu.memory_space<hbm>> -> memref<512xi32, #tpu.memory_space<hbm>>
      tpu.enqueue_dma source(%dma_start3A_120 : memref<512xi32, #tpu.memory_space<hbm>>) target(%arg7 : memref<512xi32, #tpu.memory_space<vmem>>) target_semaphore(%run_scoped3A : memref<!tpu.dma_semaphore, #tpu.memory_space<semaphore_mem>>)
      %dma_wait3A_121 = tpu.memref_slice %arg2[%mul3A_2] : memref<16384xi32, #tpu.memory_space<hbm>> -> memref<512xi32, #tpu.memory_space<hbm>>
      %dma_wait3A_122 = tpu.memref_slice %arg2[%mul3A_2] : memref<16384xi32, #tpu.memory_space<hbm>> -> memref<512xi32, #tpu.memory_space<hbm>>
      tpu.wait_dma2 semaphore(%run_scoped3A : memref<!tpu.dma_semaphore, #tpu.memory_space<semaphore_mem>>) src(%dma_wait3A_122 : memref<512xi32, #tpu.memory_space<hbm>>) dst(%arg7 : memref<512xi32, #tpu.memory_space<vmem>>)
      tpu.yield
    }) : () -> ()
    %mul3A_3 = arith.constant 8 : i32
    %mul3A_4 = arith.muli %add3A, %mul3A_3 : i32
    "tpu.region"() ({
      %run_scoped3A = tpu.sem_alloc : memref<!tpu.dma_semaphore, #tpu.memory_space<semaphore_mem>>
      %dma_start3A = arith.constant 0 : i32
      %dma_start3A_120 = tpu.memref_slice %arg3[%mul3A_4, %dma_start3A] : memref<256x64xi32, #tpu.memory_space<hbm>> -> memref<8x64xi32, #tpu.memory_space<hbm>>
      %dma_start3A_121 = arith.constant 0 : i32
      %dma_start3A_122 = tpu.memref_slice %arg3[%mul3A_4, %dma_start3A_121] : memref<256x64xi32, #tpu.memory_space<hbm>> -> memref<8x64xi32, #tpu.memory_space<hbm>>
      tpu.enqueue_dma source(%dma_start3A_122 : memref<8x64xi32, #tpu.memory_space<hbm>>) target(%arg9 : memref<8x64xi32, #tpu.memory_space<vmem>>) target_semaphore(%run_scoped3A : memref<!tpu.dma_semaphore, #tpu.memory_space<semaphore_mem>>)
      %dma_wait3A_123 = arith.constant 0 : i32
      %dma_wait3A_124 = tpu.memref_slice %arg3[%mul3A_4, %dma_wait3A_123] : memref<256x64xi32, #tpu.memory_space<hbm>> -> memref<8x64xi32, #tpu.memory_space<hbm>>
      %dma_wait3A_125 = arith.constant 0 : i32
      %dma_wait3A_126 = tpu.memref_slice %arg3[%mul3A_4, %dma_wait3A_125] : memref<256x64xi32, #tpu.memory_space<hbm>> -> memref<8x64xi32, #tpu.memory_space<hbm>>
      tpu.wait_dma2 semaphore(%run_scoped3A : memref<!tpu.dma_semaphore, #tpu.memory_space<semaphore_mem>>) src(%dma_wait3A_126 : memref<8x64xi32, #tpu.memory_space<hbm>>) dst(%arg9 : memref<8x64xi32, #tpu.memory_space<vmem>>)
      tpu.yield
    }) : () -> ()
    %broadcast_in_dim3A = arith.constant -1 : i32
    %broadcast_in_dim3A_5 = vector.broadcast %broadcast_in_dim3A : i32 to vector<16xi32>
    %scan3A = arith.constant 0 : i32
    %scan3A_6 = arith.constant 0 : i32
    %scan3A_7 = arith.constant 32 : i32
    %scan3A_8 = arith.addi %scan3A_6, %scan3A_7 : i32
    %scan3A_9 = arith.constant 1 : i32
    %scan3A_10:2 = scf.for %scan3A_120 = %scan3A_6 to %scan3A_8 step %scan3A_9 iter_args(%scan3A_121 = %scan3A, %scan3A_122 = %broadcast_in_dim3A_5) -> (i32, vector<16xi32>)  : i32 {
      %mul3A_123 = arith.constant 16 : i32
      %mul3A_124 = arith.muli %scan3A_120, %mul3A_123 : i32
      %get3A = arith.index_cast %mul3A_124 : i32 to index
      %get3A_125 = tpu.vector_load %arg7[%get3A] {strides = array<i32>} : memref<512xi32, #tpu.memory_space<vmem>>, vector<16xi32>,
      %shift_right_arithmetic3A = arith.constant 7 : i32
      %shift_right_arithmetic3A_126 = vector.broadcast %shift_right_arithmetic3A : i32 to vector<16xi32>
      %shift_right_arithmetic3A_127 = arith.shrsi %get3A_125, %shift_right_arithmetic3A_126 : vector<16xi32>
      %sub3A = arith.constant 1 : i32
      %sub3A_128 = vector.broadcast %sub3A : i32 to vector<16xi32>
      %sub3A_129 = arith.subi %iota3A, %sub3A_128 : vector<16xi32>
      %max3A = arith.constant 0 : i32
      %max3A_130 = vector.broadcast %max3A : i32 to vector<16xi32>
      %max3A_131 = arith.maxsi %sub3A_129, %max3A_130 : vector<16xi32>
      %lt3A = arith.constant 0 : i32
      %lt3A_132 = vector.broadcast %lt3A : i32 to vector<16xi32>
      %lt3A_133 = arith.cmpi slt, %max3A_131, %lt3A_132 : vector<16xi32>
      %add3A_134 = arith.constant 16 : i32
      %add3A_135 = vector.broadcast %add3A_134 : i32 to vector<16xi32>
      %add3A_136 = arith.addi %max3A_131, %add3A_135 : vector<16xi32>
      %select_n3A = arith.select %lt3A_133, %add3A_136, %max3A_131 : vector<16xi1>, vector<16xi32>
      %broadcast_in_dim3A_137 = vector.shape_cast %select_n3A : vector<16xi32> to vector<16x1xi32>
      %gather3A = vector.shape_cast %broadcast_in_dim3A_137 : vector<16x1xi32> to vector<16xi32>
      %gather3A_138 = tpu.dynamic_gather %shift_right_arithmetic3A_127[%gather3A] in [0] : vector<16xi32>, vector<16xi32> -> vector<16xi32>
      %eq3A_139 = arith.constant 0 : i32
      %eq3A_140 = vector.broadcast %eq3A_139 : i32 to vector<16xi32>
      %eq3A_141 = arith.cmpi eq, %iota3A, %eq3A_140 : vector<16xi32>
      %select_n3A_142 = arith.select %eq3A_141, %scan3A_122, %gather3A_138 : vector<16xi1>, vector<16xi32>
      %ne3A = arith.cmpi ne, %shift_right_arithmetic3A_127, %select_n3A_142 : vector<16xi32>
      %mul3A_143 = arith.constant 16 : i32
      %mul3A_144 = arith.muli %mul3A_143, %scan3A_120 : i32
      %add3A_145 = vector.broadcast %mul3A_144 : i32 to vector<16xi32>
      %add3A_146 = arith.addi %iota3A, %add3A_145 : vector<16xi32>
      %swap3A = arith.index_cast %scan3A_121 : i32 to index
      %swap3A_147 = tpu.vector_load %arg8[%swap3A] masked %ne3A {strides = array<i32>} : memref<528xi32, #tpu.memory_space<vmem>>, vector<16xi32>, vector<16xi1>
      tpu.vector_store %arg8[%swap3A], %add3A_146 masked %ne3A {strides = array<i32>} : memref<528xi32, #tpu.memory_space<vmem>>, vector<16xi32>, vector<16xi1>
      %all_reduce_population_count3A = tpu.all_reduce %ne3A {dim = 0 : i64, kind = #tpu.reduction_kind<sum>} : vector<16xi1> -> vector<16xi32>
      %reduce_max3A = arith.constant true
      %reduce_max3A_148 = vector.broadcast %reduce_max3A : i1 to vector<16xi1>
      %reduce_max3A_149 = arith.constant -2147483648 : i32
      %reduce_max3A_150 = vector.broadcast %reduce_max3A_149 : i32 to vector<16xi32>
      %reduce_max3A_151 = arith.xori %all_reduce_population_count3A, %reduce_max3A_150 : vector<16xi32>
      %reduce_max3A_152 = tpu.scan <max>, %reduce_max3A_151 masked %reduce_max3A_148 : vector<16xi32>, vector<16xi1> -> vector<16xi32>
      %reduce_max3A_153 = arith.xori %reduce_max3A_152, %reduce_max3A_150 : vector<16xi32>
      %reduce_max3A_154 = vector.extract %reduce_max3A_153[15] : i32 from vector<16xi32>
      %broadcast_in_dim3A_155 = arith.constant 15 : i32
      %broadcast_in_dim3A_156 = vector.broadcast %broadcast_in_dim3A_155 : i32 to vector<16xi32>
      %lt3A_157 = arith.constant 0 : i32
      %lt3A_158 = vector.broadcast %lt3A_157 : i32 to vector<16xi32>
      %lt3A_159 = arith.cmpi slt, %broadcast_in_dim3A_156, %lt3A_158 : vector<16xi32>
      %add3A_160 = arith.constant 16 : i32
      %add3A_161 = vector.broadcast %add3A_160 : i32 to vector<16xi32>
      %add3A_162 = arith.addi %broadcast_in_dim3A_156, %add3A_161 : vector<16xi32>
      %select_n3A_163 = arith.select %lt3A_159, %add3A_162, %broadcast_in_dim3A_156 : vector<16xi1>, vector<16xi32>
      %broadcast_in_dim3A_164 = vector.shape_cast %select_n3A_163 : vector<16xi32> to vector<16x1xi32>
      %gather3A_165 = vector.shape_cast %broadcast_in_dim3A_164 : vector<16x1xi32> to vector<16xi32>
      %gather3A_166 = tpu.dynamic_gather %shift_right_arithmetic3A_127[%gather3A_165] in [0] : vector<16xi32>, vector<16xi32> -> vector<16xi32>
      %add3A_167 = arith.addi %scan3A_121, %reduce_max3A_154 : i32
      scf.yield %add3A_167, %gather3A_166 : i32, vector<16xi32>
    }
    %scan3A_11 = arith.constant 32 : i32
    %broadcast_in_dim3A_12 = vector.broadcast %scan3A_10#0 : i32 to vector<16xi32>
    %broadcast_in_dim3A_13 = arith.constant 512 : i32
    %broadcast_in_dim3A_14 = vector.broadcast %broadcast_in_dim3A_13 : i32 to vector<16xi32>
    %iota3A_15 = tpu.iota {dimensions = array<i32: 0>} : vector<16xi32>
    %eq3A = arith.constant 0 : i32
    %eq3A_16 = vector.broadcast %eq3A : i32 to vector<16xi32>
    %eq3A_17 = arith.cmpi eq, %iota3A_15, %eq3A_16 : vector<16xi32>
    tpu.vector_store_idx %arg8[%broadcast_in_dim3A_12], %broadcast_in_dim3A_14 masked %eq3A_17 : memref<528xi32, #tpu.memory_space<vmem>>[vector<16xi32>], vector<16xi32>, vector<16xi1>
    %gt3A = arith.constant 0 : i32
    %gt3A_18 = arith.cmpi sgt, %scan3A_10#0, %gt3A : i32
    %convert_element_type3A = arith.extui %gt3A_18 : i1 to i32
    %cond3A = arith.constant 0 : i32
    %cond3A_19 = arith.cmpi ne, %convert_element_type3A, %cond3A : i32
    scf.if %cond3A_19 {
      %multiple_of3A = arith.constant 0 : i32
      %multiple_of3A_120 = tpu.assume_multiple %multiple_of3A, 8 : i32
      %get3A = arith.index_cast %multiple_of3A_120 : i32 to index
      %get3A_121 = tpu.vector_load %arg8[%get3A] {strides = array<i32>} : memref<528xi32, #tpu.memory_space<vmem>>, vector<16xi32>,
      %iota3A_122 = tpu.iota {dimensions = array<i32: 0>} : vector<16xi32>
      %sub3A = arith.constant 0 : i32
      %sub3A_123 = arith.subi %sub3A, %multiple_of3A_120 : i32
      %eq3A_124 = vector.broadcast %sub3A_123 : i32 to vector<16xi32>
      %eq3A_125 = arith.cmpi eq, %iota3A_122, %eq3A_124 : vector<16xi32>
      %jit3A = arith.constant 0 : i32
      %broadcast_in_dim3A_126 = vector.broadcast %jit3A : i32 to vector<16xi32>
      %select_n3A = arith.select %eq3A_125, %get3A_121, %broadcast_in_dim3A_126 : vector<16xi1>, vector<16xi32>
      %reduce_sum3A = arith.constant true
      %reduce_sum3A_127 = vector.broadcast %reduce_sum3A : i1 to vector<16xi1>
      %reduce_sum3A_128 = tpu.scan <sum>, %select_n3A masked %reduce_sum3A_127 : vector<16xi32>, vector<16xi1> -> vector<16xi32>
      %reduce_sum3A_129 = vector.extract %reduce_sum3A_128[15] : i32 from vector<16xi32>
      %jit3A_130 = arith.constant 16 : i32
      %div3A = arith.divsi %reduce_sum3A_129, %jit3A_130 : i32
      %sign3A = arith.constant 0 : i32
      %sign3A_131 = arith.cmpi sgt, %reduce_sum3A_129, %sign3A : i32
      %sign3A_132 = arith.extui %sign3A_131 : i1 to i32
      %sign3A_133 = arith.constant 0 : i32
      %sign3A_134 = arith.cmpi slt, %reduce_sum3A_129, %sign3A_133 : i32
      %sign3A_135 = arith.extui %sign3A_134 : i1 to i32
      %sign3A_136 = arith.subi %sign3A_132, %sign3A_135 : i32
      %sign3A_137 = arith.constant 0 : i32
      %sign3A_138 = arith.cmpi sgt, %jit3A_130, %sign3A_137 : i32
      %sign3A_139 = arith.extui %sign3A_138 : i1 to i32
      %sign3A_140 = arith.constant 0 : i32
      %sign3A_141 = arith.cmpi slt, %jit3A_130, %sign3A_140 : i32
      %sign3A_142 = arith.extui %sign3A_141 : i1 to i32
      %sign3A_143 = arith.subi %sign3A_139, %sign3A_142 : i32
      %ne3A = arith.cmpi ne, %sign3A_136, %sign3A_143 : i32
      %rem3A = arith.remsi %reduce_sum3A_129, %jit3A_130 : i32
      %ne3A_144 = arith.constant 0 : i32
      %ne3A_145 = arith.cmpi ne, %rem3A, %ne3A_144 : i32
      %and3A = arith.andi %ne3A, %ne3A_145 : i1
      %sub3A_146 = arith.constant 1 : i32
      %sub3A_147 = arith.subi %div3A, %sub3A_146 : i32
      %select_n3A_148 = arith.select %and3A, %sub3A_147, %div3A : i32
      %mul3A_149 = arith.constant 16 : i32
      %mul3A_150 = arith.muli %select_n3A_148, %mul3A_149 : i32
      %multiple_of3A_151 = tpu.assume_multiple %mul3A_150, 8 : i32
      %get3A_152 = arith.index_cast %multiple_of3A_151 : i32 to index
      %get3A_153 = tpu.vector_load %arg7[%get3A_152] {strides = array<i32>} : memref<512xi32, #tpu.memory_space<vmem>>, vector<16xi32>,
      %iota3A_154 = tpu.iota {dimensions = array<i32: 0>} : vector<16xi32>
      %sub3A_155 = arith.subi %reduce_sum3A_129, %multiple_of3A_151 : i32
      %eq3A_156 = vector.broadcast %sub3A_155 : i32 to vector<16xi32>
      %eq3A_157 = arith.cmpi eq, %iota3A_154, %eq3A_156 : vector<16xi32>
      %jit3A_158 = arith.constant 0 : i32
      %broadcast_in_dim3A_159 = vector.broadcast %jit3A_158 : i32 to vector<16xi32>
      %select_n3A_160 = arith.select %eq3A_157, %get3A_153, %broadcast_in_dim3A_159 : vector<16xi1>, vector<16xi32>
      %reduce_sum3A_161 = arith.constant true
      %reduce_sum3A_162 = vector.broadcast %reduce_sum3A_161 : i1 to vector<16xi1>
      %reduce_sum3A_163 = tpu.scan <sum>, %select_n3A_160 masked %reduce_sum3A_162 : vector<16xi32>, vector<16xi1> -> vector<16xi32>
      %reduce_sum3A_164 = vector.extract %reduce_sum3A_163[15] : i32 from vector<16xi32>
      %shift_right_arithmetic3A = arith.constant 7 : i32
      %shift_right_arithmetic3A_165 = arith.shrsi %reduce_sum3A_164, %shift_right_arithmetic3A : i32
      %lt3A = arith.constant 7812 : i32
      %lt3A_166 = arith.cmpi slt, %shift_right_arithmetic3A_165, %lt3A : i32
      %convert_element_type3A_167 = arith.extui %lt3A_166 : i1 to i32
      %cond3A_168 = arith.constant 0 : i32
      %cond3A_169 = arith.cmpi ne, %convert_element_type3A_167, %cond3A_168 : i32
      scf.if %cond3A_169 {
        %mul3A_174 = arith.constant 128 : i32
        %mul3A_175 = arith.muli %shift_right_arithmetic3A_165, %mul3A_174 : i32
        %multiple_of3A_176 = tpu.assume_multiple %mul3A_175, 128 : i32
        %dma_start3A = arith.constant 0 : i32
        %dma_start3A_177 = arith.constant 0 : i32
        %dma_start3A_178 = arith.constant 0 : i32
        %dma_start3A_179 = arith.constant 0 : i32
        %dma_start3A_180 = tpu.memref_slice %arg10[%dma_start3A, %dma_start3A_178, %dma_start3A_179] : memref<8x64x128xf32, #tpu.memory_space<vmem>> -> memref<1x64x128xf32, #tpu.memory_space<vmem>>
        %dma_start3A_181 = tpu.memref_squeeze %dma_start3A_180 : memref<1x64x128xf32, #tpu.memory_space<vmem>> -> memref<64x128xf32, #tpu.memory_space<vmem>>
        %dma_start3A_182 = arith.constant 0 : i32
        %dma_start3A_183 = tpu.memref_slice %arg4[%dma_start3A_182, %multiple_of3A_176] : memref<64x1000000xf32, #tpu.memory_space<hbm>> -> memref<64x128xf32, #tpu.memory_space<hbm>>
        %dma_start3A_184 = tpu.memref_slice %arg12[%dma_start3A_177] : memref<8x!tpu.dma_semaphore, #tpu.memory_space<semaphore_mem>> -> memref<1x!tpu.dma_semaphore, #tpu.memory_space<semaphore_mem>>
        %dma_start3A_185 = tpu.memref_squeeze %dma_start3A_184 : memref<1x!tpu.dma_semaphore, #tpu.memory_space<semaphore_mem>> -> memref<!tpu.dma_semaphore, #tpu.memory_space<semaphore_mem>>
        %dma_start3A_186 = arith.constant 0 : i32
        %dma_start3A_187 = arith.constant 0 : i32
        %dma_start3A_188 = tpu.memref_slice %arg10[%dma_start3A, %dma_start3A_186, %dma_start3A_187] : memref<8x64x128xf32, #tpu.memory_space<vmem>> -> memref<1x64x128xf32, #tpu.memory_space<vmem>>
        %dma_start3A_189 = tpu.memref_squeeze %dma_start3A_188 : memref<1x64x128xf32, #tpu.memory_space<vmem>> -> memref<64x128xf32, #tpu.memory_space<vmem>>
        %dma_start3A_190 = arith.constant 0 : i32
        %dma_start3A_191 = tpu.memref_slice %arg4[%dma_start3A_190, %multiple_of3A_176] : memref<64x1000000xf32, #tpu.memory_space<hbm>> -> memref<64x128xf32, #tpu.memory_space<hbm>>
        tpu.enqueue_dma source(%dma_start3A_191 : memref<64x128xf32, #tpu.memory_space<hbm>>) target(%dma_start3A_189 : memref<64x128xf32, #tpu.memory_space<vmem>>) target_semaphore(%dma_start3A_185 : memref<!tpu.dma_semaphore, #tpu.memory_space<semaphore_mem>>)
      } else {
      }
      %ge3A = arith.constant 7812 : i32
      %ge3A_170 = arith.cmpi sge, %shift_right_arithmetic3A_165, %ge3A : i32
      %convert_element_type3A_171 = arith.extui %ge3A_170 : i1 to i32
      %cond3A_172 = arith.constant 0 : i32
      %cond3A_173 = arith.cmpi ne, %convert_element_type3A_171, %cond3A_172 : i32
      scf.if %cond3A_173 {
        %dma_start3A = arith.constant 0 : i32
        %dma_start3A_174 = arith.constant 0 : i32
        %dma_start3A_175 = arith.constant 0 : i32
        %dma_start3A_176 = arith.constant 0 : i32
        %dma_start3A_177 = tpu.memref_slice %arg10[%dma_start3A, %dma_start3A_175, %dma_start3A_176] : memref<8x64x128xf32, #tpu.memory_space<vmem>> -> memref<1x64x128xf32, #tpu.memory_space<vmem>>
        %dma_start3A_178 = tpu.memref_squeeze %dma_start3A_177 : memref<1x64x128xf32, #tpu.memory_space<vmem>> -> memref<64x128xf32, #tpu.memory_space<vmem>>
        %dma_start3A_179 = tpu.memref_slice %arg12[%dma_start3A_174] : memref<8x!tpu.dma_semaphore, #tpu.memory_space<semaphore_mem>> -> memref<1x!tpu.dma_semaphore, #tpu.memory_space<semaphore_mem>>
        %dma_start3A_180 = tpu.memref_squeeze %dma_start3A_179 : memref<1x!tpu.dma_semaphore, #tpu.memory_space<semaphore_mem>> -> memref<!tpu.dma_semaphore, #tpu.memory_space<semaphore_mem>>
        %dma_start3A_181 = arith.constant 0 : i32
        %dma_start3A_182 = arith.constant 0 : i32
        %dma_start3A_183 = tpu.memref_slice %arg10[%dma_start3A, %dma_start3A_181, %dma_start3A_182] : memref<8x64x128xf32, #tpu.memory_space<vmem>> -> memref<1x64x128xf32, #tpu.memory_space<vmem>>
        %dma_start3A_184 = tpu.memref_squeeze %dma_start3A_183 : memref<1x64x128xf32, #tpu.memory_space<vmem>> -> memref<64x128xf32, #tpu.memory_space<vmem>>
        tpu.enqueue_dma source(%arg5 : memref<64x128xf32, #tpu.memory_space<hbm>>) target(%dma_start3A_184 : memref<64x128xf32, #tpu.memory_space<vmem>>) target_semaphore(%dma_start3A_180 : memref<!tpu.dma_semaphore, #tpu.memory_space<semaphore_mem>>)
      } else {
      }
    } else {
    }
    %gt3A_20 = arith.constant 1 : i32
    %gt3A_21 = arith.cmpi sgt, %scan3A_10#0, %gt3A_20 : i32
    %convert_element_type3A_22 = arith.extui %gt3A_21 : i1 to i32
    %cond3A_23 = arith.constant 0 : i32
    %cond3A_24 = arith.cmpi ne, %convert_element_type3A_22, %cond3A_23 : i32
    scf.if %cond3A_24 {
      %multiple_of3A = arith.constant 0 : i32
      %multiple_of3A_120 = tpu.assume_multiple %multiple_of3A, 8 : i32
      %get3A = arith.index_cast %multiple_of3A_120 : i32 to index
      %get3A_121 = tpu.vector_load %arg8[%get3A] {strides = array<i32>} : memref<528xi32, #tpu.memory_space<vmem>>, vector<16xi32>,
      %iota3A_122 = tpu.iota {dimensions = array<i32: 0>} : vector<16xi32>
      %sub3A = arith.constant 1 : i32
      %sub3A_123 = arith.subi %sub3A, %multiple_of3A_120 : i32
      %eq3A_124 = vector.broadcast %sub3A_123 : i32 to vector<16xi32>
      %eq3A_125 = arith.cmpi eq, %iota3A_122, %eq3A_124 : vector<16xi32>
      %jit3A = arith.constant 0 : i32
      %broadcast_in_dim3A_126 = vector.broadcast %jit3A : i32 to vector<16xi32>
      %select_n3A = arith.select %eq3A_125, %get3A_121, %broadcast_in_dim3A_126 : vector<16xi1>, vector<16xi32>
      %reduce_sum3A = arith.constant true
      %reduce_sum3A_127 = vector.broadcast %reduce_sum3A : i1 to vector<16xi1>
      %reduce_sum3A_128 = tpu.scan <sum>, %select_n3A masked %reduce_sum3A_127 : vector<16xi32>, vector<16xi1> -> vector<16xi32>
      %reduce_sum3A_129 = vector.extract %reduce_sum3A_128[15] : i32 from vector<16xi32>
      %jit3A_130 = arith.constant 16 : i32
      %div3A = arith.divsi %reduce_sum3A_129, %jit3A_130 : i32
      %sign3A = arith.constant 0 : i32
      %sign3A_131 = arith.cmpi sgt, %reduce_sum3A_129, %sign3A : i32
      %sign3A_132 = arith.extui %sign3A_131 : i1 to i32
      %sign3A_133 = arith.constant 0 : i32
      %sign3A_134 = arith.cmpi slt, %reduce_sum3A_129, %sign3A_133 : i32
      %sign3A_135 = arith.extui %sign3A_134 : i1 to i32
      %sign3A_136 = arith.subi %sign3A_132, %sign3A_135 : i32
      %sign3A_137 = arith.constant 0 : i32
      %sign3A_138 = arith.cmpi sgt, %jit3A_130, %sign3A_137 : i32
      %sign3A_139 = arith.extui %sign3A_138 : i1 to i32
      %sign3A_140 = arith.constant 0 : i32
      %sign3A_141 = arith.cmpi slt, %jit3A_130, %sign3A_140 : i32
      %sign3A_142 = arith.extui %sign3A_141 : i1 to i32
      %sign3A_143 = arith.subi %sign3A_139, %sign3A_142 : i32
      %ne3A = arith.cmpi ne, %sign3A_136, %sign3A_143 : i32
      %rem3A = arith.remsi %reduce_sum3A_129, %jit3A_130 : i32
      %ne3A_144 = arith.constant 0 : i32
      %ne3A_145 = arith.cmpi ne, %rem3A, %ne3A_144 : i32
      %and3A = arith.andi %ne3A, %ne3A_145 : i1
      %sub3A_146 = arith.constant 1 : i32
      %sub3A_147 = arith.subi %div3A, %sub3A_146 : i32
      %select_n3A_148 = arith.select %and3A, %sub3A_147, %div3A : i32
      %mul3A_149 = arith.constant 16 : i32
      %mul3A_150 = arith.muli %select_n3A_148, %mul3A_149 : i32
      %multiple_of3A_151 = tpu.assume_multiple %mul3A_150, 8 : i32
      %get3A_152 = arith.index_cast %multiple_of3A_151 : i32 to index
      %get3A_153 = tpu.vector_load %arg7[%get3A_152] {strides = array<i32>} : memref<512xi32, #tpu.memory_space<vmem>>, vector<16xi32>,
      %iota3A_154 = tpu.iota {dimensions = array<i32: 0>} : vector<16xi32>
      %sub3A_155 = arith.subi %reduce_sum3A_129, %multiple_of3A_151 : i32
      %eq3A_156 = vector.broadcast %sub3A_155 : i32 to vector<16xi32>
      %eq3A_157 = arith.cmpi eq, %iota3A_154, %eq3A_156 : vector<16xi32>
      %jit3A_158 = arith.constant 0 : i32
      %broadcast_in_dim3A_159 = vector.broadcast %jit3A_158 : i32 to vector<16xi32>
      %select_n3A_160 = arith.select %eq3A_157, %get3A_153, %broadcast_in_dim3A_159 : vector<16xi1>, vector<16xi32>
      %reduce_sum3A_161 = arith.constant true
      %reduce_sum3A_162 = vector.broadcast %reduce_sum3A_161 : i1 to vector<16xi1>
      %reduce_sum3A_163 = tpu.scan <sum>, %select_n3A_160 masked %reduce_sum3A_162 : vector<16xi32>, vector<16xi1> -> vector<16xi32>
      %reduce_sum3A_164 = vector.extract %reduce_sum3A_163[15] : i32 from vector<16xi32>
      %shift_right_arithmetic3A = arith.constant 7 : i32
      %shift_right_arithmetic3A_165 = arith.shrsi %reduce_sum3A_164, %shift_right_arithmetic3A : i32
      %lt3A = arith.constant 7812 : i32
      %lt3A_166 = arith.cmpi slt, %shift_right_arithmetic3A_165, %lt3A : i32
      %convert_element_type3A_167 = arith.extui %lt3A_166 : i1 to i32
      %cond3A_168 = arith.constant 0 : i32
      %cond3A_169 = arith.cmpi ne, %convert_element_type3A_167, %cond3A_168 : i32
      scf.if %cond3A_169 {
        %mul3A_174 = arith.constant 128 : i32
        %mul3A_175 = arith.muli %shift_right_arithmetic3A_165, %mul3A_174 : i32
        %multiple_of3A_176 = tpu.assume_multiple %mul3A_175, 128 : i32
        %dma_start3A = arith.constant 1 : i32
        %dma_start3A_177 = arith.constant 1 : i32
        %dma_start3A_178 = arith.constant 0 : i32
        %dma_start3A_179 = arith.constant 0 : i32
        %dma_start3A_180 = tpu.memref_slice %arg10[%dma_start3A, %dma_start3A_178, %dma_start3A_179] : memref<8x64x128xf32, #tpu.memory_space<vmem>> -> memref<1x64x128xf32, #tpu.memory_space<vmem>>
        %dma_start3A_181 = tpu.memref_squeeze %dma_start3A_180 : memref<1x64x128xf32, #tpu.memory_space<vmem>> -> memref<64x128xf32, #tpu.memory_space<vmem>>
        %dma_start3A_182 = arith.constant 0 : i32
        %dma_start3A_183 = tpu.memref_slice %arg4[%dma_start3A_182, %multiple_of3A_176] : memref<64x1000000xf32, #tpu.memory_space<hbm>> -> memref<64x128xf32, #tpu.memory_space<hbm>>
        %dma_start3A_184 = tpu.memref_slice %arg12[%dma_start3A_177] : memref<8x!tpu.dma_semaphore, #tpu.memory_space<semaphore_mem>> -> memref<1x!tpu.dma_semaphore, #tpu.memory_space<semaphore_mem>>
        %dma_start3A_185 = tpu.memref_squeeze %dma_start3A_184 : memref<1x!tpu.dma_semaphore, #tpu.memory_space<semaphore_mem>> -> memref<!tpu.dma_semaphore, #tpu.memory_space<semaphore_mem>>
        %dma_start3A_186 = arith.constant 0 : i32
        %dma_start3A_187 = arith.constant 0 : i32
        %dma_start3A_188 = tpu.memref_slice %arg10[%dma_start3A, %dma_start3A_186, %dma_start3A_187] : memref<8x64x128xf32, #tpu.memory_space<vmem>> -> memref<1x64x128xf32, #tpu.memory_space<vmem>>
        %dma_start3A_189 = tpu.memref_squeeze %dma_start3A_188 : memref<1x64x128xf32, #tpu.memory_space<vmem>> -> memref<64x128xf32, #tpu.memory_space<vmem>>
        %dma_start3A_190 = arith.constant 0 : i32
        %dma_start3A_191 = tpu.memref_slice %arg4[%dma_start3A_190, %multiple_of3A_176] : memref<64x1000000xf32, #tpu.memory_space<hbm>> -> memref<64x128xf32, #tpu.memory_space<hbm>>
        tpu.enqueue_dma source(%dma_start3A_191 : memref<64x128xf32, #tpu.memory_space<hbm>>) target(%dma_start3A_189 : memref<64x128xf32, #tpu.memory_space<vmem>>) target_semaphore(%dma_start3A_185 : memref<!tpu.dma_semaphore, #tpu.memory_space<semaphore_mem>>)
      } else {
      }
      %ge3A = arith.constant 7812 : i32
      %ge3A_170 = arith.cmpi sge, %shift_right_arithmetic3A_165, %ge3A : i32
      %convert_element_type3A_171 = arith.extui %ge3A_170 : i1 to i32
      %cond3A_172 = arith.constant 0 : i32
      %cond3A_173 = arith.cmpi ne, %convert_element_type3A_171, %cond3A_172 : i32
      scf.if %cond3A_173 {
        %dma_start3A = arith.constant 1 : i32
        %dma_start3A_174 = arith.constant 1 : i32
        %dma_start3A_175 = arith.constant 0 : i32
        %dma_start3A_176 = arith.constant 0 : i32
        %dma_start3A_177 = tpu.memref_slice %arg10[%dma_start3A, %dma_start3A_175, %dma_start3A_176] : memref<8x64x128xf32, #tpu.memory_space<vmem>> -> memref<1x64x128xf32, #tpu.memory_space<vmem>>
        %dma_start3A_178 = tpu.memref_squeeze %dma_start3A_177 : memref<1x64x128xf32, #tpu.memory_space<vmem>> -> memref<64x128xf32, #tpu.memory_space<vmem>>
        %dma_start3A_179 = tpu.memref_slice %arg12[%dma_start3A_174] : memref<8x!tpu.dma_semaphore, #tpu.memory_space<semaphore_mem>> -> memref<1x!tpu.dma_semaphore, #tpu.memory_space<semaphore_mem>>
        %dma_start3A_180 = tpu.memref_squeeze %dma_start3A_179 : memref<1x!tpu.dma_semaphore, #tpu.memory_space<semaphore_mem>> -> memref<!tpu.dma_semaphore, #tpu.memory_space<semaphore_mem>>
        %dma_start3A_181 = arith.constant 0 : i32
        %dma_start3A_182 = arith.constant 0 : i32
        %dma_start3A_183 = tpu.memref_slice %arg10[%dma_start3A, %dma_start3A_181, %dma_start3A_182] : memref<8x64x128xf32, #tpu.memory_space<vmem>> -> memref<1x64x128xf32, #tpu.memory_space<vmem>>
        %dma_start3A_184 = tpu.memref_squeeze %dma_start3A_183 : memref<1x64x128xf32, #tpu.memory_space<vmem>> -> memref<64x128xf32, #tpu.memory_space<vmem>>
        tpu.enqueue_dma source(%arg5 : memref<64x128xf32, #tpu.memory_space<hbm>>) target(%dma_start3A_184 : memref<64x128xf32, #tpu.memory_space<vmem>>) target_semaphore(%dma_start3A_180 : memref<!tpu.dma_semaphore, #tpu.memory_space<semaphore_mem>>)
      } else {
      }
    } else {
    }
    %gt3A_25 = arith.constant 2 : i32
    %gt3A_26 = arith.cmpi sgt, %scan3A_10#0, %gt3A_25 : i32
    %convert_element_type3A_27 = arith.extui %gt3A_26 : i1 to i32
    %cond3A_28 = arith.constant 0 : i32
    %cond3A_29 = arith.cmpi ne, %convert_element_type3A_27, %cond3A_28 : i32
    scf.if %cond3A_29 {
      %multiple_of3A = arith.constant 0 : i32
      %multiple_of3A_120 = tpu.assume_multiple %multiple_of3A, 8 : i32
      %get3A = arith.index_cast %multiple_of3A_120 : i32 to index
      %get3A_121 = tpu.vector_load %arg8[%get3A] {strides = array<i32>} : memref<528xi32, #tpu.memory_space<vmem>>, vector<16xi32>,
      %iota3A_122 = tpu.iota {dimensions = array<i32: 0>} : vector<16xi32>
      %sub3A = arith.constant 2 : i32
      %sub3A_123 = arith.subi %sub3A, %multiple_of3A_120 : i32
      %eq3A_124 = vector.broadcast %sub3A_123 : i32 to vector<16xi32>
      %eq3A_125 = arith.cmpi eq, %iota3A_122, %eq3A_124 : vector<16xi32>
      %jit3A = arith.constant 0 : i32
      %broadcast_in_dim3A_126 = vector.broadcast %jit3A : i32 to vector<16xi32>
      %select_n3A = arith.select %eq3A_125, %get3A_121, %broadcast_in_dim3A_126 : vector<16xi1>, vector<16xi32>
      %reduce_sum3A = arith.constant true
      %reduce_sum3A_127 = vector.broadcast %reduce_sum3A : i1 to vector<16xi1>
      %reduce_sum3A_128 = tpu.scan <sum>, %select_n3A masked %reduce_sum3A_127 : vector<16xi32>, vector<16xi1> -> vector<16xi32>
      %reduce_sum3A_129 = vector.extract %reduce_sum3A_128[15] : i32 from vector<16xi32>
      %jit3A_130 = arith.constant 16 : i32
      %div3A = arith.divsi %reduce_sum3A_129, %jit3A_130 : i32
      %sign3A = arith.constant 0 : i32
      %sign3A_131 = arith.cmpi sgt, %reduce_sum3A_129, %sign3A : i32
      %sign3A_132 = arith.extui %sign3A_131 : i1 to i32
      %sign3A_133 = arith.constant 0 : i32
      %sign3A_134 = arith.cmpi slt, %reduce_sum3A_129, %sign3A_133 : i32
      %sign3A_135 = arith.extui %sign3A_134 : i1 to i32
      %sign3A_136 = arith.subi %sign3A_132, %sign3A_135 : i32
      %sign3A_137 = arith.constant 0 : i32
      %sign3A_138 = arith.cmpi sgt, %jit3A_130, %sign3A_137 : i32
      %sign3A_139 = arith.extui %sign3A_138 : i1 to i32
      %sign3A_140 = arith.constant 0 : i32
      %sign3A_141 = arith.cmpi slt, %jit3A_130, %sign3A_140 : i32
      %sign3A_142 = arith.extui %sign3A_141 : i1 to i32
      %sign3A_143 = arith.subi %sign3A_139, %sign3A_142 : i32
      %ne3A = arith.cmpi ne, %sign3A_136, %sign3A_143 : i32
      %rem3A = arith.remsi %reduce_sum3A_129, %jit3A_130 : i32
      %ne3A_144 = arith.constant 0 : i32
      %ne3A_145 = arith.cmpi ne, %rem3A, %ne3A_144 : i32
      %and3A = arith.andi %ne3A, %ne3A_145 : i1
      %sub3A_146 = arith.constant 1 : i32
      %sub3A_147 = arith.subi %div3A, %sub3A_146 : i32
      %select_n3A_148 = arith.select %and3A, %sub3A_147, %div3A : i32
      %mul3A_149 = arith.constant 16 : i32
      %mul3A_150 = arith.muli %select_n3A_148, %mul3A_149 : i32
      %multiple_of3A_151 = tpu.assume_multiple %mul3A_150, 8 : i32
      %get3A_152 = arith.index_cast %multiple_of3A_151 : i32 to index
      %get3A_153 = tpu.vector_load %arg7[%get3A_152] {strides = array<i32>} : memref<512xi32, #tpu.memory_space<vmem>>, vector<16xi32>,
      %iota3A_154 = tpu.iota {dimensions = array<i32: 0>} : vector<16xi32>
      %sub3A_155 = arith.subi %reduce_sum3A_129, %multiple_of3A_151 : i32
      %eq3A_156 = vector.broadcast %sub3A_155 : i32 to vector<16xi32>
      %eq3A_157 = arith.cmpi eq, %iota3A_154, %eq3A_156 : vector<16xi32>
      %jit3A_158 = arith.constant 0 : i32
      %broadcast_in_dim3A_159 = vector.broadcast %jit3A_158 : i32 to vector<16xi32>
      %select_n3A_160 = arith.select %eq3A_157, %get3A_153, %broadcast_in_dim3A_159 : vector<16xi1>, vector<16xi32>
      %reduce_sum3A_161 = arith.constant true
      %reduce_sum3A_162 = vector.broadcast %reduce_sum3A_161 : i1 to vector<16xi1>
      %reduce_sum3A_163 = tpu.scan <sum>, %select_n3A_160 masked %reduce_sum3A_162 : vector<16xi32>, vector<16xi1> -> vector<16xi32>
      %reduce_sum3A_164 = vector.extract %reduce_sum3A_163[15] : i32 from vector<16xi32>
      %shift_right_arithmetic3A = arith.constant 7 : i32
      %shift_right_arithmetic3A_165 = arith.shrsi %reduce_sum3A_164, %shift_right_arithmetic3A : i32
      %lt3A = arith.constant 7812 : i32
      %lt3A_166 = arith.cmpi slt, %shift_right_arithmetic3A_165, %lt3A : i32
      %convert_element_type3A_167 = arith.extui %lt3A_166 : i1 to i32
      %cond3A_168 = arith.constant 0 : i32
      %cond3A_169 = arith.cmpi ne, %convert_element_type3A_167, %cond3A_168 : i32
      scf.if %cond3A_169 {
        %mul3A_174 = arith.constant 128 : i32
        %mul3A_175 = arith.muli %shift_right_arithmetic3A_165, %mul3A_174 : i32
        %multiple_of3A_176 = tpu.assume_multiple %mul3A_175, 128 : i32
        %dma_start3A = arith.constant 2 : i32
        %dma_start3A_177 = arith.constant 2 : i32
        %dma_start3A_178 = arith.constant 0 : i32
        %dma_start3A_179 = arith.constant 0 : i32
        %dma_start3A_180 = tpu.memref_slice %arg10[%dma_start3A, %dma_start3A_178, %dma_start3A_179] : memref<8x64x128xf32, #tpu.memory_space<vmem>> -> memref<1x64x128xf32, #tpu.memory_space<vmem>>
        %dma_start3A_181 = tpu.memref_squeeze %dma_start3A_180 : memref<1x64x128xf32, #tpu.memory_space<vmem>> -> memref<64x128xf32, #tpu.memory_space<vmem>>
        %dma_start3A_182 = arith.constant 0 : i32
        %dma_start3A_183 = tpu.memref_slice %arg4[%dma_start3A_182, %multiple_of3A_176] : memref<64x1000000xf32, #tpu.memory_space<hbm>> -> memref<64x128xf32, #tpu.memory_space<hbm>>
        %dma_start3A_184 = tpu.memref_slice %arg12[%dma_start3A_177] : memref<8x!tpu.dma_semaphore, #tpu.memory_space<semaphore_mem>> -> memref<1x!tpu.dma_semaphore, #tpu.memory_space<semaphore_mem>>
        %dma_start3A_185 = tpu.memref_squeeze %dma_start3A_184 : memref<1x!tpu.dma_semaphore, #tpu.memory_space<semaphore_mem>> -> memref<!tpu.dma_semaphore, #tpu.memory_space<semaphore_mem>>
        %dma_start3A_186 = arith.constant 0 : i32
        %dma_start3A_187 = arith.constant 0 : i32
        %dma_start3A_188 = tpu.memref_slice %arg10[%dma_start3A, %dma_start3A_186, %dma_start3A_187] : memref<8x64x128xf32, #tpu.memory_space<vmem>> -> memref<1x64x128xf32, #tpu.memory_space<vmem>>
        %dma_start3A_189 = tpu.memref_squeeze %dma_start3A_188 : memref<1x64x128xf32, #tpu.memory_space<vmem>> -> memref<64x128xf32, #tpu.memory_space<vmem>>
        %dma_start3A_190 = arith.constant 0 : i32
        %dma_start3A_191 = tpu.memref_slice %arg4[%dma_start3A_190, %multiple_of3A_176] : memref<64x1000000xf32, #tpu.memory_space<hbm>> -> memref<64x128xf32, #tpu.memory_space<hbm>>
        tpu.enqueue_dma source(%dma_start3A_191 : memref<64x128xf32, #tpu.memory_space<hbm>>) target(%dma_start3A_189 : memref<64x128xf32, #tpu.memory_space<vmem>>) target_semaphore(%dma_start3A_185 : memref<!tpu.dma_semaphore, #tpu.memory_space<semaphore_mem>>)
      } else {
      }
      %ge3A = arith.constant 7812 : i32
      %ge3A_170 = arith.cmpi sge, %shift_right_arithmetic3A_165, %ge3A : i32
      %convert_element_type3A_171 = arith.extui %ge3A_170 : i1 to i32
      %cond3A_172 = arith.constant 0 : i32
      %cond3A_173 = arith.cmpi ne, %convert_element_type3A_171, %cond3A_172 : i32
      scf.if %cond3A_173 {
        %dma_start3A = arith.constant 2 : i32
        %dma_start3A_174 = arith.constant 2 : i32
        %dma_start3A_175 = arith.constant 0 : i32
        %dma_start3A_176 = arith.constant 0 : i32
        %dma_start3A_177 = tpu.memref_slice %arg10[%dma_start3A, %dma_start3A_175, %dma_start3A_176] : memref<8x64x128xf32, #tpu.memory_space<vmem>> -> memref<1x64x128xf32, #tpu.memory_space<vmem>>
        %dma_start3A_178 = tpu.memref_squeeze %dma_start3A_177 : memref<1x64x128xf32, #tpu.memory_space<vmem>> -> memref<64x128xf32, #tpu.memory_space<vmem>>
        %dma_start3A_179 = tpu.memref_slice %arg12[%dma_start3A_174] : memref<8x!tpu.dma_semaphore, #tpu.memory_space<semaphore_mem>> -> memref<1x!tpu.dma_semaphore, #tpu.memory_space<semaphore_mem>>
        %dma_start3A_180 = tpu.memref_squeeze %dma_start3A_179 : memref<1x!tpu.dma_semaphore, #tpu.memory_space<semaphore_mem>> -> memref<!tpu.dma_semaphore, #tpu.memory_space<semaphore_mem>>
        %dma_start3A_181 = arith.constant 0 : i32
        %dma_start3A_182 = arith.constant 0 : i32
        %dma_start3A_183 = tpu.memref_slice %arg10[%dma_start3A, %dma_start3A_181, %dma_start3A_182] : memref<8x64x128xf32, #tpu.memory_space<vmem>> -> memref<1x64x128xf32, #tpu.memory_space<vmem>>
        %dma_start3A_184 = tpu.memref_squeeze %dma_start3A_183 : memref<1x64x128xf32, #tpu.memory_space<vmem>> -> memref<64x128xf32, #tpu.memory_space<vmem>>
        tpu.enqueue_dma source(%arg5 : memref<64x128xf32, #tpu.memory_space<hbm>>) target(%dma_start3A_184 : memref<64x128xf32, #tpu.memory_space<vmem>>) target_semaphore(%dma_start3A_180 : memref<!tpu.dma_semaphore, #tpu.memory_space<semaphore_mem>>)
      } else {
      }
    } else {
    }
    %gt3A_30 = arith.constant 3 : i32
    %gt3A_31 = arith.cmpi sgt, %scan3A_10#0, %gt3A_30 : i32
    %convert_element_type3A_32 = arith.extui %gt3A_31 : i1 to i32
    %cond3A_33 = arith.constant 0 : i32
    %cond3A_34 = arith.cmpi ne, %convert_element_type3A_32, %cond3A_33 : i32
    scf.if %cond3A_34 {
      %multiple_of3A = arith.constant 0 : i32
      %multiple_of3A_120 = tpu.assume_multiple %multiple_of3A, 8 : i32
      %get3A = arith.index_cast %multiple_of3A_120 : i32 to index
      %get3A_121 = tpu.vector_load %arg8[%get3A] {strides = array<i32>} : memref<528xi32, #tpu.memory_space<vmem>>, vector<16xi32>,
      %iota3A_122 = tpu.iota {dimensions = array<i32: 0>} : vector<16xi32>
      %sub3A = arith.constant 3 : i32
      %sub3A_123 = arith.subi %sub3A, %multiple_of3A_120 : i32
      %eq3A_124 = vector.broadcast %sub3A_123 : i32 to vector<16xi32>
      %eq3A_125 = arith.cmpi eq, %iota3A_122, %eq3A_124 : vector<16xi32>
      %jit3A = arith.constant 0 : i32
      %broadcast_in_dim3A_126 = vector.broadcast %jit3A : i32 to vector<16xi32>
      %select_n3A = arith.select %eq3A_125, %get3A_121, %broadcast_in_dim3A_126 : vector<16xi1>, vector<16xi32>
      %reduce_sum3A = arith.constant true
      %reduce_sum3A_127 = vector.broadcast %reduce_sum3A : i1 to vector<16xi1>
      %reduce_sum3A_128 = tpu.scan <sum>, %select_n3A masked %reduce_sum3A_127 : vector<16xi32>, vector<16xi1> -> vector<16xi32>
      %reduce_sum3A_129 = vector.extract %reduce_sum3A_128[15] : i32 from vector<16xi32>
      %jit3A_130 = arith.constant 16 : i32
      %div3A = arith.divsi %reduce_sum3A_129, %jit3A_130 : i32
      %sign3A = arith.constant 0 : i32
      %sign3A_131 = arith.cmpi sgt, %reduce_sum3A_129, %sign3A : i32
      %sign3A_132 = arith.extui %sign3A_131 : i1 to i32
      %sign3A_133 = arith.constant 0 : i32
      %sign3A_134 = arith.cmpi slt, %reduce_sum3A_129, %sign3A_133 : i32
      %sign3A_135 = arith.extui %sign3A_134 : i1 to i32
      %sign3A_136 = arith.subi %sign3A_132, %sign3A_135 : i32
      %sign3A_137 = arith.constant 0 : i32
      %sign3A_138 = arith.cmpi sgt, %jit3A_130, %sign3A_137 : i32
      %sign3A_139 = arith.extui %sign3A_138 : i1 to i32
      %sign3A_140 = arith.constant 0 : i32
      %sign3A_141 = arith.cmpi slt, %jit3A_130, %sign3A_140 : i32
      %sign3A_142 = arith.extui %sign3A_141 : i1 to i32
      %sign3A_143 = arith.subi %sign3A_139, %sign3A_142 : i32
      %ne3A = arith.cmpi ne, %sign3A_136, %sign3A_143 : i32
      %rem3A = arith.remsi %reduce_sum3A_129, %jit3A_130 : i32
      %ne3A_144 = arith.constant 0 : i32
      %ne3A_145 = arith.cmpi ne, %rem3A, %ne3A_144 : i32
      %and3A = arith.andi %ne3A, %ne3A_145 : i1
      %sub3A_146 = arith.constant 1 : i32
      %sub3A_147 = arith.subi %div3A, %sub3A_146 : i32
      %select_n3A_148 = arith.select %and3A, %sub3A_147, %div3A : i32
      %mul3A_149 = arith.constant 16 : i32
      %mul3A_150 = arith.muli %select_n3A_148, %mul3A_149 : i32
      %multiple_of3A_151 = tpu.assume_multiple %mul3A_150, 8 : i32
      %get3A_152 = arith.index_cast %multiple_of3A_151 : i32 to index
      %get3A_153 = tpu.vector_load %arg7[%get3A_152] {strides = array<i32>} : memref<512xi32, #tpu.memory_space<vmem>>, vector<16xi32>,
      %iota3A_154 = tpu.iota {dimensions = array<i32: 0>} : vector<16xi32>
      %sub3A_155 = arith.subi %reduce_sum3A_129, %multiple_of3A_151 : i32
      %eq3A_156 = vector.broadcast %sub3A_155 : i32 to vector<16xi32>
      %eq3A_157 = arith.cmpi eq, %iota3A_154, %eq3A_156 : vector<16xi32>
      %jit3A_158 = arith.constant 0 : i32
      %broadcast_in_dim3A_159 = vector.broadcast %jit3A_158 : i32 to vector<16xi32>
      %select_n3A_160 = arith.select %eq3A_157, %get3A_153, %broadcast_in_dim3A_159 : vector<16xi1>, vector<16xi32>
      %reduce_sum3A_161 = arith.constant true
      %reduce_sum3A_162 = vector.broadcast %reduce_sum3A_161 : i1 to vector<16xi1>
      %reduce_sum3A_163 = tpu.scan <sum>, %select_n3A_160 masked %reduce_sum3A_162 : vector<16xi32>, vector<16xi1> -> vector<16xi32>
      %reduce_sum3A_164 = vector.extract %reduce_sum3A_163[15] : i32 from vector<16xi32>
      %shift_right_arithmetic3A = arith.constant 7 : i32
      %shift_right_arithmetic3A_165 = arith.shrsi %reduce_sum3A_164, %shift_right_arithmetic3A : i32
      %lt3A = arith.constant 7812 : i32
      %lt3A_166 = arith.cmpi slt, %shift_right_arithmetic3A_165, %lt3A : i32
      %convert_element_type3A_167 = arith.extui %lt3A_166 : i1 to i32
      %cond3A_168 = arith.constant 0 : i32
      %cond3A_169 = arith.cmpi ne, %convert_element_type3A_167, %cond3A_168 : i32
      scf.if %cond3A_169 {
        %mul3A_174 = arith.constant 128 : i32
        %mul3A_175 = arith.muli %shift_right_arithmetic3A_165, %mul3A_174 : i32
        %multiple_of3A_176 = tpu.assume_multiple %mul3A_175, 128 : i32
        %dma_start3A = arith.constant 3 : i32
        %dma_start3A_177 = arith.constant 3 : i32
        %dma_start3A_178 = arith.constant 0 : i32
        %dma_start3A_179 = arith.constant 0 : i32
        %dma_start3A_180 = tpu.memref_slice %arg10[%dma_start3A, %dma_start3A_178, %dma_start3A_179] : memref<8x64x128xf32, #tpu.memory_space<vmem>> -> memref<1x64x128xf32, #tpu.memory_space<vmem>>
        %dma_start3A_181 = tpu.memref_squeeze %dma_start3A_180 : memref<1x64x128xf32, #tpu.memory_space<vmem>> -> memref<64x128xf32, #tpu.memory_space<vmem>>
        %dma_start3A_182 = arith.constant 0 : i32
        %dma_start3A_183 = tpu.memref_slice %arg4[%dma_start3A_182, %multiple_of3A_176] : memref<64x1000000xf32, #tpu.memory_space<hbm>> -> memref<64x128xf32, #tpu.memory_space<hbm>>
        %dma_start3A_184 = tpu.memref_slice %arg12[%dma_start3A_177] : memref<8x!tpu.dma_semaphore, #tpu.memory_space<semaphore_mem>> -> memref<1x!tpu.dma_semaphore, #tpu.memory_space<semaphore_mem>>
        %dma_start3A_185 = tpu.memref_squeeze %dma_start3A_184 : memref<1x!tpu.dma_semaphore, #tpu.memory_space<semaphore_mem>> -> memref<!tpu.dma_semaphore, #tpu.memory_space<semaphore_mem>>
        %dma_start3A_186 = arith.constant 0 : i32
        %dma_start3A_187 = arith.constant 0 : i32
        %dma_start3A_188 = tpu.memref_slice %arg10[%dma_start3A, %dma_start3A_186, %dma_start3A_187] : memref<8x64x128xf32, #tpu.memory_space<vmem>> -> memref<1x64x128xf32, #tpu.memory_space<vmem>>
        %dma_start3A_189 = tpu.memref_squeeze %dma_start3A_188 : memref<1x64x128xf32, #tpu.memory_space<vmem>> -> memref<64x128xf32, #tpu.memory_space<vmem>>
        %dma_start3A_190 = arith.constant 0 : i32
        %dma_start3A_191 = tpu.memref_slice %arg4[%dma_start3A_190, %multiple_of3A_176] : memref<64x1000000xf32, #tpu.memory_space<hbm>> -> memref<64x128xf32, #tpu.memory_space<hbm>>
        tpu.enqueue_dma source(%dma_start3A_191 : memref<64x128xf32, #tpu.memory_space<hbm>>) target(%dma_start3A_189 : memref<64x128xf32, #tpu.memory_space<vmem>>) target_semaphore(%dma_start3A_185 : memref<!tpu.dma_semaphore, #tpu.memory_space<semaphore_mem>>)
      } else {
      }
      %ge3A = arith.constant 7812 : i32
      %ge3A_170 = arith.cmpi sge, %shift_right_arithmetic3A_165, %ge3A : i32
      %convert_element_type3A_171 = arith.extui %ge3A_170 : i1 to i32
      %cond3A_172 = arith.constant 0 : i32
      %cond3A_173 = arith.cmpi ne, %convert_element_type3A_171, %cond3A_172 : i32
      scf.if %cond3A_173 {
        %dma_start3A = arith.constant 3 : i32
        %dma_start3A_174 = arith.constant 3 : i32
        %dma_start3A_175 = arith.constant 0 : i32
        %dma_start3A_176 = arith.constant 0 : i32
        %dma_start3A_177 = tpu.memref_slice %arg10[%dma_start3A, %dma_start3A_175, %dma_start3A_176] : memref<8x64x128xf32, #tpu.memory_space<vmem>> -> memref<1x64x128xf32, #tpu.memory_space<vmem>>
        %dma_start3A_178 = tpu.memref_squeeze %dma_start3A_177 : memref<1x64x128xf32, #tpu.memory_space<vmem>> -> memref<64x128xf32, #tpu.memory_space<vmem>>
        %dma_start3A_179 = tpu.memref_slice %arg12[%dma_start3A_174] : memref<8x!tpu.dma_semaphore, #tpu.memory_space<semaphore_mem>> -> memref<1x!tpu.dma_semaphore, #tpu.memory_space<semaphore_mem>>
        %dma_start3A_180 = tpu.memref_squeeze %dma_start3A_179 : memref<1x!tpu.dma_semaphore, #tpu.memory_space<semaphore_mem>> -> memref<!tpu.dma_semaphore, #tpu.memory_space<semaphore_mem>>
        %dma_start3A_181 = arith.constant 0 : i32
        %dma_start3A_182 = arith.constant 0 : i32
        %dma_start3A_183 = tpu.memref_slice %arg10[%dma_start3A, %dma_start3A_181, %dma_start3A_182] : memref<8x64x128xf32, #tpu.memory_space<vmem>> -> memref<1x64x128xf32, #tpu.memory_space<vmem>>
        %dma_start3A_184 = tpu.memref_squeeze %dma_start3A_183 : memref<1x64x128xf32, #tpu.memory_space<vmem>> -> memref<64x128xf32, #tpu.memory_space<vmem>>
        tpu.enqueue_dma source(%arg5 : memref<64x128xf32, #tpu.memory_space<hbm>>) target(%dma_start3A_184 : memref<64x128xf32, #tpu.memory_space<vmem>>) target_semaphore(%dma_start3A_180 : memref<!tpu.dma_semaphore, #tpu.memory_space<semaphore_mem>>)
      } else {
      }
    } else {
    }
    %gt3A_35 = arith.constant 4 : i32
    %gt3A_36 = arith.cmpi sgt, %scan3A_10#0, %gt3A_35 : i32
    %convert_element_type3A_37 = arith.extui %gt3A_36 : i1 to i32
    %cond3A_38 = arith.constant 0 : i32
    %cond3A_39 = arith.cmpi ne, %convert_element_type3A_37, %cond3A_38 : i32
    scf.if %cond3A_39 {
      %multiple_of3A = arith.constant 0 : i32
      %multiple_of3A_120 = tpu.assume_multiple %multiple_of3A, 8 : i32
      %get3A = arith.index_cast %multiple_of3A_120 : i32 to index
      %get3A_121 = tpu.vector_load %arg8[%get3A] {strides = array<i32>} : memref<528xi32, #tpu.memory_space<vmem>>, vector<16xi32>,
      %iota3A_122 = tpu.iota {dimensions = array<i32: 0>} : vector<16xi32>
      %sub3A = arith.constant 4 : i32
      %sub3A_123 = arith.subi %sub3A, %multiple_of3A_120 : i32
      %eq3A_124 = vector.broadcast %sub3A_123 : i32 to vector<16xi32>
      %eq3A_125 = arith.cmpi eq, %iota3A_122, %eq3A_124 : vector<16xi32>
      %jit3A = arith.constant 0 : i32
      %broadcast_in_dim3A_126 = vector.broadcast %jit3A : i32 to vector<16xi32>
      %select_n3A = arith.select %eq3A_125, %get3A_121, %broadcast_in_dim3A_126 : vector<16xi1>, vector<16xi32>
      %reduce_sum3A = arith.constant true
      %reduce_sum3A_127 = vector.broadcast %reduce_sum3A : i1 to vector<16xi1>
      %reduce_sum3A_128 = tpu.scan <sum>, %select_n3A masked %reduce_sum3A_127 : vector<16xi32>, vector<16xi1> -> vector<16xi32>
      %reduce_sum3A_129 = vector.extract %reduce_sum3A_128[15] : i32 from vector<16xi32>
      %jit3A_130 = arith.constant 16 : i32
      %div3A = arith.divsi %reduce_sum3A_129, %jit3A_130 : i32
      %sign3A = arith.constant 0 : i32
      %sign3A_131 = arith.cmpi sgt, %reduce_sum3A_129, %sign3A : i32
      %sign3A_132 = arith.extui %sign3A_131 : i1 to i32
      %sign3A_133 = arith.constant 0 : i32
      %sign3A_134 = arith.cmpi slt, %reduce_sum3A_129, %sign3A_133 : i32
      %sign3A_135 = arith.extui %sign3A_134 : i1 to i32
      %sign3A_136 = arith.subi %sign3A_132, %sign3A_135 : i32
      %sign3A_137 = arith.constant 0 : i32
      %sign3A_138 = arith.cmpi sgt, %jit3A_130, %sign3A_137 : i32
      %sign3A_139 = arith.extui %sign3A_138 : i1 to i32
      %sign3A_140 = arith.constant 0 : i32
      %sign3A_141 = arith.cmpi slt, %jit3A_130, %sign3A_140 : i32
      %sign3A_142 = arith.extui %sign3A_141 : i1 to i32
      %sign3A_143 = arith.subi %sign3A_139, %sign3A_142 : i32
      %ne3A = arith.cmpi ne, %sign3A_136, %sign3A_143 : i32
      %rem3A = arith.remsi %reduce_sum3A_129, %jit3A_130 : i32
      %ne3A_144 = arith.constant 0 : i32
      %ne3A_145 = arith.cmpi ne, %rem3A, %ne3A_144 : i32
      %and3A = arith.andi %ne3A, %ne3A_145 : i1
      %sub3A_146 = arith.constant 1 : i32
      %sub3A_147 = arith.subi %div3A, %sub3A_146 : i32
      %select_n3A_148 = arith.select %and3A, %sub3A_147, %div3A : i32
      %mul3A_149 = arith.constant 16 : i32
      %mul3A_150 = arith.muli %select_n3A_148, %mul3A_149 : i32
      %multiple_of3A_151 = tpu.assume_multiple %mul3A_150, 8 : i32
      %get3A_152 = arith.index_cast %multiple_of3A_151 : i32 to index
      %get3A_153 = tpu.vector_load %arg7[%get3A_152] {strides = array<i32>} : memref<512xi32, #tpu.memory_space<vmem>>, vector<16xi32>,
      %iota3A_154 = tpu.iota {dimensions = array<i32: 0>} : vector<16xi32>
      %sub3A_155 = arith.subi %reduce_sum3A_129, %multiple_of3A_151 : i32
      %eq3A_156 = vector.broadcast %sub3A_155 : i32 to vector<16xi32>
      %eq3A_157 = arith.cmpi eq, %iota3A_154, %eq3A_156 : vector<16xi32>
      %jit3A_158 = arith.constant 0 : i32
      %broadcast_in_dim3A_159 = vector.broadcast %jit3A_158 : i32 to vector<16xi32>
      %select_n3A_160 = arith.select %eq3A_157, %get3A_153, %broadcast_in_dim3A_159 : vector<16xi1>, vector<16xi32>
      %reduce_sum3A_161 = arith.constant true
      %reduce_sum3A_162 = vector.broadcast %reduce_sum3A_161 : i1 to vector<16xi1>
      %reduce_sum3A_163 = tpu.scan <sum>, %select_n3A_160 masked %reduce_sum3A_162 : vector<16xi32>, vector<16xi1> -> vector<16xi32>
      %reduce_sum3A_164 = vector.extract %reduce_sum3A_163[15] : i32 from vector<16xi32>
      %shift_right_arithmetic3A = arith.constant 7 : i32
      %shift_right_arithmetic3A_165 = arith.shrsi %reduce_sum3A_164, %shift_right_arithmetic3A : i32
      %lt3A = arith.constant 7812 : i32
      %lt3A_166 = arith.cmpi slt, %shift_right_arithmetic3A_165, %lt3A : i32
      %convert_element_type3A_167 = arith.extui %lt3A_166 : i1 to i32
      %cond3A_168 = arith.constant 0 : i32
      %cond3A_169 = arith.cmpi ne, %convert_element_type3A_167, %cond3A_168 : i32
      scf.if %cond3A_169 {
        %mul3A_174 = arith.constant 128 : i32
        %mul3A_175 = arith.muli %shift_right_arithmetic3A_165, %mul3A_174 : i32
        %multiple_of3A_176 = tpu.assume_multiple %mul3A_175, 128 : i32
        %dma_start3A = arith.constant 4 : i32
        %dma_start3A_177 = arith.constant 4 : i32
        %dma_start3A_178 = arith.constant 0 : i32
        %dma_start3A_179 = arith.constant 0 : i32
        %dma_start3A_180 = tpu.memref_slice %arg10[%dma_start3A, %dma_start3A_178, %dma_start3A_179] : memref<8x64x128xf32, #tpu.memory_space<vmem>> -> memref<1x64x128xf32, #tpu.memory_space<vmem>>
        %dma_start3A_181 = tpu.memref_squeeze %dma_start3A_180 : memref<1x64x128xf32, #tpu.memory_space<vmem>> -> memref<64x128xf32, #tpu.memory_space<vmem>>
        %dma_start3A_182 = arith.constant 0 : i32
        %dma_start3A_183 = tpu.memref_slice %arg4[%dma_start3A_182, %multiple_of3A_176] : memref<64x1000000xf32, #tpu.memory_space<hbm>> -> memref<64x128xf32, #tpu.memory_space<hbm>>
        %dma_start3A_184 = tpu.memref_slice %arg12[%dma_start3A_177] : memref<8x!tpu.dma_semaphore, #tpu.memory_space<semaphore_mem>> -> memref<1x!tpu.dma_semaphore, #tpu.memory_space<semaphore_mem>>
        %dma_start3A_185 = tpu.memref_squeeze %dma_start3A_184 : memref<1x!tpu.dma_semaphore, #tpu.memory_space<semaphore_mem>> -> memref<!tpu.dma_semaphore, #tpu.memory_space<semaphore_mem>>
        %dma_start3A_186 = arith.constant 0 : i32
        %dma_start3A_187 = arith.constant 0 : i32
        %dma_start3A_188 = tpu.memref_slice %arg10[%dma_start3A, %dma_start3A_186, %dma_start3A_187] : memref<8x64x128xf32, #tpu.memory_space<vmem>> -> memref<1x64x128xf32, #tpu.memory_space<vmem>>
        %dma_start3A_189 = tpu.memref_squeeze %dma_start3A_188 : memref<1x64x128xf32, #tpu.memory_space<vmem>> -> memref<64x128xf32, #tpu.memory_space<vmem>>
        %dma_start3A_190 = arith.constant 0 : i32
        %dma_start3A_191 = tpu.memref_slice %arg4[%dma_start3A_190, %multiple_of3A_176] : memref<64x1000000xf32, #tpu.memory_space<hbm>> -> memref<64x128xf32, #tpu.memory_space<hbm>>
        tpu.enqueue_dma source(%dma_start3A_191 : memref<64x128xf32, #tpu.memory_space<hbm>>) target(%dma_start3A_189 : memref<64x128xf32, #tpu.memory_space<vmem>>) target_semaphore(%dma_start3A_185 : memref<!tpu.dma_semaphore, #tpu.memory_space<semaphore_mem>>)
      } else {
      }
      %ge3A = arith.constant 7812 : i32
      %ge3A_170 = arith.cmpi sge, %shift_right_arithmetic3A_165, %ge3A : i32
      %convert_element_type3A_171 = arith.extui %ge3A_170 : i1 to i32
      %cond3A_172 = arith.constant 0 : i32
      %cond3A_173 = arith.cmpi ne, %convert_element_type3A_171, %cond3A_172 : i32
      scf.if %cond3A_173 {
        %dma_start3A = arith.constant 4 : i32
        %dma_start3A_174 = arith.constant 4 : i32
        %dma_start3A_175 = arith.constant 0 : i32
        %dma_start3A_176 = arith.constant 0 : i32
        %dma_start3A_177 = tpu.memref_slice %arg10[%dma_start3A, %dma_start3A_175, %dma_start3A_176] : memref<8x64x128xf32, #tpu.memory_space<vmem>> -> memref<1x64x128xf32, #tpu.memory_space<vmem>>
        %dma_start3A_178 = tpu.memref_squeeze %dma_start3A_177 : memref<1x64x128xf32, #tpu.memory_space<vmem>> -> memref<64x128xf32, #tpu.memory_space<vmem>>
        %dma_start3A_179 = tpu.memref_slice %arg12[%dma_start3A_174] : memref<8x!tpu.dma_semaphore, #tpu.memory_space<semaphore_mem>> -> memref<1x!tpu.dma_semaphore, #tpu.memory_space<semaphore_mem>>
        %dma_start3A_180 = tpu.memref_squeeze %dma_start3A_179 : memref<1x!tpu.dma_semaphore, #tpu.memory_space<semaphore_mem>> -> memref<!tpu.dma_semaphore, #tpu.memory_space<semaphore_mem>>
        %dma_start3A_181 = arith.constant 0 : i32
        %dma_start3A_182 = arith.constant 0 : i32
        %dma_start3A_183 = tpu.memref_slice %arg10[%dma_start3A, %dma_start3A_181, %dma_start3A_182] : memref<8x64x128xf32, #tpu.memory_space<vmem>> -> memref<1x64x128xf32, #tpu.memory_space<vmem>>
        %dma_start3A_184 = tpu.memref_squeeze %dma_start3A_183 : memref<1x64x128xf32, #tpu.memory_space<vmem>> -> memref<64x128xf32, #tpu.memory_space<vmem>>
        tpu.enqueue_dma source(%arg5 : memref<64x128xf32, #tpu.memory_space<hbm>>) target(%dma_start3A_184 : memref<64x128xf32, #tpu.memory_space<vmem>>) target_semaphore(%dma_start3A_180 : memref<!tpu.dma_semaphore, #tpu.memory_space<semaphore_mem>>)
      } else {
      }
    } else {
    }
    %gt3A_40 = arith.constant 5 : i32
    %gt3A_41 = arith.cmpi sgt, %scan3A_10#0, %gt3A_40 : i32
    %convert_element_type3A_42 = arith.extui %gt3A_41 : i1 to i32
    %cond3A_43 = arith.constant 0 : i32
    %cond3A_44 = arith.cmpi ne, %convert_element_type3A_42, %cond3A_43 : i32
    scf.if %cond3A_44 {
      %multiple_of3A = arith.constant 0 : i32
      %multiple_of3A_120 = tpu.assume_multiple %multiple_of3A, 8 : i32
      %get3A = arith.index_cast %multiple_of3A_120 : i32 to index
      %get3A_121 = tpu.vector_load %arg8[%get3A] {strides = array<i32>} : memref<528xi32, #tpu.memory_space<vmem>>, vector<16xi32>,
      %iota3A_122 = tpu.iota {dimensions = array<i32: 0>} : vector<16xi32>
      %sub3A = arith.constant 5 : i32
      %sub3A_123 = arith.subi %sub3A, %multiple_of3A_120 : i32
      %eq3A_124 = vector.broadcast %sub3A_123 : i32 to vector<16xi32>
      %eq3A_125 = arith.cmpi eq, %iota3A_122, %eq3A_124 : vector<16xi32>
      %jit3A = arith.constant 0 : i32
      %broadcast_in_dim3A_126 = vector.broadcast %jit3A : i32 to vector<16xi32>
      %select_n3A = arith.select %eq3A_125, %get3A_121, %broadcast_in_dim3A_126 : vector<16xi1>, vector<16xi32>
      %reduce_sum3A = arith.constant true
      %reduce_sum3A_127 = vector.broadcast %reduce_sum3A : i1 to vector<16xi1>
      %reduce_sum3A_128 = tpu.scan <sum>, %select_n3A masked %reduce_sum3A_127 : vector<16xi32>, vector<16xi1> -> vector<16xi32>
      %reduce_sum3A_129 = vector.extract %reduce_sum3A_128[15] : i32 from vector<16xi32>
      %jit3A_130 = arith.constant 16 : i32
      %div3A = arith.divsi %reduce_sum3A_129, %jit3A_130 : i32
      %sign3A = arith.constant 0 : i32
      %sign3A_131 = arith.cmpi sgt, %reduce_sum3A_129, %sign3A : i32
      %sign3A_132 = arith.extui %sign3A_131 : i1 to i32
      %sign3A_133 = arith.constant 0 : i32
      %sign3A_134 = arith.cmpi slt, %reduce_sum3A_129, %sign3A_133 : i32
      %sign3A_135 = arith.extui %sign3A_134 : i1 to i32
      %sign3A_136 = arith.subi %sign3A_132, %sign3A_135 : i32
      %sign3A_137 = arith.constant 0 : i32
      %sign3A_138 = arith.cmpi sgt, %jit3A_130, %sign3A_137 : i32
      %sign3A_139 = arith.extui %sign3A_138 : i1 to i32
      %sign3A_140 = arith.constant 0 : i32
      %sign3A_141 = arith.cmpi slt, %jit3A_130, %sign3A_140 : i32
      %sign3A_142 = arith.extui %sign3A_141 : i1 to i32
      %sign3A_143 = arith.subi %sign3A_139, %sign3A_142 : i32
      %ne3A = arith.cmpi ne, %sign3A_136, %sign3A_143 : i32
      %rem3A = arith.remsi %reduce_sum3A_129, %jit3A_130 : i32
      %ne3A_144 = arith.constant 0 : i32
      %ne3A_145 = arith.cmpi ne, %rem3A, %ne3A_144 : i32
      %and3A = arith.andi %ne3A, %ne3A_145 : i1
      %sub3A_146 = arith.constant 1 : i32
      %sub3A_147 = arith.subi %div3A, %sub3A_146 : i32
      %select_n3A_148 = arith.select %and3A, %sub3A_147, %div3A : i32
      %mul3A_149 = arith.constant 16 : i32
      %mul3A_150 = arith.muli %select_n3A_148, %mul3A_149 : i32
      %multiple_of3A_151 = tpu.assume_multiple %mul3A_150, 8 : i32
      %get3A_152 = arith.index_cast %multiple_of3A_151 : i32 to index
      %get3A_153 = tpu.vector_load %arg7[%get3A_152] {strides = array<i32>} : memref<512xi32, #tpu.memory_space<vmem>>, vector<16xi32>,
      %iota3A_154 = tpu.iota {dimensions = array<i32: 0>} : vector<16xi32>
      %sub3A_155 = arith.subi %reduce_sum3A_129, %multiple_of3A_151 : i32
      %eq3A_156 = vector.broadcast %sub3A_155 : i32 to vector<16xi32>
      %eq3A_157 = arith.cmpi eq, %iota3A_154, %eq3A_156 : vector<16xi32>
      %jit3A_158 = arith.constant 0 : i32
      %broadcast_in_dim3A_159 = vector.broadcast %jit3A_158 : i32 to vector<16xi32>
      %select_n3A_160 = arith.select %eq3A_157, %get3A_153, %broadcast_in_dim3A_159 : vector<16xi1>, vector<16xi32>
      %reduce_sum3A_161 = arith.constant true
      %reduce_sum3A_162 = vector.broadcast %reduce_sum3A_161 : i1 to vector<16xi1>
      %reduce_sum3A_163 = tpu.scan <sum>, %select_n3A_160 masked %reduce_sum3A_162 : vector<16xi32>, vector<16xi1> -> vector<16xi32>
      %reduce_sum3A_164 = vector.extract %reduce_sum3A_163[15] : i32 from vector<16xi32>
      %shift_right_arithmetic3A = arith.constant 7 : i32
      %shift_right_arithmetic3A_165 = arith.shrsi %reduce_sum3A_164, %shift_right_arithmetic3A : i32
      %lt3A = arith.constant 7812 : i32
      %lt3A_166 = arith.cmpi slt, %shift_right_arithmetic3A_165, %lt3A : i32
      %convert_element_type3A_167 = arith.extui %lt3A_166 : i1 to i32
      %cond3A_168 = arith.constant 0 : i32
      %cond3A_169 = arith.cmpi ne, %convert_element_type3A_167, %cond3A_168 : i32
      scf.if %cond3A_169 {
        %mul3A_174 = arith.constant 128 : i32
        %mul3A_175 = arith.muli %shift_right_arithmetic3A_165, %mul3A_174 : i32
        %multiple_of3A_176 = tpu.assume_multiple %mul3A_175, 128 : i32
        %dma_start3A = arith.constant 5 : i32
        %dma_start3A_177 = arith.constant 5 : i32
        %dma_start3A_178 = arith.constant 0 : i32
        %dma_start3A_179 = arith.constant 0 : i32
        %dma_start3A_180 = tpu.memref_slice %arg10[%dma_start3A, %dma_start3A_178, %dma_start3A_179] : memref<8x64x128xf32, #tpu.memory_space<vmem>> -> memref<1x64x128xf32, #tpu.memory_space<vmem>>
        %dma_start3A_181 = tpu.memref_squeeze %dma_start3A_180 : memref<1x64x128xf32, #tpu.memory_space<vmem>> -> memref<64x128xf32, #tpu.memory_space<vmem>>
        %dma_start3A_182 = arith.constant 0 : i32
        %dma_start3A_183 = tpu.memref_slice %arg4[%dma_start3A_182, %multiple_of3A_176] : memref<64x1000000xf32, #tpu.memory_space<hbm>> -> memref<64x128xf32, #tpu.memory_space<hbm>>
        %dma_start3A_184 = tpu.memref_slice %arg12[%dma_start3A_177] : memref<8x!tpu.dma_semaphore, #tpu.memory_space<semaphore_mem>> -> memref<1x!tpu.dma_semaphore, #tpu.memory_space<semaphore_mem>>
        %dma_start3A_185 = tpu.memref_squeeze %dma_start3A_184 : memref<1x!tpu.dma_semaphore, #tpu.memory_space<semaphore_mem>> -> memref<!tpu.dma_semaphore, #tpu.memory_space<semaphore_mem>>
        %dma_start3A_186 = arith.constant 0 : i32
        %dma_start3A_187 = arith.constant 0 : i32
        %dma_start3A_188 = tpu.memref_slice %arg10[%dma_start3A, %dma_start3A_186, %dma_start3A_187] : memref<8x64x128xf32, #tpu.memory_space<vmem>> -> memref<1x64x128xf32, #tpu.memory_space<vmem>>
        %dma_start3A_189 = tpu.memref_squeeze %dma_start3A_188 : memref<1x64x128xf32, #tpu.memory_space<vmem>> -> memref<64x128xf32, #tpu.memory_space<vmem>>
        %dma_start3A_190 = arith.constant 0 : i32
        %dma_start3A_191 = tpu.memref_slice %arg4[%dma_start3A_190, %multiple_of3A_176] : memref<64x1000000xf32, #tpu.memory_space<hbm>> -> memref<64x128xf32, #tpu.memory_space<hbm>>
        tpu.enqueue_dma source(%dma_start3A_191 : memref<64x128xf32, #tpu.memory_space<hbm>>) target(%dma_start3A_189 : memref<64x128xf32, #tpu.memory_space<vmem>>) target_semaphore(%dma_start3A_185 : memref<!tpu.dma_semaphore, #tpu.memory_space<semaphore_mem>>)
      } else {
      }
      %ge3A = arith.constant 7812 : i32
      %ge3A_170 = arith.cmpi sge, %shift_right_arithmetic3A_165, %ge3A : i32
      %convert_element_type3A_171 = arith.extui %ge3A_170 : i1 to i32
      %cond3A_172 = arith.constant 0 : i32
      %cond3A_173 = arith.cmpi ne, %convert_element_type3A_171, %cond3A_172 : i32
      scf.if %cond3A_173 {
        %dma_start3A = arith.constant 5 : i32
        %dma_start3A_174 = arith.constant 5 : i32
        %dma_start3A_175 = arith.constant 0 : i32
        %dma_start3A_176 = arith.constant 0 : i32
        %dma_start3A_177 = tpu.memref_slice %arg10[%dma_start3A, %dma_start3A_175, %dma_start3A_176] : memref<8x64x128xf32, #tpu.memory_space<vmem>> -> memref<1x64x128xf32, #tpu.memory_space<vmem>>
        %dma_start3A_178 = tpu.memref_squeeze %dma_start3A_177 : memref<1x64x128xf32, #tpu.memory_space<vmem>> -> memref<64x128xf32, #tpu.memory_space<vmem>>
        %dma_start3A_179 = tpu.memref_slice %arg12[%dma_start3A_174] : memref<8x!tpu.dma_semaphore, #tpu.memory_space<semaphore_mem>> -> memref<1x!tpu.dma_semaphore, #tpu.memory_space<semaphore_mem>>
        %dma_start3A_180 = tpu.memref_squeeze %dma_start3A_179 : memref<1x!tpu.dma_semaphore, #tpu.memory_space<semaphore_mem>> -> memref<!tpu.dma_semaphore, #tpu.memory_space<semaphore_mem>>
        %dma_start3A_181 = arith.constant 0 : i32
        %dma_start3A_182 = arith.constant 0 : i32
        %dma_start3A_183 = tpu.memref_slice %arg10[%dma_start3A, %dma_start3A_181, %dma_start3A_182] : memref<8x64x128xf32, #tpu.memory_space<vmem>> -> memref<1x64x128xf32, #tpu.memory_space<vmem>>
        %dma_start3A_184 = tpu.memref_squeeze %dma_start3A_183 : memref<1x64x128xf32, #tpu.memory_space<vmem>> -> memref<64x128xf32, #tpu.memory_space<vmem>>
        tpu.enqueue_dma source(%arg5 : memref<64x128xf32, #tpu.memory_space<hbm>>) target(%dma_start3A_184 : memref<64x128xf32, #tpu.memory_space<vmem>>) target_semaphore(%dma_start3A_180 : memref<!tpu.dma_semaphore, #tpu.memory_space<semaphore_mem>>)
      } else {
      }
    } else {
    }
    %gt3A_45 = arith.constant 6 : i32
    %gt3A_46 = arith.cmpi sgt, %scan3A_10#0, %gt3A_45 : i32
    %convert_element_type3A_47 = arith.extui %gt3A_46 : i1 to i32
    %cond3A_48 = arith.constant 0 : i32
    %cond3A_49 = arith.cmpi ne, %convert_element_type3A_47, %cond3A_48 : i32
    scf.if %cond3A_49 {
      %multiple_of3A = arith.constant 0 : i32
      %multiple_of3A_120 = tpu.assume_multiple %multiple_of3A, 8 : i32
      %get3A = arith.index_cast %multiple_of3A_120 : i32 to index
      %get3A_121 = tpu.vector_load %arg8[%get3A] {strides = array<i32>} : memref<528xi32, #tpu.memory_space<vmem>>, vector<16xi32>,
      %iota3A_122 = tpu.iota {dimensions = array<i32: 0>} : vector<16xi32>
      %sub3A = arith.constant 6 : i32
      %sub3A_123 = arith.subi %sub3A, %multiple_of3A_120 : i32
      %eq3A_124 = vector.broadcast %sub3A_123 : i32 to vector<16xi32>
      %eq3A_125 = arith.cmpi eq, %iota3A_122, %eq3A_124 : vector<16xi32>
      %jit3A = arith.constant 0 : i32
      %broadcast_in_dim3A_126 = vector.broadcast %jit3A : i32 to vector<16xi32>
      %select_n3A = arith.select %eq3A_125, %get3A_121, %broadcast_in_dim3A_126 : vector<16xi1>, vector<16xi32>
      %reduce_sum3A = arith.constant true
      %reduce_sum3A_127 = vector.broadcast %reduce_sum3A : i1 to vector<16xi1>
      %reduce_sum3A_128 = tpu.scan <sum>, %select_n3A masked %reduce_sum3A_127 : vector<16xi32>, vector<16xi1> -> vector<16xi32>
      %reduce_sum3A_129 = vector.extract %reduce_sum3A_128[15] : i32 from vector<16xi32>
      %jit3A_130 = arith.constant 16 : i32
      %div3A = arith.divsi %reduce_sum3A_129, %jit3A_130 : i32
      %sign3A = arith.constant 0 : i32
      %sign3A_131 = arith.cmpi sgt, %reduce_sum3A_129, %sign3A : i32
      %sign3A_132 = arith.extui %sign3A_131 : i1 to i32
      %sign3A_133 = arith.constant 0 : i32
      %sign3A_134 = arith.cmpi slt, %reduce_sum3A_129, %sign3A_133 : i32
      %sign3A_135 = arith.extui %sign3A_134 : i1 to i32
      %sign3A_136 = arith.subi %sign3A_132, %sign3A_135 : i32
      %sign3A_137 = arith.constant 0 : i32
      %sign3A_138 = arith.cmpi sgt, %jit3A_130, %sign3A_137 : i32
      %sign3A_139 = arith.extui %sign3A_138 : i1 to i32
      %sign3A_140 = arith.constant 0 : i32
      %sign3A_141 = arith.cmpi slt, %jit3A_130, %sign3A_140 : i32
      %sign3A_142 = arith.extui %sign3A_141 : i1 to i32
      %sign3A_143 = arith.subi %sign3A_139, %sign3A_142 : i32
      %ne3A = arith.cmpi ne, %sign3A_136, %sign3A_143 : i32
      %rem3A = arith.remsi %reduce_sum3A_129, %jit3A_130 : i32
      %ne3A_144 = arith.constant 0 : i32
      %ne3A_145 = arith.cmpi ne, %rem3A, %ne3A_144 : i32
      %and3A = arith.andi %ne3A, %ne3A_145 : i1
      %sub3A_146 = arith.constant 1 : i32
      %sub3A_147 = arith.subi %div3A, %sub3A_146 : i32
      %select_n3A_148 = arith.select %and3A, %sub3A_147, %div3A : i32
      %mul3A_149 = arith.constant 16 : i32
      %mul3A_150 = arith.muli %select_n3A_148, %mul3A_149 : i32
      %multiple_of3A_151 = tpu.assume_multiple %mul3A_150, 8 : i32
      %get3A_152 = arith.index_cast %multiple_of3A_151 : i32 to index
      %get3A_153 = tpu.vector_load %arg7[%get3A_152] {strides = array<i32>} : memref<512xi32, #tpu.memory_space<vmem>>, vector<16xi32>,
      %iota3A_154 = tpu.iota {dimensions = array<i32: 0>} : vector<16xi32>
      %sub3A_155 = arith.subi %reduce_sum3A_129, %multiple_of3A_151 : i32
      %eq3A_156 = vector.broadcast %sub3A_155 : i32 to vector<16xi32>
      %eq3A_157 = arith.cmpi eq, %iota3A_154, %eq3A_156 : vector<16xi32>
      %jit3A_158 = arith.constant 0 : i32
      %broadcast_in_dim3A_159 = vector.broadcast %jit3A_158 : i32 to vector<16xi32>
      %select_n3A_160 = arith.select %eq3A_157, %get3A_153, %broadcast_in_dim3A_159 : vector<16xi1>, vector<16xi32>
      %reduce_sum3A_161 = arith.constant true
      %reduce_sum3A_162 = vector.broadcast %reduce_sum3A_161 : i1 to vector<16xi1>
      %reduce_sum3A_163 = tpu.scan <sum>, %select_n3A_160 masked %reduce_sum3A_162 : vector<16xi32>, vector<16xi1> -> vector<16xi32>
      %reduce_sum3A_164 = vector.extract %reduce_sum3A_163[15] : i32 from vector<16xi32>
      %shift_right_arithmetic3A = arith.constant 7 : i32
      %shift_right_arithmetic3A_165 = arith.shrsi %reduce_sum3A_164, %shift_right_arithmetic3A : i32
      %lt3A = arith.constant 7812 : i32
      %lt3A_166 = arith.cmpi slt, %shift_right_arithmetic3A_165, %lt3A : i32
      %convert_element_type3A_167 = arith.extui %lt3A_166 : i1 to i32
      %cond3A_168 = arith.constant 0 : i32
      %cond3A_169 = arith.cmpi ne, %convert_element_type3A_167, %cond3A_168 : i32
      scf.if %cond3A_169 {
        %mul3A_174 = arith.constant 128 : i32
        %mul3A_175 = arith.muli %shift_right_arithmetic3A_165, %mul3A_174 : i32
        %multiple_of3A_176 = tpu.assume_multiple %mul3A_175, 128 : i32
        %dma_start3A = arith.constant 6 : i32
        %dma_start3A_177 = arith.constant 6 : i32
        %dma_start3A_178 = arith.constant 0 : i32
        %dma_start3A_179 = arith.constant 0 : i32
        %dma_start3A_180 = tpu.memref_slice %arg10[%dma_start3A, %dma_start3A_178, %dma_start3A_179] : memref<8x64x128xf32, #tpu.memory_space<vmem>> -> memref<1x64x128xf32, #tpu.memory_space<vmem>>
        %dma_start3A_181 = tpu.memref_squeeze %dma_start3A_180 : memref<1x64x128xf32, #tpu.memory_space<vmem>> -> memref<64x128xf32, #tpu.memory_space<vmem>>
        %dma_start3A_182 = arith.constant 0 : i32
        %dma_start3A_183 = tpu.memref_slice %arg4[%dma_start3A_182, %multiple_of3A_176] : memref<64x1000000xf32, #tpu.memory_space<hbm>> -> memref<64x128xf32, #tpu.memory_space<hbm>>
        %dma_start3A_184 = tpu.memref_slice %arg12[%dma_start3A_177] : memref<8x!tpu.dma_semaphore, #tpu.memory_space<semaphore_mem>> -> memref<1x!tpu.dma_semaphore, #tpu.memory_space<semaphore_mem>>
        %dma_start3A_185 = tpu.memref_squeeze %dma_start3A_184 : memref<1x!tpu.dma_semaphore, #tpu.memory_space<semaphore_mem>> -> memref<!tpu.dma_semaphore, #tpu.memory_space<semaphore_mem>>
        %dma_start3A_186 = arith.constant 0 : i32
        %dma_start3A_187 = arith.constant 0 : i32
        %dma_start3A_188 = tpu.memref_slice %arg10[%dma_start3A, %dma_start3A_186, %dma_start3A_187] : memref<8x64x128xf32, #tpu.memory_space<vmem>> -> memref<1x64x128xf32, #tpu.memory_space<vmem>>
        %dma_start3A_189 = tpu.memref_squeeze %dma_start3A_188 : memref<1x64x128xf32, #tpu.memory_space<vmem>> -> memref<64x128xf32, #tpu.memory_space<vmem>>
        %dma_start3A_190 = arith.constant 0 : i32
        %dma_start3A_191 = tpu.memref_slice %arg4[%dma_start3A_190, %multiple_of3A_176] : memref<64x1000000xf32, #tpu.memory_space<hbm>> -> memref<64x128xf32, #tpu.memory_space<hbm>>
        tpu.enqueue_dma source(%dma_start3A_191 : memref<64x128xf32, #tpu.memory_space<hbm>>) target(%dma_start3A_189 : memref<64x128xf32, #tpu.memory_space<vmem>>) target_semaphore(%dma_start3A_185 : memref<!tpu.dma_semaphore, #tpu.memory_space<semaphore_mem>>)
      } else {
      }
      %ge3A = arith.constant 7812 : i32
      %ge3A_170 = arith.cmpi sge, %shift_right_arithmetic3A_165, %ge3A : i32
      %convert_element_type3A_171 = arith.extui %ge3A_170 : i1 to i32
      %cond3A_172 = arith.constant 0 : i32
      %cond3A_173 = arith.cmpi ne, %convert_element_type3A_171, %cond3A_172 : i32
      scf.if %cond3A_173 {
        %dma_start3A = arith.constant 6 : i32
        %dma_start3A_174 = arith.constant 6 : i32
        %dma_start3A_175 = arith.constant 0 : i32
        %dma_start3A_176 = arith.constant 0 : i32
        %dma_start3A_177 = tpu.memref_slice %arg10[%dma_start3A, %dma_start3A_175, %dma_start3A_176] : memref<8x64x128xf32, #tpu.memory_space<vmem>> -> memref<1x64x128xf32, #tpu.memory_space<vmem>>
        %dma_start3A_178 = tpu.memref_squeeze %dma_start3A_177 : memref<1x64x128xf32, #tpu.memory_space<vmem>> -> memref<64x128xf32, #tpu.memory_space<vmem>>
        %dma_start3A_179 = tpu.memref_slice %arg12[%dma_start3A_174] : memref<8x!tpu.dma_semaphore, #tpu.memory_space<semaphore_mem>> -> memref<1x!tpu.dma_semaphore, #tpu.memory_space<semaphore_mem>>
        %dma_start3A_180 = tpu.memref_squeeze %dma_start3A_179 : memref<1x!tpu.dma_semaphore, #tpu.memory_space<semaphore_mem>> -> memref<!tpu.dma_semaphore, #tpu.memory_space<semaphore_mem>>
        %dma_start3A_181 = arith.constant 0 : i32
        %dma_start3A_182 = arith.constant 0 : i32
        %dma_start3A_183 = tpu.memref_slice %arg10[%dma_start3A, %dma_start3A_181, %dma_start3A_182] : memref<8x64x128xf32, #tpu.memory_space<vmem>> -> memref<1x64x128xf32, #tpu.memory_space<vmem>>
        %dma_start3A_184 = tpu.memref_squeeze %dma_start3A_183 : memref<1x64x128xf32, #tpu.memory_space<vmem>> -> memref<64x128xf32, #tpu.memory_space<vmem>>
        tpu.enqueue_dma source(%arg5 : memref<64x128xf32, #tpu.memory_space<hbm>>) target(%dma_start3A_184 : memref<64x128xf32, #tpu.memory_space<vmem>>) target_semaphore(%dma_start3A_180 : memref<!tpu.dma_semaphore, #tpu.memory_space<semaphore_mem>>)
      } else {
      }
    } else {
    }
    %while3A = arith.constant 0 : i32
    %while3A_50 = arith.constant 0 : i32
    %while3A_51 = arith.subi %scan3A_10#0, %while3A : i32
    %while3A_52 = arith.addi %while3A, %while3A_51 : i32
    %while3A_53 = arith.constant 1 : i32
    %while3A_54 = arith.divsi %while3A_51, %while3A_53 : i32
    %while3A_55 = arith.muli %while3A_54, %while3A_53 : i32
    %while3A_56 = arith.addi %while3A, %while3A_55 : i32
    %while3A_57 = arith.constant 1 : i32
    %while3A_58 = scf.for %while3A_120 = %while3A to %while3A_56 step %while3A_57 iter_args(%while3A_121 = %while3A_50) -> (i32)  : i32 {
      %rem3A = arith.constant 8 : i32
      %rem3A_122 = arith.remsi %while3A_120, %rem3A : i32
      %add3A_123 = arith.constant 8 : i32
      %add3A_124 = arith.addi %while3A_120, %add3A_123 : i32
      %sub3A = arith.constant 1 : i32
      %sub3A_125 = arith.subi %add3A_124, %sub3A : i32
      %lt3A = arith.cmpi slt, %sub3A_125, %scan3A_10#0 : i32
      %convert_element_type3A_126 = arith.extui %lt3A : i1 to i32
      %cond3A_127 = arith.constant 0 : i32
      %cond3A_128 = arith.cmpi ne, %convert_element_type3A_126, %cond3A_127 : i32
      scf.if %cond3A_128 {
        %rem3A_230 = arith.constant 8 : i32
        %rem3A_231 = arith.remsi %sub3A_125, %rem3A_230 : i32
        %jit3A_232 = arith.constant 16 : i32
        %div3A_233 = arith.divsi %sub3A_125, %jit3A_232 : i32
        %sign3A_234 = arith.constant 0 : i32
        %sign3A_235 = arith.cmpi sgt, %sub3A_125, %sign3A_234 : i32
        %sign3A_236 = arith.extui %sign3A_235 : i1 to i32
        %sign3A_237 = arith.constant 0 : i32
        %sign3A_238 = arith.cmpi slt, %sub3A_125, %sign3A_237 : i32
        %sign3A_239 = arith.extui %sign3A_238 : i1 to i32
        %sign3A_240 = arith.subi %sign3A_236, %sign3A_239 : i32
        %sign3A_241 = arith.constant 0 : i32
        %sign3A_242 = arith.cmpi sgt, %jit3A_232, %sign3A_241 : i32
        %sign3A_243 = arith.extui %sign3A_242 : i1 to i32
        %sign3A_244 = arith.constant 0 : i32
        %sign3A_245 = arith.cmpi slt, %jit3A_232, %sign3A_244 : i32
        %sign3A_246 = arith.extui %sign3A_245 : i1 to i32
        %sign3A_247 = arith.subi %sign3A_243, %sign3A_246 : i32
        %ne3A_248 = arith.cmpi ne, %sign3A_240, %sign3A_247 : i32
        %rem3A_249 = arith.remsi %sub3A_125, %jit3A_232 : i32
        %ne3A_250 = arith.constant 0 : i32
        %ne3A_251 = arith.cmpi ne, %rem3A_249, %ne3A_250 : i32
        %and3A_252 = arith.andi %ne3A_248, %ne3A_251 : i1
        %sub3A_253 = arith.constant 1 : i32
        %sub3A_254 = arith.subi %div3A_233, %sub3A_253 : i32
        %select_n3A_255 = arith.select %and3A_252, %sub3A_254, %div3A_233 : i32
        %mul3A_256 = arith.constant 16 : i32
        %mul3A_257 = arith.muli %select_n3A_255, %mul3A_256 : i32
        %multiple_of3A_258 = tpu.assume_multiple %mul3A_257, 8 : i32
        %get3A_259 = arith.index_cast %multiple_of3A_258 : i32 to index
        %get3A_260 = tpu.vector_load %arg8[%get3A_259] {strides = array<i32>} : memref<528xi32, #tpu.memory_space<vmem>>, vector<16xi32>,
        %iota3A_261 = tpu.iota {dimensions = array<i32: 0>} : vector<16xi32>
        %sub3A_262 = arith.subi %sub3A_125, %multiple_of3A_258 : i32
        %eq3A_263 = vector.broadcast %sub3A_262 : i32 to vector<16xi32>
        %eq3A_264 = arith.cmpi eq, %iota3A_261, %eq3A_263 : vector<16xi32>
        %jit3A_265 = arith.constant 0 : i32
        %broadcast_in_dim3A_266 = vector.broadcast %jit3A_265 : i32 to vector<16xi32>
        %select_n3A_267 = arith.select %eq3A_264, %get3A_260, %broadcast_in_dim3A_266 : vector<16xi1>, vector<16xi32>
        %reduce_sum3A_268 = arith.constant true
        %reduce_sum3A_269 = vector.broadcast %reduce_sum3A_268 : i1 to vector<16xi1>
        %reduce_sum3A_270 = tpu.scan <sum>, %select_n3A_267 masked %reduce_sum3A_269 : vector<16xi32>, vector<16xi1> -> vector<16xi32>
        %reduce_sum3A_271 = vector.extract %reduce_sum3A_270[15] : i32 from vector<16xi32>
        %jit3A_272 = arith.constant 16 : i32
        %div3A_273 = arith.divsi %reduce_sum3A_271, %jit3A_272 : i32
        %sign3A_274 = arith.constant 0 : i32
        %sign3A_275 = arith.cmpi sgt, %reduce_sum3A_271, %sign3A_274 : i32
        %sign3A_276 = arith.extui %sign3A_275 : i1 to i32
        %sign3A_277 = arith.constant 0 : i32
        %sign3A_278 = arith.cmpi slt, %reduce_sum3A_271, %sign3A_277 : i32
        %sign3A_279 = arith.extui %sign3A_278 : i1 to i32
        %sign3A_280 = arith.subi %sign3A_276, %sign3A_279 : i32
        %sign3A_281 = arith.constant 0 : i32
        %sign3A_282 = arith.cmpi sgt, %jit3A_272, %sign3A_281 : i32
        %sign3A_283 = arith.extui %sign3A_282 : i1 to i32
        %sign3A_284 = arith.constant 0 : i32
        %sign3A_285 = arith.cmpi slt, %jit3A_272, %sign3A_284 : i32
        %sign3A_286 = arith.extui %sign3A_285 : i1 to i32
        %sign3A_287 = arith.subi %sign3A_283, %sign3A_286 : i32
        %ne3A_288 = arith.cmpi ne, %sign3A_280, %sign3A_287 : i32
        %rem3A_289 = arith.remsi %reduce_sum3A_271, %jit3A_272 : i32
        %ne3A_290 = arith.constant 0 : i32
        %ne3A_291 = arith.cmpi ne, %rem3A_289, %ne3A_290 : i32
        %and3A_292 = arith.andi %ne3A_288, %ne3A_291 : i1
        %sub3A_293 = arith.constant 1 : i32
        %sub3A_294 = arith.subi %div3A_273, %sub3A_293 : i32
        %select_n3A_295 = arith.select %and3A_292, %sub3A_294, %div3A_273 : i32
        %mul3A_296 = arith.constant 16 : i32
        %mul3A_297 = arith.muli %select_n3A_295, %mul3A_296 : i32
        %multiple_of3A_298 = tpu.assume_multiple %mul3A_297, 8 : i32
        %get3A_299 = arith.index_cast %multiple_of3A_298 : i32 to index
        %get3A_300 = tpu.vector_load %arg7[%get3A_299] {strides = array<i32>} : memref<512xi32, #tpu.memory_space<vmem>>, vector<16xi32>,
        %iota3A_301 = tpu.iota {dimensions = array<i32: 0>} : vector<16xi32>
        %sub3A_302 = arith.subi %reduce_sum3A_271, %multiple_of3A_298 : i32
        %eq3A_303 = vector.broadcast %sub3A_302 : i32 to vector<16xi32>
        %eq3A_304 = arith.cmpi eq, %iota3A_301, %eq3A_303 : vector<16xi32>
        %jit3A_305 = arith.constant 0 : i32
        %broadcast_in_dim3A_306 = vector.broadcast %jit3A_305 : i32 to vector<16xi32>
        %select_n3A_307 = arith.select %eq3A_304, %get3A_300, %broadcast_in_dim3A_306 : vector<16xi1>, vector<16xi32>
        %reduce_sum3A_308 = arith.constant true
        %reduce_sum3A_309 = vector.broadcast %reduce_sum3A_308 : i1 to vector<16xi1>
        %reduce_sum3A_310 = tpu.scan <sum>, %select_n3A_307 masked %reduce_sum3A_309 : vector<16xi32>, vector<16xi1> -> vector<16xi32>
        %reduce_sum3A_311 = vector.extract %reduce_sum3A_310[15] : i32 from vector<16xi32>
        %shift_right_arithmetic3A = arith.constant 7 : i32
        %shift_right_arithmetic3A_312 = arith.shrsi %reduce_sum3A_311, %shift_right_arithmetic3A : i32
        %lt3A_313 = arith.constant 7812 : i32
        %lt3A_314 = arith.cmpi slt, %shift_right_arithmetic3A_312, %lt3A_313 : i32
        %convert_element_type3A_315 = arith.extui %lt3A_314 : i1 to i32
        %cond3A_316 = arith.constant 0 : i32
        %cond3A_317 = arith.cmpi ne, %convert_element_type3A_315, %cond3A_316 : i32
        scf.if %cond3A_317 {
          %mul3A_322 = arith.constant 128 : i32
          %mul3A_323 = arith.muli %shift_right_arithmetic3A_312, %mul3A_322 : i32
          %multiple_of3A_324 = tpu.assume_multiple %mul3A_323, 128 : i32
          %dma_start3A = arith.constant 0 : i32
          %dma_start3A_325 = arith.constant 0 : i32
          %dma_start3A_326 = tpu.memref_slice %arg10[%rem3A_231, %dma_start3A, %dma_start3A_325] : memref<8x64x128xf32, #tpu.memory_space<vmem>> -> memref<1x64x128xf32, #tpu.memory_space<vmem>>
          %dma_start3A_327 = tpu.memref_squeeze %dma_start3A_326 : memref<1x64x128xf32, #tpu.memory_space<vmem>> -> memref<64x128xf32, #tpu.memory_space<vmem>>
          %dma_start3A_328 = arith.constant 0 : i32
          %dma_start3A_329 = tpu.memref_slice %arg4[%dma_start3A_328, %multiple_of3A_324] : memref<64x1000000xf32, #tpu.memory_space<hbm>> -> memref<64x128xf32, #tpu.memory_space<hbm>>
          %dma_start3A_330 = tpu.memref_slice %arg12[%rem3A_231] : memref<8x!tpu.dma_semaphore, #tpu.memory_space<semaphore_mem>> -> memref<1x!tpu.dma_semaphore, #tpu.memory_space<semaphore_mem>>
          %dma_start3A_331 = tpu.memref_squeeze %dma_start3A_330 : memref<1x!tpu.dma_semaphore, #tpu.memory_space<semaphore_mem>> -> memref<!tpu.dma_semaphore, #tpu.memory_space<semaphore_mem>>
          %dma_start3A_332 = arith.constant 0 : i32
          %dma_start3A_333 = arith.constant 0 : i32
          %dma_start3A_334 = tpu.memref_slice %arg10[%rem3A_231, %dma_start3A_332, %dma_start3A_333] : memref<8x64x128xf32, #tpu.memory_space<vmem>> -> memref<1x64x128xf32, #tpu.memory_space<vmem>>
          %dma_start3A_335 = tpu.memref_squeeze %dma_start3A_334 : memref<1x64x128xf32, #tpu.memory_space<vmem>> -> memref<64x128xf32, #tpu.memory_space<vmem>>
          %dma_start3A_336 = arith.constant 0 : i32
          %dma_start3A_337 = tpu.memref_slice %arg4[%dma_start3A_336, %multiple_of3A_324] : memref<64x1000000xf32, #tpu.memory_space<hbm>> -> memref<64x128xf32, #tpu.memory_space<hbm>>
          tpu.enqueue_dma source(%dma_start3A_337 : memref<64x128xf32, #tpu.memory_space<hbm>>) target(%dma_start3A_335 : memref<64x128xf32, #tpu.memory_space<vmem>>) target_semaphore(%dma_start3A_331 : memref<!tpu.dma_semaphore, #tpu.memory_space<semaphore_mem>>)
        } else {
        }
        %ge3A = arith.constant 7812 : i32
        %ge3A_318 = arith.cmpi sge, %shift_right_arithmetic3A_312, %ge3A : i32
        %convert_element_type3A_319 = arith.extui %ge3A_318 : i1 to i32
        %cond3A_320 = arith.constant 0 : i32
        %cond3A_321 = arith.cmpi ne, %convert_element_type3A_319, %cond3A_320 : i32
        scf.if %cond3A_321 {
          %dma_start3A = arith.constant 0 : i32
          %dma_start3A_322 = arith.constant 0 : i32
          %dma_start3A_323 = tpu.memref_slice %arg10[%rem3A_231, %dma_start3A, %dma_start3A_322] : memref<8x64x128xf32, #tpu.memory_space<vmem>> -> memref<1x64x128xf32, #tpu.memory_space<vmem>>
          %dma_start3A_324 = tpu.memref_squeeze %dma_start3A_323 : memref<1x64x128xf32, #tpu.memory_space<vmem>> -> memref<64x128xf32, #tpu.memory_space<vmem>>
          %dma_start3A_325 = tpu.memref_slice %arg12[%rem3A_231] : memref<8x!tpu.dma_semaphore, #tpu.memory_space<semaphore_mem>> -> memref<1x!tpu.dma_semaphore, #tpu.memory_space<semaphore_mem>>
          %dma_start3A_326 = tpu.memref_squeeze %dma_start3A_325 : memref<1x!tpu.dma_semaphore, #tpu.memory_space<semaphore_mem>> -> memref<!tpu.dma_semaphore, #tpu.memory_space<semaphore_mem>>
          %dma_start3A_327 = arith.constant 0 : i32
          %dma_start3A_328 = arith.constant 0 : i32
          %dma_start3A_329 = tpu.memref_slice %arg10[%rem3A_231, %dma_start3A_327, %dma_start3A_328] : memref<8x64x128xf32, #tpu.memory_space<vmem>> -> memref<1x64x128xf32, #tpu.memory_space<vmem>>
          %dma_start3A_330 = tpu.memref_squeeze %dma_start3A_329 : memref<1x64x128xf32, #tpu.memory_space<vmem>> -> memref<64x128xf32, #tpu.memory_space<vmem>>
          tpu.enqueue_dma source(%arg5 : memref<64x128xf32, #tpu.memory_space<hbm>>) target(%dma_start3A_330 : memref<64x128xf32, #tpu.memory_space<vmem>>) target_semaphore(%dma_start3A_326 : memref<!tpu.dma_semaphore, #tpu.memory_space<semaphore_mem>>)
        } else {
        }
      } else {
      }
      %dma_wait3A_129 = arith.constant 0 : i32
      %dma_wait3A_130 = arith.constant 0 : i32
      %dma_wait3A_131 = tpu.memref_slice %arg10[%rem3A_122, %dma_wait3A_129, %dma_wait3A_130] : memref<8x64x128xf32, #tpu.memory_space<vmem>> -> memref<1x64x128xf32, #tpu.memory_space<vmem>>
      %dma_wait3A_132 = tpu.memref_squeeze %dma_wait3A_131 : memref<1x64x128xf32, #tpu.memory_space<vmem>> -> memref<64x128xf32, #tpu.memory_space<vmem>>
      %dma_wait3A_133 = arith.constant 0 : i32
      %dma_wait3A_134 = arith.constant 0 : i32
      %dma_wait3A_135 = tpu.memref_slice %arg4[%dma_wait3A_133, %dma_wait3A_134] : memref<64x1000000xf32, #tpu.memory_space<hbm>> -> memref<64x128xf32, #tpu.memory_space<hbm>>
      %dma_wait3A_136 = tpu.memref_slice %arg12[%rem3A_122] : memref<8x!tpu.dma_semaphore, #tpu.memory_space<semaphore_mem>> -> memref<1x!tpu.dma_semaphore, #tpu.memory_space<semaphore_mem>>
      %dma_wait3A_137 = tpu.memref_squeeze %dma_wait3A_136 : memref<1x!tpu.dma_semaphore, #tpu.memory_space<semaphore_mem>> -> memref<!tpu.dma_semaphore, #tpu.memory_space<semaphore_mem>>
      %dma_wait3A_138 = arith.constant 0 : i32
      %dma_wait3A_139 = arith.constant 0 : i32
      %dma_wait3A_140 = tpu.memref_slice %arg10[%rem3A_122, %dma_wait3A_138, %dma_wait3A_139] : memref<8x64x128xf32, #tpu.memory_space<vmem>> -> memref<1x64x128xf32, #tpu.memory_space<vmem>>
      %dma_wait3A_141 = tpu.memref_squeeze %dma_wait3A_140 : memref<1x64x128xf32, #tpu.memory_space<vmem>> -> memref<64x128xf32, #tpu.memory_space<vmem>>
      %dma_wait3A_142 = arith.constant 0 : i32
      %dma_wait3A_143 = arith.constant 0 : i32
      %dma_wait3A_144 = tpu.memref_slice %arg4[%dma_wait3A_142, %dma_wait3A_143] : memref<64x1000000xf32, #tpu.memory_space<hbm>> -> memref<64x128xf32, #tpu.memory_space<hbm>>
      tpu.wait_dma2 semaphore(%dma_wait3A_137 : memref<!tpu.dma_semaphore, #tpu.memory_space<semaphore_mem>>) src(%dma_wait3A_144 : memref<64x128xf32, #tpu.memory_space<hbm>>) dst(%dma_wait3A_141 : memref<64x128xf32, #tpu.memory_space<vmem>>)
      %jit3A = arith.constant 16 : i32
      %div3A = arith.divsi %while3A_120, %jit3A : i32
      %sign3A = arith.constant 0 : i32
      %sign3A_145 = arith.cmpi sgt, %while3A_120, %sign3A : i32
      %sign3A_146 = arith.extui %sign3A_145 : i1 to i32
      %sign3A_147 = arith.constant 0 : i32
      %sign3A_148 = arith.cmpi slt, %while3A_120, %sign3A_147 : i32
      %sign3A_149 = arith.extui %sign3A_148 : i1 to i32
      %sign3A_150 = arith.subi %sign3A_146, %sign3A_149 : i32
      %sign3A_151 = arith.constant 0 : i32
      %sign3A_152 = arith.cmpi sgt, %jit3A, %sign3A_151 : i32
      %sign3A_153 = arith.extui %sign3A_152 : i1 to i32
      %sign3A_154 = arith.constant 0 : i32
      %sign3A_155 = arith.cmpi slt, %jit3A, %sign3A_154 : i32
      %sign3A_156 = arith.extui %sign3A_155 : i1 to i32
      %sign3A_157 = arith.subi %sign3A_153, %sign3A_156 : i32
      %ne3A = arith.cmpi ne, %sign3A_150, %sign3A_157 : i32
      %rem3A_158 = arith.remsi %while3A_120, %jit3A : i32
      %ne3A_159 = arith.constant 0 : i32
      %ne3A_160 = arith.cmpi ne, %rem3A_158, %ne3A_159 : i32
      %and3A = arith.andi %ne3A, %ne3A_160 : i1
      %sub3A_161 = arith.constant 1 : i32
      %sub3A_162 = arith.subi %div3A, %sub3A_161 : i32
      %select_n3A = arith.select %and3A, %sub3A_162, %div3A : i32
      %mul3A_163 = arith.constant 16 : i32
      %mul3A_164 = arith.muli %select_n3A, %mul3A_163 : i32
      %multiple_of3A = tpu.assume_multiple %mul3A_164, 8 : i32
      %get3A = arith.index_cast %multiple_of3A : i32 to index
      %get3A_165 = tpu.vector_load %arg8[%get3A] {strides = array<i32>} : memref<528xi32, #tpu.memory_space<vmem>>, vector<16xi32>,
      %iota3A_166 = tpu.iota {dimensions = array<i32: 0>} : vector<16xi32>
      %sub3A_167 = arith.subi %while3A_120, %multiple_of3A : i32
      %eq3A_168 = vector.broadcast %sub3A_167 : i32 to vector<16xi32>
      %eq3A_169 = arith.cmpi eq, %iota3A_166, %eq3A_168 : vector<16xi32>
      %jit3A_170 = arith.constant 0 : i32
      %broadcast_in_dim3A_171 = vector.broadcast %jit3A_170 : i32 to vector<16xi32>
      %select_n3A_172 = arith.select %eq3A_169, %get3A_165, %broadcast_in_dim3A_171 : vector<16xi1>, vector<16xi32>
      %reduce_sum3A = arith.constant true
      %reduce_sum3A_173 = vector.broadcast %reduce_sum3A : i1 to vector<16xi1>
      %reduce_sum3A_174 = tpu.scan <sum>, %select_n3A_172 masked %reduce_sum3A_173 : vector<16xi32>, vector<16xi1> -> vector<16xi32>
      %reduce_sum3A_175 = vector.extract %reduce_sum3A_174[15] : i32 from vector<16xi32>
      %add3A_176 = arith.constant 1 : i32
      %add3A_177 = arith.addi %while3A_120, %add3A_176 : i32
      %jit3A_178 = arith.constant 16 : i32
      %div3A_179 = arith.divsi %add3A_177, %jit3A_178 : i32
      %sign3A_180 = arith.constant 0 : i32
      %sign3A_181 = arith.cmpi sgt, %add3A_177, %sign3A_180 : i32
      %sign3A_182 = arith.extui %sign3A_181 : i1 to i32
      %sign3A_183 = arith.constant 0 : i32
      %sign3A_184 = arith.cmpi slt, %add3A_177, %sign3A_183 : i32
      %sign3A_185 = arith.extui %sign3A_184 : i1 to i32
      %sign3A_186 = arith.subi %sign3A_182, %sign3A_185 : i32
      %sign3A_187 = arith.constant 0 : i32
      %sign3A_188 = arith.cmpi sgt, %jit3A_178, %sign3A_187 : i32
      %sign3A_189 = arith.extui %sign3A_188 : i1 to i32
      %sign3A_190 = arith.constant 0 : i32
      %sign3A_191 = arith.cmpi slt, %jit3A_178, %sign3A_190 : i32
      %sign3A_192 = arith.extui %sign3A_191 : i1 to i32
      %sign3A_193 = arith.subi %sign3A_189, %sign3A_192 : i32
      %ne3A_194 = arith.cmpi ne, %sign3A_186, %sign3A_193 : i32
      %rem3A_195 = arith.remsi %add3A_177, %jit3A_178 : i32
      %ne3A_196 = arith.constant 0 : i32
      %ne3A_197 = arith.cmpi ne, %rem3A_195, %ne3A_196 : i32
      %and3A_198 = arith.andi %ne3A_194, %ne3A_197 : i1
      %sub3A_199 = arith.constant 1 : i32
      %sub3A_200 = arith.subi %div3A_179, %sub3A_199 : i32
      %select_n3A_201 = arith.select %and3A_198, %sub3A_200, %div3A_179 : i32
      %mul3A_202 = arith.constant 16 : i32
      %mul3A_203 = arith.muli %select_n3A_201, %mul3A_202 : i32
      %multiple_of3A_204 = tpu.assume_multiple %mul3A_203, 8 : i32
      %get3A_205 = arith.index_cast %multiple_of3A_204 : i32 to index
      %get3A_206 = tpu.vector_load %arg8[%get3A_205] {strides = array<i32>} : memref<528xi32, #tpu.memory_space<vmem>>, vector<16xi32>,
      %iota3A_207 = tpu.iota {dimensions = array<i32: 0>} : vector<16xi32>
      %sub3A_208 = arith.subi %add3A_177, %multiple_of3A_204 : i32
      %eq3A_209 = vector.broadcast %sub3A_208 : i32 to vector<16xi32>
      %eq3A_210 = arith.cmpi eq, %iota3A_207, %eq3A_209 : vector<16xi32>
      %jit3A_211 = arith.constant 0 : i32
      %broadcast_in_dim3A_212 = vector.broadcast %jit3A_211 : i32 to vector<16xi32>
      %select_n3A_213 = arith.select %eq3A_210, %get3A_206, %broadcast_in_dim3A_212 : vector<16xi1>, vector<16xi32>
      %reduce_sum3A_214 = arith.constant true
      %reduce_sum3A_215 = vector.broadcast %reduce_sum3A_214 : i1 to vector<16xi1>
      %reduce_sum3A_216 = tpu.scan <sum>, %select_n3A_213 masked %reduce_sum3A_215 : vector<16xi32>, vector<16xi1> -> vector<16xi32>
      %reduce_sum3A_217 = vector.extract %reduce_sum3A_216[15] : i32 from vector<16xi32>
      %while3A_218 = arith.constant 0 : i32
      %while3A_219 = arith.subi %reduce_sum3A_217, %reduce_sum3A_175 : i32
      %while3A_220 = arith.addi %reduce_sum3A_175, %while3A_219 : i32
      %while3A_221 = arith.constant 1 : i32
      %while3A_222 = arith.divsi %while3A_219, %while3A_221 : i32
      %while3A_223 = arith.muli %while3A_222, %while3A_221 : i32
      %while3A_224 = arith.addi %reduce_sum3A_175, %while3A_223 : i32
      %while3A_225 = arith.constant 1 : i32
      %while3A_226 = scf.for %while3A_230 = %reduce_sum3A_175 to %while3A_224 step %while3A_225 iter_args(%while3A_231 = %while3A_218) -> (i32)  : i32 {
        %jit3A_232 = arith.constant 64 : i32
        %div3A_233 = arith.divsi %while3A_230, %jit3A_232 : i32
        %sign3A_234 = arith.constant 0 : i32
        %sign3A_235 = arith.cmpi sgt, %while3A_230, %sign3A_234 : i32
        %sign3A_236 = arith.extui %sign3A_235 : i1 to i32
        %sign3A_237 = arith.constant 0 : i32
        %sign3A_238 = arith.cmpi slt, %while3A_230, %sign3A_237 : i32
        %sign3A_239 = arith.extui %sign3A_238 : i1 to i32
        %sign3A_240 = arith.subi %sign3A_236, %sign3A_239 : i32
        %sign3A_241 = arith.constant 0 : i32
        %sign3A_242 = arith.cmpi sgt, %jit3A_232, %sign3A_241 : i32
        %sign3A_243 = arith.extui %sign3A_242 : i1 to i32
        %sign3A_244 = arith.constant 0 : i32
        %sign3A_245 = arith.cmpi slt, %jit3A_232, %sign3A_244 : i32
        %sign3A_246 = arith.extui %sign3A_245 : i1 to i32
        %sign3A_247 = arith.subi %sign3A_243, %sign3A_246 : i32
        %ne3A_248 = arith.cmpi ne, %sign3A_240, %sign3A_247 : i32
        %rem3A_249 = arith.remsi %while3A_230, %jit3A_232 : i32
        %ne3A_250 = arith.constant 0 : i32
        %ne3A_251 = arith.cmpi ne, %rem3A_249, %ne3A_250 : i32
        %and3A_252 = arith.andi %ne3A_248, %ne3A_251 : i1
        %sub3A_253 = arith.constant 1 : i32
        %sub3A_254 = arith.subi %div3A_233, %sub3A_253 : i32
        %select_n3A_255 = arith.select %and3A_252, %sub3A_254, %div3A_233 : i32
        %rem3A_256 = arith.constant 4 : i32
        %rem3A_257 = arith.remsi %select_n3A_255, %rem3A_256 : i32
        %rem3A_258 = arith.constant 64 : i32
        %rem3A_259 = arith.remsi %while3A_230, %rem3A_258 : i32
        %eq3A_260 = arith.constant 0 : i32
        %eq3A_261 = arith.cmpi eq, %rem3A_259, %eq3A_260 : i32
        %ge3A = arith.constant 256 : i32
        %ge3A_262 = arith.cmpi sge, %while3A_230, %ge3A : i32
        %and3A_263 = arith.andi %eq3A_261, %ge3A_262 : i1
        %convert_element_type3A_264 = arith.extui %and3A_263 : i1 to i32
        %cond3A_265 = arith.constant 0 : i32
        %cond3A_266 = arith.cmpi ne, %convert_element_type3A_264, %cond3A_265 : i32
        scf.if %cond3A_266 {
          %dma_wait3A_363 = arith.constant 0 : i32
          %dma_wait3A_364 = arith.constant 0 : i32
          %dma_wait3A_365 = arith.constant 0 : i32
          %dma_wait3A_366 = tpu.memref_slice %arg11[%dma_wait3A_363, %dma_wait3A_364, %dma_wait3A_365] : memref<4x64x128xf32, #tpu.memory_space<vmem>> -> memref<1x64x128xf32, #tpu.memory_space<vmem>>
          %dma_wait3A_367 = tpu.memref_squeeze %dma_wait3A_366 : memref<1x64x128xf32, #tpu.memory_space<vmem>> -> memref<64x128xf32, #tpu.memory_space<vmem>>
          %dma_wait3A_368 = arith.constant 0 : i32
          %dma_wait3A_369 = arith.constant 0 : i32
          %dma_wait3A_370 = tpu.memref_slice %arg6[%dma_wait3A_368, %dma_wait3A_369] : memref<16384x128xf32, #tpu.memory_space<hbm>> -> memref<64x128xf32, #tpu.memory_space<hbm>>
          %dma_wait3A_371 = arith.constant 0 : i32
          %dma_wait3A_372 = arith.constant 0 : i32
          %dma_wait3A_373 = tpu.memref_slice %arg6[%dma_wait3A_371, %dma_wait3A_372] : memref<16384x128xf32, #tpu.memory_space<hbm>> -> memref<64x128xf32, #tpu.memory_space<hbm>>
          %dma_wait3A_374 = arith.constant 0 : i32
          %dma_wait3A_375 = arith.constant 0 : i32
          %dma_wait3A_376 = tpu.memref_slice %arg11[%dma_wait3A_363, %dma_wait3A_374, %dma_wait3A_375] : memref<4x64x128xf32, #tpu.memory_space<vmem>> -> memref<1x64x128xf32, #tpu.memory_space<vmem>>
          %dma_wait3A_377 = tpu.memref_squeeze %dma_wait3A_376 : memref<1x64x128xf32, #tpu.memory_space<vmem>> -> memref<64x128xf32, #tpu.memory_space<vmem>>
          tpu.wait_dma2 semaphore(%arg13 : memref<!tpu.dma_semaphore, #tpu.memory_space<semaphore_mem>>) src(%dma_wait3A_377 : memref<64x128xf32, #tpu.memory_space<vmem>>) dst(%dma_wait3A_373 : memref<64x128xf32, #tpu.memory_space<hbm>>)
        } else {
        }
        %jit3A_267 = arith.constant 16 : i32
        %div3A_268 = arith.divsi %while3A_230, %jit3A_267 : i32
        %sign3A_269 = arith.constant 0 : i32
        %sign3A_270 = arith.cmpi sgt, %while3A_230, %sign3A_269 : i32
        %sign3A_271 = arith.extui %sign3A_270 : i1 to i32
        %sign3A_272 = arith.constant 0 : i32
        %sign3A_273 = arith.cmpi slt, %while3A_230, %sign3A_272 : i32
        %sign3A_274 = arith.extui %sign3A_273 : i1 to i32
        %sign3A_275 = arith.subi %sign3A_271, %sign3A_274 : i32
        %sign3A_276 = arith.constant 0 : i32
        %sign3A_277 = arith.cmpi sgt, %jit3A_267, %sign3A_276 : i32
        %sign3A_278 = arith.extui %sign3A_277 : i1 to i32
        %sign3A_279 = arith.constant 0 : i32
        %sign3A_280 = arith.cmpi slt, %jit3A_267, %sign3A_279 : i32
        %sign3A_281 = arith.extui %sign3A_280 : i1 to i32
        %sign3A_282 = arith.subi %sign3A_278, %sign3A_281 : i32
        %ne3A_283 = arith.cmpi ne, %sign3A_275, %sign3A_282 : i32
        %rem3A_284 = arith.remsi %while3A_230, %jit3A_267 : i32
        %ne3A_285 = arith.constant 0 : i32
        %ne3A_286 = arith.cmpi ne, %rem3A_284, %ne3A_285 : i32
        %and3A_287 = arith.andi %ne3A_283, %ne3A_286 : i1
        %sub3A_288 = arith.constant 1 : i32
        %sub3A_289 = arith.subi %div3A_268, %sub3A_288 : i32
        %select_n3A_290 = arith.select %and3A_287, %sub3A_289, %div3A_268 : i32
        %mul3A_291 = arith.constant 16 : i32
        %mul3A_292 = arith.muli %select_n3A_290, %mul3A_291 : i32
        %multiple_of3A_293 = tpu.assume_multiple %mul3A_292, 8 : i32
        %get3A_294 = arith.index_cast %multiple_of3A_293 : i32 to index
        %get3A_295 = tpu.vector_load %arg7[%get3A_294] {strides = array<i32>} : memref<512xi32, #tpu.memory_space<vmem>>, vector<16xi32>,
        %and3A_296 = arith.constant 127 : i32
        %and3A_297 = vector.broadcast %and3A_296 : i32 to vector<16xi32>
        %and3A_298 = arith.andi %get3A_295, %and3A_297 : vector<16xi32>
        %sub3A_299 = arith.subi %while3A_230, %multiple_of3A_293 : i32
        %broadcast_in_dim3A_300 = vector.broadcast %sub3A_299 : i32 to vector<16xi32>
        %lt3A_301 = arith.constant 0 : i32
        %lt3A_302 = vector.broadcast %lt3A_301 : i32 to vector<16xi32>
        %lt3A_303 = arith.cmpi slt, %broadcast_in_dim3A_300, %lt3A_302 : vector<16xi32>
        %add3A_304 = arith.constant 16 : i32
        %add3A_305 = vector.broadcast %add3A_304 : i32 to vector<16xi32>
        %add3A_306 = arith.addi %broadcast_in_dim3A_300, %add3A_305 : vector<16xi32>
        %select_n3A_307 = arith.select %lt3A_303, %add3A_306, %broadcast_in_dim3A_300 : vector<16xi1>, vector<16xi32>
        %broadcast_in_dim3A_308 = vector.shape_cast %select_n3A_307 : vector<16xi32> to vector<16x1xi32>
        %gather3A = vector.shape_cast %broadcast_in_dim3A_308 : vector<16x1xi32> to vector<16xi32>
        %gather3A_309 = tpu.dynamic_gather %and3A_298[%gather3A] in [0] : vector<16xi32>, vector<16xi32> -> vector<16xi32>
        %add3A_310 = arith.constant 0 : i32
        %add3A_311 = vector.broadcast %add3A_310 : i32 to vector<16xi32>
        %add3A_312 = arith.addi %iota3A, %add3A_311 : vector<16xi32>
        %gather3A_313 = arith.constant 0 : i32
        %gather3A_314 = arith.constant 0 : i32
        %gather3A_315 = tpu.memref_slice %arg10[%rem3A_122, %gather3A_313, %gather3A_314] : memref<8x64x128xf32, #tpu.memory_space<vmem>> -> memref<1x64x128xf32, #tpu.memory_space<vmem>>
        %gather3A_316 = tpu.memref_squeeze %gather3A_315 : memref<1x64x128xf32, #tpu.memory_space<vmem>> -> memref<64x128xf32, #tpu.memory_space<vmem>>
        %gather3A_317 = tpu.vector_load_idx %gather3A_316[%add3A_312, %gather3A_309] : memref<64x128xf32, #tpu.memory_space<vmem>>[vector<16xi32>, vector<16xi32>], vector<16xf32>,
        %swap3A = arith.index_cast %rem3A_257 : i32 to index
        %swap3A_318 = arith.index_cast %rem3A_259 : i32 to index
        %swap3A_319 = arith.constant 0 : index
        %swap3A_320 = tpu.vector_load %arg11[%swap3A, %swap3A_318, %swap3A_319] {strides = array<i32>} : memref<4x64x128xf32, #tpu.memory_space<vmem>>, vector<16xf32>,
        tpu.vector_store %arg11[%swap3A, %swap3A_318, %swap3A_319], %gather3A_317 {strides = array<i32>} : memref<4x64x128xf32, #tpu.memory_space<vmem>>, vector<16xf32>,
        %add3A_321 = arith.constant 16 : i32
        %add3A_322 = vector.broadcast %add3A_321 : i32 to vector<16xi32>
        %add3A_323 = arith.addi %iota3A, %add3A_322 : vector<16xi32>
        %gather3A_324 = arith.constant 0 : i32
        %gather3A_325 = arith.constant 0 : i32
        %gather3A_326 = tpu.memref_slice %arg10[%rem3A_122, %gather3A_324, %gather3A_325] : memref<8x64x128xf32, #tpu.memory_space<vmem>> -> memref<1x64x128xf32, #tpu.memory_space<vmem>>
        %gather3A_327 = tpu.memref_squeeze %gather3A_326 : memref<1x64x128xf32, #tpu.memory_space<vmem>> -> memref<64x128xf32, #tpu.memory_space<vmem>>
        %gather3A_328 = tpu.vector_load_idx %gather3A_327[%add3A_323, %gather3A_309] : memref<64x128xf32, #tpu.memory_space<vmem>>[vector<16xi32>, vector<16xi32>], vector<16xf32>,
        %swap3A_329 = arith.index_cast %rem3A_257 : i32 to index
        %swap3A_330 = arith.index_cast %rem3A_259 : i32 to index
        %swap3A_331 = arith.constant 16 : index
        %swap3A_332 = tpu.vector_load %arg11[%swap3A_329, %swap3A_330, %swap3A_331] {strides = array<i32>} : memref<4x64x128xf32, #tpu.memory_space<vmem>>, vector<16xf32>,
        tpu.vector_store %arg11[%swap3A_329, %swap3A_330, %swap3A_331], %gather3A_328 {strides = array<i32>} : memref<4x64x128xf32, #tpu.memory_space<vmem>>, vector<16xf32>,
        %add3A_333 = arith.constant 32 : i32
        %add3A_334 = vector.broadcast %add3A_333 : i32 to vector<16xi32>
        %add3A_335 = arith.addi %iota3A, %add3A_334 : vector<16xi32>
        %gather3A_336 = arith.constant 0 : i32
        %gather3A_337 = arith.constant 0 : i32
        %gather3A_338 = tpu.memref_slice %arg10[%rem3A_122, %gather3A_336, %gather3A_337] : memref<8x64x128xf32, #tpu.memory_space<vmem>> -> memref<1x64x128xf32, #tpu.memory_space<vmem>>
        %gather3A_339 = tpu.memref_squeeze %gather3A_338 : memref<1x64x128xf32, #tpu.memory_space<vmem>> -> memref<64x128xf32, #tpu.memory_space<vmem>>
        %gather3A_340 = tpu.vector_load_idx %gather3A_339[%add3A_335, %gather3A_309] : memref<64x128xf32, #tpu.memory_space<vmem>>[vector<16xi32>, vector<16xi32>], vector<16xf32>,
        %swap3A_341 = arith.index_cast %rem3A_257 : i32 to index
        %swap3A_342 = arith.index_cast %rem3A_259 : i32 to index
        %swap3A_343 = arith.constant 32 : index
        %swap3A_344 = tpu.vector_load %arg11[%swap3A_341, %swap3A_342, %swap3A_343] {strides = array<i32>} : memref<4x64x128xf32, #tpu.memory_space<vmem>>, vector<16xf32>,
        tpu.vector_store %arg11[%swap3A_341, %swap3A_342, %swap3A_343], %gather3A_340 {strides = array<i32>} : memref<4x64x128xf32, #tpu.memory_space<vmem>>, vector<16xf32>,
        %add3A_345 = arith.constant 48 : i32
        %add3A_346 = vector.broadcast %add3A_345 : i32 to vector<16xi32>
        %add3A_347 = arith.addi %iota3A, %add3A_346 : vector<16xi32>
        %gather3A_348 = arith.constant 0 : i32
        %gather3A_349 = arith.constant 0 : i32
        %gather3A_350 = tpu.memref_slice %arg10[%rem3A_122, %gather3A_348, %gather3A_349] : memref<8x64x128xf32, #tpu.memory_space<vmem>> -> memref<1x64x128xf32, #tpu.memory_space<vmem>>
        %gather3A_351 = tpu.memref_squeeze %gather3A_350 : memref<1x64x128xf32, #tpu.memory_space<vmem>> -> memref<64x128xf32, #tpu.memory_space<vmem>>
        %gather3A_352 = tpu.vector_load_idx %gather3A_351[%add3A_347, %gather3A_309] : memref<64x128xf32, #tpu.memory_space<vmem>>[vector<16xi32>, vector<16xi32>], vector<16xf32>,
        %swap3A_353 = arith.index_cast %rem3A_257 : i32 to index
        %swap3A_354 = arith.index_cast %rem3A_259 : i32 to index
        %swap3A_355 = arith.constant 48 : index
        %swap3A_356 = tpu.vector_load %arg11[%swap3A_353, %swap3A_354, %swap3A_355] {strides = array<i32>} : memref<4x64x128xf32, #tpu.memory_space<vmem>>, vector<16xf32>,
        tpu.vector_store %arg11[%swap3A_353, %swap3A_354, %swap3A_355], %gather3A_352 {strides = array<i32>} : memref<4x64x128xf32, #tpu.memory_space<vmem>>, vector<16xf32>,
        %eq3A_357 = arith.constant 63 : i32
        %eq3A_358 = arith.cmpi eq, %rem3A_259, %eq3A_357 : i32
        %convert_element_type3A_359 = arith.extui %eq3A_358 : i1 to i32
        %cond3A_360 = arith.constant 0 : i32
        %cond3A_361 = arith.cmpi ne, %convert_element_type3A_359, %cond3A_360 : i32
        scf.if %cond3A_361 {
          %jit3A_363 = arith.constant 64 : i32
          %div3A_364 = arith.divsi %while3A_230, %jit3A_363 : i32
          %sign3A_365 = arith.constant 0 : i32
          %sign3A_366 = arith.cmpi sgt, %while3A_230, %sign3A_365 : i32
          %sign3A_367 = arith.extui %sign3A_366 : i1 to i32
          %sign3A_368 = arith.constant 0 : i32
          %sign3A_369 = arith.cmpi slt, %while3A_230, %sign3A_368 : i32
          %sign3A_370 = arith.extui %sign3A_369 : i1 to i32
          %sign3A_371 = arith.subi %sign3A_367, %sign3A_370 : i32
          %sign3A_372 = arith.constant 0 : i32
          %sign3A_373 = arith.cmpi sgt, %jit3A_363, %sign3A_372 : i32
          %sign3A_374 = arith.extui %sign3A_373 : i1 to i32
          %sign3A_375 = arith.constant 0 : i32
          %sign3A_376 = arith.cmpi slt, %jit3A_363, %sign3A_375 : i32
          %sign3A_377 = arith.extui %sign3A_376 : i1 to i32
          %sign3A_378 = arith.subi %sign3A_374, %sign3A_377 : i32
          %ne3A_379 = arith.cmpi ne, %sign3A_371, %sign3A_378 : i32
          %rem3A_380 = arith.remsi %while3A_230, %jit3A_363 : i32
          %ne3A_381 = arith.constant 0 : i32
          %ne3A_382 = arith.cmpi ne, %rem3A_380, %ne3A_381 : i32
          %and3A_383 = arith.andi %ne3A_379, %ne3A_382 : i1
          %sub3A_384 = arith.constant 1 : i32
          %sub3A_385 = arith.subi %div3A_364, %sub3A_384 : i32
          %select_n3A_386 = arith.select %and3A_383, %sub3A_385, %div3A_364 : i32
          %dma_start3A = arith.constant 0 : i32
          %dma_start3A_387 = arith.constant 0 : i32
          %dma_start3A_388 = tpu.memref_slice %arg11[%rem3A_257, %dma_start3A, %dma_start3A_387] : memref<4x64x128xf32, #tpu.memory_space<vmem>> -> memref<1x64x128xf32, #tpu.memory_space<vmem>>
          %dma_start3A_389 = tpu.memref_squeeze %dma_start3A_388 : memref<1x64x128xf32, #tpu.memory_space<vmem>> -> memref<64x128xf32, #tpu.memory_space<vmem>>
          %dma_start3A_390 = arith.constant 0 : i32
          %dma_start3A_391 = tpu.memref_slice %arg9[%select_n3A_386, %dma_start3A_390] : memref<8x64xi32, #tpu.memory_space<vmem>> -> memref<1x64xi32, #tpu.memory_space<vmem>>
          %dma_start3A_392 = tpu.memref_squeeze %dma_start3A_391 : memref<1x64xi32, #tpu.memory_space<vmem>> -> memref<64xi32, #tpu.memory_space<vmem>>
          %dma_start3A_393 = arith.constant 0 : i32
          %dma_start3A_394 = arith.constant 0 : i32
          %dma_start3A_395 = tpu.memref_slice %arg6[%dma_start3A_393, %dma_start3A_394] : memref<16384x128xf32, #tpu.memory_space<hbm>> -> memref<16384x128xf32, #tpu.memory_space<hbm>>
          tpu.enqueue_indirect_dma source(%dma_start3A_389 : memref<64x128xf32, #tpu.memory_space<vmem>>) target(%dma_start3A_395 : memref<16384x128xf32, #tpu.memory_space<hbm>>) offsets(%dma_start3A_392 : memref<64xi32, #tpu.memory_space<vmem>>) semaphore(%arg13 : memref<!tpu.dma_semaphore, #tpu.memory_space<semaphore_mem>>)
        } else {
        }
        %while3A_362 = arith.constant 0 : i32
        scf.yield %while3A_362 : i32
      }
      %while3A_227 = arith.constant 1 : i32
      %while3A_228 = scf.for %while3A_230 = %while3A_224 to %while3A_220 step %while3A_227 iter_args(%while3A_231 = %while3A_226) -> (i32)  : i32 {
        %jit3A_232 = arith.constant 64 : i32
        %div3A_233 = arith.divsi %while3A_230, %jit3A_232 : i32
        %sign3A_234 = arith.constant 0 : i32
        %sign3A_235 = arith.cmpi sgt, %while3A_230, %sign3A_234 : i32
        %sign3A_236 = arith.extui %sign3A_235 : i1 to i32
        %sign3A_237 = arith.constant 0 : i32
        %sign3A_238 = arith.cmpi slt, %while3A_230, %sign3A_237 : i32
        %sign3A_239 = arith.extui %sign3A_238 : i1 to i32
        %sign3A_240 = arith.subi %sign3A_236, %sign3A_239 : i32
        %sign3A_241 = arith.constant 0 : i32
        %sign3A_242 = arith.cmpi sgt, %jit3A_232, %sign3A_241 : i32
        %sign3A_243 = arith.extui %sign3A_242 : i1 to i32
        %sign3A_244 = arith.constant 0 : i32
        %sign3A_245 = arith.cmpi slt, %jit3A_232, %sign3A_244 : i32
        %sign3A_246 = arith.extui %sign3A_245 : i1 to i32
        %sign3A_247 = arith.subi %sign3A_243, %sign3A_246 : i32
        %ne3A_248 = arith.cmpi ne, %sign3A_240, %sign3A_247 : i32
        %rem3A_249 = arith.remsi %while3A_230, %jit3A_232 : i32
        %ne3A_250 = arith.constant 0 : i32
        %ne3A_251 = arith.cmpi ne, %rem3A_249, %ne3A_250 : i32
        %and3A_252 = arith.andi %ne3A_248, %ne3A_251 : i1
        %sub3A_253 = arith.constant 1 : i32
        %sub3A_254 = arith.subi %div3A_233, %sub3A_253 : i32
        %select_n3A_255 = arith.select %and3A_252, %sub3A_254, %div3A_233 : i32
        %rem3A_256 = arith.constant 4 : i32
        %rem3A_257 = arith.remsi %select_n3A_255, %rem3A_256 : i32
        %rem3A_258 = arith.constant 64 : i32
        %rem3A_259 = arith.remsi %while3A_230, %rem3A_258 : i32
        %eq3A_260 = arith.constant 0 : i32
        %eq3A_261 = arith.cmpi eq, %rem3A_259, %eq3A_260 : i32
        %ge3A = arith.constant 256 : i32
        %ge3A_262 = arith.cmpi sge, %while3A_230, %ge3A : i32
        %and3A_263 = arith.andi %eq3A_261, %ge3A_262 : i1
        %convert_element_type3A_264 = arith.extui %and3A_263 : i1 to i32
        %cond3A_265 = arith.constant 0 : i32
        %cond3A_266 = arith.cmpi ne, %convert_element_type3A_264, %cond3A_265 : i32
        scf.if %cond3A_266 {
          %dma_wait3A_363 = arith.constant 0 : i32
          %dma_wait3A_364 = arith.constant 0 : i32
          %dma_wait3A_365 = arith.constant 0 : i32
          %dma_wait3A_366 = tpu.memref_slice %arg11[%dma_wait3A_363, %dma_wait3A_364, %dma_wait3A_365] : memref<4x64x128xf32, #tpu.memory_space<vmem>> -> memref<1x64x128xf32, #tpu.memory_space<vmem>>
          %dma_wait3A_367 = tpu.memref_squeeze %dma_wait3A_366 : memref<1x64x128xf32, #tpu.memory_space<vmem>> -> memref<64x128xf32, #tpu.memory_space<vmem>>
          %dma_wait3A_368 = arith.constant 0 : i32
          %dma_wait3A_369 = arith.constant 0 : i32
          %dma_wait3A_370 = tpu.memref_slice %arg6[%dma_wait3A_368, %dma_wait3A_369] : memref<16384x128xf32, #tpu.memory_space<hbm>> -> memref<64x128xf32, #tpu.memory_space<hbm>>
          %dma_wait3A_371 = arith.constant 0 : i32
          %dma_wait3A_372 = arith.constant 0 : i32
          %dma_wait3A_373 = tpu.memref_slice %arg6[%dma_wait3A_371, %dma_wait3A_372] : memref<16384x128xf32, #tpu.memory_space<hbm>> -> memref<64x128xf32, #tpu.memory_space<hbm>>
          %dma_wait3A_374 = arith.constant 0 : i32
          %dma_wait3A_375 = arith.constant 0 : i32
          %dma_wait3A_376 = tpu.memref_slice %arg11[%dma_wait3A_363, %dma_wait3A_374, %dma_wait3A_375] : memref<4x64x128xf32, #tpu.memory_space<vmem>> -> memref<1x64x128xf32, #tpu.memory_space<vmem>>
          %dma_wait3A_377 = tpu.memref_squeeze %dma_wait3A_376 : memref<1x64x128xf32, #tpu.memory_space<vmem>> -> memref<64x128xf32, #tpu.memory_space<vmem>>
          tpu.wait_dma2 semaphore(%arg13 : memref<!tpu.dma_semaphore, #tpu.memory_space<semaphore_mem>>) src(%dma_wait3A_377 : memref<64x128xf32, #tpu.memory_space<vmem>>) dst(%dma_wait3A_373 : memref<64x128xf32, #tpu.memory_space<hbm>>)
        } else {
        }
        %jit3A_267 = arith.constant 16 : i32
        %div3A_268 = arith.divsi %while3A_230, %jit3A_267 : i32
        %sign3A_269 = arith.constant 0 : i32
        %sign3A_270 = arith.cmpi sgt, %while3A_230, %sign3A_269 : i32
        %sign3A_271 = arith.extui %sign3A_270 : i1 to i32
        %sign3A_272 = arith.constant 0 : i32
        %sign3A_273 = arith.cmpi slt, %while3A_230, %sign3A_272 : i32
        %sign3A_274 = arith.extui %sign3A_273 : i1 to i32
        %sign3A_275 = arith.subi %sign3A_271, %sign3A_274 : i32
        %sign3A_276 = arith.constant 0 : i32
        %sign3A_277 = arith.cmpi sgt, %jit3A_267, %sign3A_276 : i32
        %sign3A_278 = arith.extui %sign3A_277 : i1 to i32
        %sign3A_279 = arith.constant 0 : i32
        %sign3A_280 = arith.cmpi slt, %jit3A_267, %sign3A_279 : i32
        %sign3A_281 = arith.extui %sign3A_280 : i1 to i32
        %sign3A_282 = arith.subi %sign3A_278, %sign3A_281 : i32
        %ne3A_283 = arith.cmpi ne, %sign3A_275, %sign3A_282 : i32
        %rem3A_284 = arith.remsi %while3A_230, %jit3A_267 : i32
        %ne3A_285 = arith.constant 0 : i32
        %ne3A_286 = arith.cmpi ne, %rem3A_284, %ne3A_285 : i32
        %and3A_287 = arith.andi %ne3A_283, %ne3A_286 : i1
        %sub3A_288 = arith.constant 1 : i32
        %sub3A_289 = arith.subi %div3A_268, %sub3A_288 : i32
        %select_n3A_290 = arith.select %and3A_287, %sub3A_289, %div3A_268 : i32
        %mul3A_291 = arith.constant 16 : i32
        %mul3A_292 = arith.muli %select_n3A_290, %mul3A_291 : i32
        %multiple_of3A_293 = tpu.assume_multiple %mul3A_292, 8 : i32
        %get3A_294 = arith.index_cast %multiple_of3A_293 : i32 to index
        %get3A_295 = tpu.vector_load %arg7[%get3A_294] {strides = array<i32>} : memref<512xi32, #tpu.memory_space<vmem>>, vector<16xi32>,
        %and3A_296 = arith.constant 127 : i32
        %and3A_297 = vector.broadcast %and3A_296 : i32 to vector<16xi32>
        %and3A_298 = arith.andi %get3A_295, %and3A_297 : vector<16xi32>
        %sub3A_299 = arith.subi %while3A_230, %multiple_of3A_293 : i32
        %broadcast_in_dim3A_300 = vector.broadcast %sub3A_299 : i32 to vector<16xi32>
        %lt3A_301 = arith.constant 0 : i32
        %lt3A_302 = vector.broadcast %lt3A_301 : i32 to vector<16xi32>
        %lt3A_303 = arith.cmpi slt, %broadcast_in_dim3A_300, %lt3A_302 : vector<16xi32>
        %add3A_304 = arith.constant 16 : i32
        %add3A_305 = vector.broadcast %add3A_304 : i32 to vector<16xi32>
        %add3A_306 = arith.addi %broadcast_in_dim3A_300, %add3A_305 : vector<16xi32>
        %select_n3A_307 = arith.select %lt3A_303, %add3A_306, %broadcast_in_dim3A_300 : vector<16xi1>, vector<16xi32>
        %broadcast_in_dim3A_308 = vector.shape_cast %select_n3A_307 : vector<16xi32> to vector<16x1xi32>
        %gather3A = vector.shape_cast %broadcast_in_dim3A_308 : vector<16x1xi32> to vector<16xi32>
        %gather3A_309 = tpu.dynamic_gather %and3A_298[%gather3A] in [0] : vector<16xi32>, vector<16xi32> -> vector<16xi32>
        %add3A_310 = arith.constant 0 : i32
        %add3A_311 = vector.broadcast %add3A_310 : i32 to vector<16xi32>
        %add3A_312 = arith.addi %iota3A, %add3A_311 : vector<16xi32>
        %gather3A_313 = arith.constant 0 : i32
        %gather3A_314 = arith.constant 0 : i32
        %gather3A_315 = tpu.memref_slice %arg10[%rem3A_122, %gather3A_313, %gather3A_314] : memref<8x64x128xf32, #tpu.memory_space<vmem>> -> memref<1x64x128xf32, #tpu.memory_space<vmem>>
        %gather3A_316 = tpu.memref_squeeze %gather3A_315 : memref<1x64x128xf32, #tpu.memory_space<vmem>> -> memref<64x128xf32, #tpu.memory_space<vmem>>
        %gather3A_317 = tpu.vector_load_idx %gather3A_316[%add3A_312, %gather3A_309] : memref<64x128xf32, #tpu.memory_space<vmem>>[vector<16xi32>, vector<16xi32>], vector<16xf32>,
        %swap3A = arith.index_cast %rem3A_257 : i32 to index
        %swap3A_318 = arith.index_cast %rem3A_259 : i32 to index
        %swap3A_319 = arith.constant 0 : index
        %swap3A_320 = tpu.vector_load %arg11[%swap3A, %swap3A_318, %swap3A_319] {strides = array<i32>} : memref<4x64x128xf32, #tpu.memory_space<vmem>>, vector<16xf32>,
        tpu.vector_store %arg11[%swap3A, %swap3A_318, %swap3A_319], %gather3A_317 {strides = array<i32>} : memref<4x64x128xf32, #tpu.memory_space<vmem>>, vector<16xf32>,
        %add3A_321 = arith.constant 16 : i32
        %add3A_322 = vector.broadcast %add3A_321 : i32 to vector<16xi32>
        %add3A_323 = arith.addi %iota3A, %add3A_322 : vector<16xi32>
        %gather3A_324 = arith.constant 0 : i32
        %gather3A_325 = arith.constant 0 : i32
        %gather3A_326 = tpu.memref_slice %arg10[%rem3A_122, %gather3A_324, %gather3A_325] : memref<8x64x128xf32, #tpu.memory_space<vmem>> -> memref<1x64x128xf32, #tpu.memory_space<vmem>>
        %gather3A_327 = tpu.memref_squeeze %gather3A_326 : memref<1x64x128xf32, #tpu.memory_space<vmem>> -> memref<64x128xf32, #tpu.memory_space<vmem>>
        %gather3A_328 = tpu.vector_load_idx %gather3A_327[%add3A_323, %gather3A_309] : memref<64x128xf32, #tpu.memory_space<vmem>>[vector<16xi32>, vector<16xi32>], vector<16xf32>,
        %swap3A_329 = arith.index_cast %rem3A_257 : i32 to index
        %swap3A_330 = arith.index_cast %rem3A_259 : i32 to index
        %swap3A_331 = arith.constant 16 : index
        %swap3A_332 = tpu.vector_load %arg11[%swap3A_329, %swap3A_330, %swap3A_331] {strides = array<i32>} : memref<4x64x128xf32, #tpu.memory_space<vmem>>, vector<16xf32>,
        tpu.vector_store %arg11[%swap3A_329, %swap3A_330, %swap3A_331], %gather3A_328 {strides = array<i32>} : memref<4x64x128xf32, #tpu.memory_space<vmem>>, vector<16xf32>,
        %add3A_333 = arith.constant 32 : i32
        %add3A_334 = vector.broadcast %add3A_333 : i32 to vector<16xi32>
        %add3A_335 = arith.addi %iota3A, %add3A_334 : vector<16xi32>
        %gather3A_336 = arith.constant 0 : i32
        %gather3A_337 = arith.constant 0 : i32
        %gather3A_338 = tpu.memref_slice %arg10[%rem3A_122, %gather3A_336, %gather3A_337] : memref<8x64x128xf32, #tpu.memory_space<vmem>> -> memref<1x64x128xf32, #tpu.memory_space<vmem>>
        %gather3A_339 = tpu.memref_squeeze %gather3A_338 : memref<1x64x128xf32, #tpu.memory_space<vmem>> -> memref<64x128xf32, #tpu.memory_space<vmem>>
        %gather3A_340 = tpu.vector_load_idx %gather3A_339[%add3A_335, %gather3A_309] : memref<64x128xf32, #tpu.memory_space<vmem>>[vector<16xi32>, vector<16xi32>], vector<16xf32>,
        %swap3A_341 = arith.index_cast %rem3A_257 : i32 to index
        %swap3A_342 = arith.index_cast %rem3A_259 : i32 to index
        %swap3A_343 = arith.constant 32 : index
        %swap3A_344 = tpu.vector_load %arg11[%swap3A_341, %swap3A_342, %swap3A_343] {strides = array<i32>} : memref<4x64x128xf32, #tpu.memory_space<vmem>>, vector<16xf32>,
        tpu.vector_store %arg11[%swap3A_341, %swap3A_342, %swap3A_343], %gather3A_340 {strides = array<i32>} : memref<4x64x128xf32, #tpu.memory_space<vmem>>, vector<16xf32>,
        %add3A_345 = arith.constant 48 : i32
        %add3A_346 = vector.broadcast %add3A_345 : i32 to vector<16xi32>
        %add3A_347 = arith.addi %iota3A, %add3A_346 : vector<16xi32>
        %gather3A_348 = arith.constant 0 : i32
        %gather3A_349 = arith.constant 0 : i32
        %gather3A_350 = tpu.memref_slice %arg10[%rem3A_122, %gather3A_348, %gather3A_349] : memref<8x64x128xf32, #tpu.memory_space<vmem>> -> memref<1x64x128xf32, #tpu.memory_space<vmem>>
        %gather3A_351 = tpu.memref_squeeze %gather3A_350 : memref<1x64x128xf32, #tpu.memory_space<vmem>> -> memref<64x128xf32, #tpu.memory_space<vmem>>
        %gather3A_352 = tpu.vector_load_idx %gather3A_351[%add3A_347, %gather3A_309] : memref<64x128xf32, #tpu.memory_space<vmem>>[vector<16xi32>, vector<16xi32>], vector<16xf32>,
        %swap3A_353 = arith.index_cast %rem3A_257 : i32 to index
        %swap3A_354 = arith.index_cast %rem3A_259 : i32 to index
        %swap3A_355 = arith.constant 48 : index
        %swap3A_356 = tpu.vector_load %arg11[%swap3A_353, %swap3A_354, %swap3A_355] {strides = array<i32>} : memref<4x64x128xf32, #tpu.memory_space<vmem>>, vector<16xf32>,
        tpu.vector_store %arg11[%swap3A_353, %swap3A_354, %swap3A_355], %gather3A_352 {strides = array<i32>} : memref<4x64x128xf32, #tpu.memory_space<vmem>>, vector<16xf32>,
        %eq3A_357 = arith.constant 63 : i32
        %eq3A_358 = arith.cmpi eq, %rem3A_259, %eq3A_357 : i32
        %convert_element_type3A_359 = arith.extui %eq3A_358 : i1 to i32
        %cond3A_360 = arith.constant 0 : i32
        %cond3A_361 = arith.cmpi ne, %convert_element_type3A_359, %cond3A_360 : i32
        scf.if %cond3A_361 {
          %jit3A_363 = arith.constant 64 : i32
          %div3A_364 = arith.divsi %while3A_230, %jit3A_363 : i32
          %sign3A_365 = arith.constant 0 : i32
          %sign3A_366 = arith.cmpi sgt, %while3A_230, %sign3A_365 : i32
          %sign3A_367 = arith.extui %sign3A_366 : i1 to i32
          %sign3A_368 = arith.constant 0 : i32
          %sign3A_369 = arith.cmpi slt, %while3A_230, %sign3A_368 : i32
          %sign3A_370 = arith.extui %sign3A_369 : i1 to i32
          %sign3A_371 = arith.subi %sign3A_367, %sign3A_370 : i32
          %sign3A_372 = arith.constant 0 : i32
          %sign3A_373 = arith.cmpi sgt, %jit3A_363, %sign3A_372 : i32
          %sign3A_374 = arith.extui %sign3A_373 : i1 to i32
          %sign3A_375 = arith.constant 0 : i32
          %sign3A_376 = arith.cmpi slt, %jit3A_363, %sign3A_375 : i32
          %sign3A_377 = arith.extui %sign3A_376 : i1 to i32
          %sign3A_378 = arith.subi %sign3A_374, %sign3A_377 : i32
          %ne3A_379 = arith.cmpi ne, %sign3A_371, %sign3A_378 : i32
          %rem3A_380 = arith.remsi %while3A_230, %jit3A_363 : i32
          %ne3A_381 = arith.constant 0 : i32
          %ne3A_382 = arith.cmpi ne, %rem3A_380, %ne3A_381 : i32
          %and3A_383 = arith.andi %ne3A_379, %ne3A_382 : i1
          %sub3A_384 = arith.constant 1 : i32
          %sub3A_385 = arith.subi %div3A_364, %sub3A_384 : i32
          %select_n3A_386 = arith.select %and3A_383, %sub3A_385, %div3A_364 : i32
          %dma_start3A = arith.constant 0 : i32
          %dma_start3A_387 = arith.constant 0 : i32
          %dma_start3A_388 = tpu.memref_slice %arg11[%rem3A_257, %dma_start3A, %dma_start3A_387] : memref<4x64x128xf32, #tpu.memory_space<vmem>> -> memref<1x64x128xf32, #tpu.memory_space<vmem>>
          %dma_start3A_389 = tpu.memref_squeeze %dma_start3A_388 : memref<1x64x128xf32, #tpu.memory_space<vmem>> -> memref<64x128xf32, #tpu.memory_space<vmem>>
          %dma_start3A_390 = arith.constant 0 : i32
          %dma_start3A_391 = tpu.memref_slice %arg9[%select_n3A_386, %dma_start3A_390] : memref<8x64xi32, #tpu.memory_space<vmem>> -> memref<1x64xi32, #tpu.memory_space<vmem>>
          %dma_start3A_392 = tpu.memref_squeeze %dma_start3A_391 : memref<1x64xi32, #tpu.memory_space<vmem>> -> memref<64xi32, #tpu.memory_space<vmem>>
          %dma_start3A_393 = arith.constant 0 : i32
          %dma_start3A_394 = arith.constant 0 : i32
          %dma_start3A_395 = tpu.memref_slice %arg6[%dma_start3A_393, %dma_start3A_394] : memref<16384x128xf32, #tpu.memory_space<hbm>> -> memref<16384x128xf32, #tpu.memory_space<hbm>>
          tpu.enqueue_indirect_dma source(%dma_start3A_389 : memref<64x128xf32, #tpu.memory_space<vmem>>) target(%dma_start3A_395 : memref<16384x128xf32, #tpu.memory_space<hbm>>) offsets(%dma_start3A_392 : memref<64xi32, #tpu.memory_space<vmem>>) semaphore(%arg13 : memref<!tpu.dma_semaphore, #tpu.memory_space<semaphore_mem>>)
        } else {
        }
        %while3A_362 = arith.constant 0 : i32
        scf.yield %while3A_362 : i32
      }
      %while3A_229 = arith.constant 0 : i32
      scf.yield %while3A_229 : i32
    }
    %while3A_59 = arith.constant 1 : i32
    %while3A_60 = scf.for %while3A_120 = %while3A_56 to %while3A_52 step %while3A_59 iter_args(%while3A_121 = %while3A_58) -> (i32)  : i32 {
      %rem3A = arith.constant 8 : i32
      %rem3A_122 = arith.remsi %while3A_120, %rem3A : i32
      %add3A_123 = arith.constant 8 : i32
      %add3A_124 = arith.addi %while3A_120, %add3A_123 : i32
      %sub3A = arith.constant 1 : i32
      %sub3A_125 = arith.subi %add3A_124, %sub3A : i32
      %lt3A = arith.cmpi slt, %sub3A_125, %scan3A_10#0 : i32
      %convert_element_type3A_126 = arith.extui %lt3A : i1 to i32
      %cond3A_127 = arith.constant 0 : i32
      %cond3A_128 = arith.cmpi ne, %convert_element_type3A_126, %cond3A_127 : i32
      scf.if %cond3A_128 {
        %rem3A_230 = arith.constant 8 : i32
        %rem3A_231 = arith.remsi %sub3A_125, %rem3A_230 : i32
        %jit3A_232 = arith.constant 16 : i32
        %div3A_233 = arith.divsi %sub3A_125, %jit3A_232 : i32
        %sign3A_234 = arith.constant 0 : i32
        %sign3A_235 = arith.cmpi sgt, %sub3A_125, %sign3A_234 : i32
        %sign3A_236 = arith.extui %sign3A_235 : i1 to i32
        %sign3A_237 = arith.constant 0 : i32
        %sign3A_238 = arith.cmpi slt, %sub3A_125, %sign3A_237 : i32
        %sign3A_239 = arith.extui %sign3A_238 : i1 to i32
        %sign3A_240 = arith.subi %sign3A_236, %sign3A_239 : i32
        %sign3A_241 = arith.constant 0 : i32
        %sign3A_242 = arith.cmpi sgt, %jit3A_232, %sign3A_241 : i32
        %sign3A_243 = arith.extui %sign3A_242 : i1 to i32
        %sign3A_244 = arith.constant 0 : i32
        %sign3A_245 = arith.cmpi slt, %jit3A_232, %sign3A_244 : i32
        %sign3A_246 = arith.extui %sign3A_245 : i1 to i32
        %sign3A_247 = arith.subi %sign3A_243, %sign3A_246 : i32
        %ne3A_248 = arith.cmpi ne, %sign3A_240, %sign3A_247 : i32
        %rem3A_249 = arith.remsi %sub3A_125, %jit3A_232 : i32
        %ne3A_250 = arith.constant 0 : i32
        %ne3A_251 = arith.cmpi ne, %rem3A_249, %ne3A_250 : i32
        %and3A_252 = arith.andi %ne3A_248, %ne3A_251 : i1
        %sub3A_253 = arith.constant 1 : i32
        %sub3A_254 = arith.subi %div3A_233, %sub3A_253 : i32
        %select_n3A_255 = arith.select %and3A_252, %sub3A_254, %div3A_233 : i32
        %mul3A_256 = arith.constant 16 : i32
        %mul3A_257 = arith.muli %select_n3A_255, %mul3A_256 : i32
        %multiple_of3A_258 = tpu.assume_multiple %mul3A_257, 8 : i32
        %get3A_259 = arith.index_cast %multiple_of3A_258 : i32 to index
        %get3A_260 = tpu.vector_load %arg8[%get3A_259] {strides = array<i32>} : memref<528xi32, #tpu.memory_space<vmem>>, vector<16xi32>,
        %iota3A_261 = tpu.iota {dimensions = array<i32: 0>} : vector<16xi32>
        %sub3A_262 = arith.subi %sub3A_125, %multiple_of3A_258 : i32
        %eq3A_263 = vector.broadcast %sub3A_262 : i32 to vector<16xi32>
        %eq3A_264 = arith.cmpi eq, %iota3A_261, %eq3A_263 : vector<16xi32>
        %jit3A_265 = arith.constant 0 : i32
        %broadcast_in_dim3A_266 = vector.broadcast %jit3A_265 : i32 to vector<16xi32>
        %select_n3A_267 = arith.select %eq3A_264, %get3A_260, %broadcast_in_dim3A_266 : vector<16xi1>, vector<16xi32>
        %reduce_sum3A_268 = arith.constant true
        %reduce_sum3A_269 = vector.broadcast %reduce_sum3A_268 : i1 to vector<16xi1>
        %reduce_sum3A_270 = tpu.scan <sum>, %select_n3A_267 masked %reduce_sum3A_269 : vector<16xi32>, vector<16xi1> -> vector<16xi32>
        %reduce_sum3A_271 = vector.extract %reduce_sum3A_270[15] : i32 from vector<16xi32>
        %jit3A_272 = arith.constant 16 : i32
        %div3A_273 = arith.divsi %reduce_sum3A_271, %jit3A_272 : i32
        %sign3A_274 = arith.constant 0 : i32
        %sign3A_275 = arith.cmpi sgt, %reduce_sum3A_271, %sign3A_274 : i32
        %sign3A_276 = arith.extui %sign3A_275 : i1 to i32
        %sign3A_277 = arith.constant 0 : i32
        %sign3A_278 = arith.cmpi slt, %reduce_sum3A_271, %sign3A_277 : i32
        %sign3A_279 = arith.extui %sign3A_278 : i1 to i32
        %sign3A_280 = arith.subi %sign3A_276, %sign3A_279 : i32
        %sign3A_281 = arith.constant 0 : i32
        %sign3A_282 = arith.cmpi sgt, %jit3A_272, %sign3A_281 : i32
        %sign3A_283 = arith.extui %sign3A_282 : i1 to i32
        %sign3A_284 = arith.constant 0 : i32
        %sign3A_285 = arith.cmpi slt, %jit3A_272, %sign3A_284 : i32
        %sign3A_286 = arith.extui %sign3A_285 : i1 to i32
        %sign3A_287 = arith.subi %sign3A_283, %sign3A_286 : i32
        %ne3A_288 = arith.cmpi ne, %sign3A_280, %sign3A_287 : i32
        %rem3A_289 = arith.remsi %reduce_sum3A_271, %jit3A_272 : i32
        %ne3A_290 = arith.constant 0 : i32
        %ne3A_291 = arith.cmpi ne, %rem3A_289, %ne3A_290 : i32
        %and3A_292 = arith.andi %ne3A_288, %ne3A_291 : i1
        %sub3A_293 = arith.constant 1 : i32
        %sub3A_294 = arith.subi %div3A_273, %sub3A_293 : i32
        %select_n3A_295 = arith.select %and3A_292, %sub3A_294, %div3A_273 : i32
        %mul3A_296 = arith.constant 16 : i32
        %mul3A_297 = arith.muli %select_n3A_295, %mul3A_296 : i32
        %multiple_of3A_298 = tpu.assume_multiple %mul3A_297, 8 : i32
        %get3A_299 = arith.index_cast %multiple_of3A_298 : i32 to index
        %get3A_300 = tpu.vector_load %arg7[%get3A_299] {strides = array<i32>} : memref<512xi32, #tpu.memory_space<vmem>>, vector<16xi32>,
        %iota3A_301 = tpu.iota {dimensions = array<i32: 0>} : vector<16xi32>
        %sub3A_302 = arith.subi %reduce_sum3A_271, %multiple_of3A_298 : i32
        %eq3A_303 = vector.broadcast %sub3A_302 : i32 to vector<16xi32>
        %eq3A_304 = arith.cmpi eq, %iota3A_301, %eq3A_303 : vector<16xi32>
        %jit3A_305 = arith.constant 0 : i32
        %broadcast_in_dim3A_306 = vector.broadcast %jit3A_305 : i32 to vector<16xi32>
        %select_n3A_307 = arith.select %eq3A_304, %get3A_300, %broadcast_in_dim3A_306 : vector<16xi1>, vector<16xi32>
        %reduce_sum3A_308 = arith.constant true
        %reduce_sum3A_309 = vector.broadcast %reduce_sum3A_308 : i1 to vector<16xi1>
        %reduce_sum3A_310 = tpu.scan <sum>, %select_n3A_307 masked %reduce_sum3A_309 : vector<16xi32>, vector<16xi1> -> vector<16xi32>
        %reduce_sum3A_311 = vector.extract %reduce_sum3A_310[15] : i32 from vector<16xi32>
        %shift_right_arithmetic3A = arith.constant 7 : i32
        %shift_right_arithmetic3A_312 = arith.shrsi %reduce_sum3A_311, %shift_right_arithmetic3A : i32
        %lt3A_313 = arith.constant 7812 : i32
        %lt3A_314 = arith.cmpi slt, %shift_right_arithmetic3A_312, %lt3A_313 : i32
        %convert_element_type3A_315 = arith.extui %lt3A_314 : i1 to i32
        %cond3A_316 = arith.constant 0 : i32
        %cond3A_317 = arith.cmpi ne, %convert_element_type3A_315, %cond3A_316 : i32
        scf.if %cond3A_317 {
          %mul3A_322 = arith.constant 128 : i32
          %mul3A_323 = arith.muli %shift_right_arithmetic3A_312, %mul3A_322 : i32
          %multiple_of3A_324 = tpu.assume_multiple %mul3A_323, 128 : i32
          %dma_start3A = arith.constant 0 : i32
          %dma_start3A_325 = arith.constant 0 : i32
          %dma_start3A_326 = tpu.memref_slice %arg10[%rem3A_231, %dma_start3A, %dma_start3A_325] : memref<8x64x128xf32, #tpu.memory_space<vmem>> -> memref<1x64x128xf32, #tpu.memory_space<vmem>>
          %dma_start3A_327 = tpu.memref_squeeze %dma_start3A_326 : memref<1x64x128xf32, #tpu.memory_space<vmem>> -> memref<64x128xf32, #tpu.memory_space<vmem>>
          %dma_start3A_328 = arith.constant 0 : i32
          %dma_start3A_329 = tpu.memref_slice %arg4[%dma_start3A_328, %multiple_of3A_324] : memref<64x1000000xf32, #tpu.memory_space<hbm>> -> memref<64x128xf32, #tpu.memory_space<hbm>>
          %dma_start3A_330 = tpu.memref_slice %arg12[%rem3A_231] : memref<8x!tpu.dma_semaphore, #tpu.memory_space<semaphore_mem>> -> memref<1x!tpu.dma_semaphore, #tpu.memory_space<semaphore_mem>>
          %dma_start3A_331 = tpu.memref_squeeze %dma_start3A_330 : memref<1x!tpu.dma_semaphore, #tpu.memory_space<semaphore_mem>> -> memref<!tpu.dma_semaphore, #tpu.memory_space<semaphore_mem>>
          %dma_start3A_332 = arith.constant 0 : i32
          %dma_start3A_333 = arith.constant 0 : i32
          %dma_start3A_334 = tpu.memref_slice %arg10[%rem3A_231, %dma_start3A_332, %dma_start3A_333] : memref<8x64x128xf32, #tpu.memory_space<vmem>> -> memref<1x64x128xf32, #tpu.memory_space<vmem>>
          %dma_start3A_335 = tpu.memref_squeeze %dma_start3A_334 : memref<1x64x128xf32, #tpu.memory_space<vmem>> -> memref<64x128xf32, #tpu.memory_space<vmem>>
          %dma_start3A_336 = arith.constant 0 : i32
          %dma_start3A_337 = tpu.memref_slice %arg4[%dma_start3A_336, %multiple_of3A_324] : memref<64x1000000xf32, #tpu.memory_space<hbm>> -> memref<64x128xf32, #tpu.memory_space<hbm>>
          tpu.enqueue_dma source(%dma_start3A_337 : memref<64x128xf32, #tpu.memory_space<hbm>>) target(%dma_start3A_335 : memref<64x128xf32, #tpu.memory_space<vmem>>) target_semaphore(%dma_start3A_331 : memref<!tpu.dma_semaphore, #tpu.memory_space<semaphore_mem>>)
        } else {
        }
        %ge3A = arith.constant 7812 : i32
        %ge3A_318 = arith.cmpi sge, %shift_right_arithmetic3A_312, %ge3A : i32
        %convert_element_type3A_319 = arith.extui %ge3A_318 : i1 to i32
        %cond3A_320 = arith.constant 0 : i32
        %cond3A_321 = arith.cmpi ne, %convert_element_type3A_319, %cond3A_320 : i32
        scf.if %cond3A_321 {
          %dma_start3A = arith.constant 0 : i32
          %dma_start3A_322 = arith.constant 0 : i32
          %dma_start3A_323 = tpu.memref_slice %arg10[%rem3A_231, %dma_start3A, %dma_start3A_322] : memref<8x64x128xf32, #tpu.memory_space<vmem>> -> memref<1x64x128xf32, #tpu.memory_space<vmem>>
          %dma_start3A_324 = tpu.memref_squeeze %dma_start3A_323 : memref<1x64x128xf32, #tpu.memory_space<vmem>> -> memref<64x128xf32, #tpu.memory_space<vmem>>
          %dma_start3A_325 = tpu.memref_slice %arg12[%rem3A_231] : memref<8x!tpu.dma_semaphore, #tpu.memory_space<semaphore_mem>> -> memref<1x!tpu.dma_semaphore, #tpu.memory_space<semaphore_mem>>
          %dma_start3A_326 = tpu.memref_squeeze %dma_start3A_325 : memref<1x!tpu.dma_semaphore, #tpu.memory_space<semaphore_mem>> -> memref<!tpu.dma_semaphore, #tpu.memory_space<semaphore_mem>>
          %dma_start3A_327 = arith.constant 0 : i32
          %dma_start3A_328 = arith.constant 0 : i32
          %dma_start3A_329 = tpu.memref_slice %arg10[%rem3A_231, %dma_start3A_327, %dma_start3A_328] : memref<8x64x128xf32, #tpu.memory_space<vmem>> -> memref<1x64x128xf32, #tpu.memory_space<vmem>>
          %dma_start3A_330 = tpu.memref_squeeze %dma_start3A_329 : memref<1x64x128xf32, #tpu.memory_space<vmem>> -> memref<64x128xf32, #tpu.memory_space<vmem>>
          tpu.enqueue_dma source(%arg5 : memref<64x128xf32, #tpu.memory_space<hbm>>) target(%dma_start3A_330 : memref<64x128xf32, #tpu.memory_space<vmem>>) target_semaphore(%dma_start3A_326 : memref<!tpu.dma_semaphore, #tpu.memory_space<semaphore_mem>>)
        } else {
        }
      } else {
      }
      %dma_wait3A_129 = arith.constant 0 : i32
      %dma_wait3A_130 = arith.constant 0 : i32
      %dma_wait3A_131 = tpu.memref_slice %arg10[%rem3A_122, %dma_wait3A_129, %dma_wait3A_130] : memref<8x64x128xf32, #tpu.memory_space<vmem>> -> memref<1x64x128xf32, #tpu.memory_space<vmem>>
      %dma_wait3A_132 = tpu.memref_squeeze %dma_wait3A_131 : memref<1x64x128xf32, #tpu.memory_space<vmem>> -> memref<64x128xf32, #tpu.memory_space<vmem>>
      %dma_wait3A_133 = arith.constant 0 : i32
      %dma_wait3A_134 = arith.constant 0 : i32
      %dma_wait3A_135 = tpu.memref_slice %arg4[%dma_wait3A_133, %dma_wait3A_134] : memref<64x1000000xf32, #tpu.memory_space<hbm>> -> memref<64x128xf32, #tpu.memory_space<hbm>>
      %dma_wait3A_136 = tpu.memref_slice %arg12[%rem3A_122] : memref<8x!tpu.dma_semaphore, #tpu.memory_space<semaphore_mem>> -> memref<1x!tpu.dma_semaphore, #tpu.memory_space<semaphore_mem>>
      %dma_wait3A_137 = tpu.memref_squeeze %dma_wait3A_136 : memref<1x!tpu.dma_semaphore, #tpu.memory_space<semaphore_mem>> -> memref<!tpu.dma_semaphore, #tpu.memory_space<semaphore_mem>>
      %dma_wait3A_138 = arith.constant 0 : i32
      %dma_wait3A_139 = arith.constant 0 : i32
      %dma_wait3A_140 = tpu.memref_slice %arg10[%rem3A_122, %dma_wait3A_138, %dma_wait3A_139] : memref<8x64x128xf32, #tpu.memory_space<vmem>> -> memref<1x64x128xf32, #tpu.memory_space<vmem>>
      %dma_wait3A_141 = tpu.memref_squeeze %dma_wait3A_140 : memref<1x64x128xf32, #tpu.memory_space<vmem>> -> memref<64x128xf32, #tpu.memory_space<vmem>>
      %dma_wait3A_142 = arith.constant 0 : i32
      %dma_wait3A_143 = arith.constant 0 : i32
      %dma_wait3A_144 = tpu.memref_slice %arg4[%dma_wait3A_142, %dma_wait3A_143] : memref<64x1000000xf32, #tpu.memory_space<hbm>> -> memref<64x128xf32, #tpu.memory_space<hbm>>
      tpu.wait_dma2 semaphore(%dma_wait3A_137 : memref<!tpu.dma_semaphore, #tpu.memory_space<semaphore_mem>>) src(%dma_wait3A_144 : memref<64x128xf32, #tpu.memory_space<hbm>>) dst(%dma_wait3A_141 : memref<64x128xf32, #tpu.memory_space<vmem>>)
      %jit3A = arith.constant 16 : i32
      %div3A = arith.divsi %while3A_120, %jit3A : i32
      %sign3A = arith.constant 0 : i32
      %sign3A_145 = arith.cmpi sgt, %while3A_120, %sign3A : i32
      %sign3A_146 = arith.extui %sign3A_145 : i1 to i32
      %sign3A_147 = arith.constant 0 : i32
      %sign3A_148 = arith.cmpi slt, %while3A_120, %sign3A_147 : i32
      %sign3A_149 = arith.extui %sign3A_148 : i1 to i32
      %sign3A_150 = arith.subi %sign3A_146, %sign3A_149 : i32
      %sign3A_151 = arith.constant 0 : i32
      %sign3A_152 = arith.cmpi sgt, %jit3A, %sign3A_151 : i32
      %sign3A_153 = arith.extui %sign3A_152 : i1 to i32
      %sign3A_154 = arith.constant 0 : i32
      %sign3A_155 = arith.cmpi slt, %jit3A, %sign3A_154 : i32
      %sign3A_156 = arith.extui %sign3A_155 : i1 to i32
      %sign3A_157 = arith.subi %sign3A_153, %sign3A_156 : i32
      %ne3A = arith.cmpi ne, %sign3A_150, %sign3A_157 : i32
      %rem3A_158 = arith.remsi %while3A_120, %jit3A : i32
      %ne3A_159 = arith.constant 0 : i32
      %ne3A_160 = arith.cmpi ne, %rem3A_158, %ne3A_159 : i32
      %and3A = arith.andi %ne3A, %ne3A_160 : i1
      %sub3A_161 = arith.constant 1 : i32
      %sub3A_162 = arith.subi %div3A, %sub3A_161 : i32
      %select_n3A = arith.select %and3A, %sub3A_162, %div3A : i32
      %mul3A_163 = arith.constant 16 : i32
      %mul3A_164 = arith.muli %select_n3A, %mul3A_163 : i32
      %multiple_of3A = tpu.assume_multiple %mul3A_164, 8 : i32
      %get3A = arith.index_cast %multiple_of3A : i32 to index
      %get3A_165 = tpu.vector_load %arg8[%get3A] {strides = array<i32>} : memref<528xi32, #tpu.memory_space<vmem>>, vector<16xi32>,
      %iota3A_166 = tpu.iota {dimensions = array<i32: 0>} : vector<16xi32>
      %sub3A_167 = arith.subi %while3A_120, %multiple_of3A : i32
      %eq3A_168 = vector.broadcast %sub3A_167 : i32 to vector<16xi32>
      %eq3A_169 = arith.cmpi eq, %iota3A_166, %eq3A_168 : vector<16xi32>
      %jit3A_170 = arith.constant 0 : i32
      %broadcast_in_dim3A_171 = vector.broadcast %jit3A_170 : i32 to vector<16xi32>
      %select_n3A_172 = arith.select %eq3A_169, %get3A_165, %broadcast_in_dim3A_171 : vector<16xi1>, vector<16xi32>
      %reduce_sum3A = arith.constant true
      %reduce_sum3A_173 = vector.broadcast %reduce_sum3A : i1 to vector<16xi1>
      %reduce_sum3A_174 = tpu.scan <sum>, %select_n3A_172 masked %reduce_sum3A_173 : vector<16xi32>, vector<16xi1> -> vector<16xi32>
      %reduce_sum3A_175 = vector.extract %reduce_sum3A_174[15] : i32 from vector<16xi32>
      %add3A_176 = arith.constant 1 : i32
      %add3A_177 = arith.addi %while3A_120, %add3A_176 : i32
      %jit3A_178 = arith.constant 16 : i32
      %div3A_179 = arith.divsi %add3A_177, %jit3A_178 : i32
      %sign3A_180 = arith.constant 0 : i32
      %sign3A_181 = arith.cmpi sgt, %add3A_177, %sign3A_180 : i32
      %sign3A_182 = arith.extui %sign3A_181 : i1 to i32
      %sign3A_183 = arith.constant 0 : i32
      %sign3A_184 = arith.cmpi slt, %add3A_177, %sign3A_183 : i32
      %sign3A_185 = arith.extui %sign3A_184 : i1 to i32
      %sign3A_186 = arith.subi %sign3A_182, %sign3A_185 : i32
      %sign3A_187 = arith.constant 0 : i32
      %sign3A_188 = arith.cmpi sgt, %jit3A_178, %sign3A_187 : i32
      %sign3A_189 = arith.extui %sign3A_188 : i1 to i32
      %sign3A_190 = arith.constant 0 : i32
      %sign3A_191 = arith.cmpi slt, %jit3A_178, %sign3A_190 : i32
      %sign3A_192 = arith.extui %sign3A_191 : i1 to i32
      %sign3A_193 = arith.subi %sign3A_189, %sign3A_192 : i32
      %ne3A_194 = arith.cmpi ne, %sign3A_186, %sign3A_193 : i32
      %rem3A_195 = arith.remsi %add3A_177, %jit3A_178 : i32
      %ne3A_196 = arith.constant 0 : i32
      %ne3A_197 = arith.cmpi ne, %rem3A_195, %ne3A_196 : i32
      %and3A_198 = arith.andi %ne3A_194, %ne3A_197 : i1
      %sub3A_199 = arith.constant 1 : i32
      %sub3A_200 = arith.subi %div3A_179, %sub3A_199 : i32
      %select_n3A_201 = arith.select %and3A_198, %sub3A_200, %div3A_179 : i32
      %mul3A_202 = arith.constant 16 : i32
      %mul3A_203 = arith.muli %select_n3A_201, %mul3A_202 : i32
      %multiple_of3A_204 = tpu.assume_multiple %mul3A_203, 8 : i32
      %get3A_205 = arith.index_cast %multiple_of3A_204 : i32 to index
      %get3A_206 = tpu.vector_load %arg8[%get3A_205] {strides = array<i32>} : memref<528xi32, #tpu.memory_space<vmem>>, vector<16xi32>,
      %iota3A_207 = tpu.iota {dimensions = array<i32: 0>} : vector<16xi32>
      %sub3A_208 = arith.subi %add3A_177, %multiple_of3A_204 : i32
      %eq3A_209 = vector.broadcast %sub3A_208 : i32 to vector<16xi32>
      %eq3A_210 = arith.cmpi eq, %iota3A_207, %eq3A_209 : vector<16xi32>
      %jit3A_211 = arith.constant 0 : i32
      %broadcast_in_dim3A_212 = vector.broadcast %jit3A_211 : i32 to vector<16xi32>
      %select_n3A_213 = arith.select %eq3A_210, %get3A_206, %broadcast_in_dim3A_212 : vector<16xi1>, vector<16xi32>
      %reduce_sum3A_214 = arith.constant true
      %reduce_sum3A_215 = vector.broadcast %reduce_sum3A_214 : i1 to vector<16xi1>
      %reduce_sum3A_216 = tpu.scan <sum>, %select_n3A_213 masked %reduce_sum3A_215 : vector<16xi32>, vector<16xi1> -> vector<16xi32>
      %reduce_sum3A_217 = vector.extract %reduce_sum3A_216[15] : i32 from vector<16xi32>
      %while3A_218 = arith.constant 0 : i32
      %while3A_219 = arith.subi %reduce_sum3A_217, %reduce_sum3A_175 : i32
      %while3A_220 = arith.addi %reduce_sum3A_175, %while3A_219 : i32
      %while3A_221 = arith.constant 1 : i32
      %while3A_222 = arith.divsi %while3A_219, %while3A_221 : i32
      %while3A_223 = arith.muli %while3A_222, %while3A_221 : i32
      %while3A_224 = arith.addi %reduce_sum3A_175, %while3A_223 : i32
      %while3A_225 = arith.constant 1 : i32
      %while3A_226 = scf.for %while3A_230 = %reduce_sum3A_175 to %while3A_224 step %while3A_225 iter_args(%while3A_231 = %while3A_218) -> (i32)  : i32 {
        %jit3A_232 = arith.constant 64 : i32
        %div3A_233 = arith.divsi %while3A_230, %jit3A_232 : i32
        %sign3A_234 = arith.constant 0 : i32
        %sign3A_235 = arith.cmpi sgt, %while3A_230, %sign3A_234 : i32
        %sign3A_236 = arith.extui %sign3A_235 : i1 to i32
        %sign3A_237 = arith.constant 0 : i32
        %sign3A_238 = arith.cmpi slt, %while3A_230, %sign3A_237 : i32
        %sign3A_239 = arith.extui %sign3A_238 : i1 to i32
        %sign3A_240 = arith.subi %sign3A_236, %sign3A_239 : i32
        %sign3A_241 = arith.constant 0 : i32
        %sign3A_242 = arith.cmpi sgt, %jit3A_232, %sign3A_241 : i32
        %sign3A_243 = arith.extui %sign3A_242 : i1 to i32
        %sign3A_244 = arith.constant 0 : i32
        %sign3A_245 = arith.cmpi slt, %jit3A_232, %sign3A_244 : i32
        %sign3A_246 = arith.extui %sign3A_245 : i1 to i32
        %sign3A_247 = arith.subi %sign3A_243, %sign3A_246 : i32
        %ne3A_248 = arith.cmpi ne, %sign3A_240, %sign3A_247 : i32
        %rem3A_249 = arith.remsi %while3A_230, %jit3A_232 : i32
        %ne3A_250 = arith.constant 0 : i32
        %ne3A_251 = arith.cmpi ne, %rem3A_249, %ne3A_250 : i32
        %and3A_252 = arith.andi %ne3A_248, %ne3A_251 : i1
        %sub3A_253 = arith.constant 1 : i32
        %sub3A_254 = arith.subi %div3A_233, %sub3A_253 : i32
        %select_n3A_255 = arith.select %and3A_252, %sub3A_254, %div3A_233 : i32
        %rem3A_256 = arith.constant 4 : i32
        %rem3A_257 = arith.remsi %select_n3A_255, %rem3A_256 : i32
        %rem3A_258 = arith.constant 64 : i32
        %rem3A_259 = arith.remsi %while3A_230, %rem3A_258 : i32
        %eq3A_260 = arith.constant 0 : i32
        %eq3A_261 = arith.cmpi eq, %rem3A_259, %eq3A_260 : i32
        %ge3A = arith.constant 256 : i32
        %ge3A_262 = arith.cmpi sge, %while3A_230, %ge3A : i32
        %and3A_263 = arith.andi %eq3A_261, %ge3A_262 : i1
        %convert_element_type3A_264 = arith.extui %and3A_263 : i1 to i32
        %cond3A_265 = arith.constant 0 : i32
        %cond3A_266 = arith.cmpi ne, %convert_element_type3A_264, %cond3A_265 : i32
        scf.if %cond3A_266 {
          %dma_wait3A_363 = arith.constant 0 : i32
          %dma_wait3A_364 = arith.constant 0 : i32
          %dma_wait3A_365 = arith.constant 0 : i32
          %dma_wait3A_366 = tpu.memref_slice %arg11[%dma_wait3A_363, %dma_wait3A_364, %dma_wait3A_365] : memref<4x64x128xf32, #tpu.memory_space<vmem>> -> memref<1x64x128xf32, #tpu.memory_space<vmem>>
          %dma_wait3A_367 = tpu.memref_squeeze %dma_wait3A_366 : memref<1x64x128xf32, #tpu.memory_space<vmem>> -> memref<64x128xf32, #tpu.memory_space<vmem>>
          %dma_wait3A_368 = arith.constant 0 : i32
          %dma_wait3A_369 = arith.constant 0 : i32
          %dma_wait3A_370 = tpu.memref_slice %arg6[%dma_wait3A_368, %dma_wait3A_369] : memref<16384x128xf32, #tpu.memory_space<hbm>> -> memref<64x128xf32, #tpu.memory_space<hbm>>
          %dma_wait3A_371 = arith.constant 0 : i32
          %dma_wait3A_372 = arith.constant 0 : i32
          %dma_wait3A_373 = tpu.memref_slice %arg6[%dma_wait3A_371, %dma_wait3A_372] : memref<16384x128xf32, #tpu.memory_space<hbm>> -> memref<64x128xf32, #tpu.memory_space<hbm>>
          %dma_wait3A_374 = arith.constant 0 : i32
          %dma_wait3A_375 = arith.constant 0 : i32
          %dma_wait3A_376 = tpu.memref_slice %arg11[%dma_wait3A_363, %dma_wait3A_374, %dma_wait3A_375] : memref<4x64x128xf32, #tpu.memory_space<vmem>> -> memref<1x64x128xf32, #tpu.memory_space<vmem>>
          %dma_wait3A_377 = tpu.memref_squeeze %dma_wait3A_376 : memref<1x64x128xf32, #tpu.memory_space<vmem>> -> memref<64x128xf32, #tpu.memory_space<vmem>>
          tpu.wait_dma2 semaphore(%arg13 : memref<!tpu.dma_semaphore, #tpu.memory_space<semaphore_mem>>) src(%dma_wait3A_377 : memref<64x128xf32, #tpu.memory_space<vmem>>) dst(%dma_wait3A_373 : memref<64x128xf32, #tpu.memory_space<hbm>>)
        } else {
        }
        %jit3A_267 = arith.constant 16 : i32
        %div3A_268 = arith.divsi %while3A_230, %jit3A_267 : i32
        %sign3A_269 = arith.constant 0 : i32
        %sign3A_270 = arith.cmpi sgt, %while3A_230, %sign3A_269 : i32
        %sign3A_271 = arith.extui %sign3A_270 : i1 to i32
        %sign3A_272 = arith.constant 0 : i32
        %sign3A_273 = arith.cmpi slt, %while3A_230, %sign3A_272 : i32
        %sign3A_274 = arith.extui %sign3A_273 : i1 to i32
        %sign3A_275 = arith.subi %sign3A_271, %sign3A_274 : i32
        %sign3A_276 = arith.constant 0 : i32
        %sign3A_277 = arith.cmpi sgt, %jit3A_267, %sign3A_276 : i32
        %sign3A_278 = arith.extui %sign3A_277 : i1 to i32
        %sign3A_279 = arith.constant 0 : i32
        %sign3A_280 = arith.cmpi slt, %jit3A_267, %sign3A_279 : i32
        %sign3A_281 = arith.extui %sign3A_280 : i1 to i32
        %sign3A_282 = arith.subi %sign3A_278, %sign3A_281 : i32
        %ne3A_283 = arith.cmpi ne, %sign3A_275, %sign3A_282 : i32
        %rem3A_284 = arith.remsi %while3A_230, %jit3A_267 : i32
        %ne3A_285 = arith.constant 0 : i32
        %ne3A_286 = arith.cmpi ne, %rem3A_284, %ne3A_285 : i32
        %and3A_287 = arith.andi %ne3A_283, %ne3A_286 : i1
        %sub3A_288 = arith.constant 1 : i32
        %sub3A_289 = arith.subi %div3A_268, %sub3A_288 : i32
        %select_n3A_290 = arith.select %and3A_287, %sub3A_289, %div3A_268 : i32
        %mul3A_291 = arith.constant 16 : i32
        %mul3A_292 = arith.muli %select_n3A_290, %mul3A_291 : i32
        %multiple_of3A_293 = tpu.assume_multiple %mul3A_292, 8 : i32
        %get3A_294 = arith.index_cast %multiple_of3A_293 : i32 to index
        %get3A_295 = tpu.vector_load %arg7[%get3A_294] {strides = array<i32>} : memref<512xi32, #tpu.memory_space<vmem>>, vector<16xi32>,
        %and3A_296 = arith.constant 127 : i32
        %and3A_297 = vector.broadcast %and3A_296 : i32 to vector<16xi32>
        %and3A_298 = arith.andi %get3A_295, %and3A_297 : vector<16xi32>
        %sub3A_299 = arith.subi %while3A_230, %multiple_of3A_293 : i32
        %broadcast_in_dim3A_300 = vector.broadcast %sub3A_299 : i32 to vector<16xi32>
        %lt3A_301 = arith.constant 0 : i32
        %lt3A_302 = vector.broadcast %lt3A_301 : i32 to vector<16xi32>
        %lt3A_303 = arith.cmpi slt, %broadcast_in_dim3A_300, %lt3A_302 : vector<16xi32>
        %add3A_304 = arith.constant 16 : i32
        %add3A_305 = vector.broadcast %add3A_304 : i32 to vector<16xi32>
        %add3A_306 = arith.addi %broadcast_in_dim3A_300, %add3A_305 : vector<16xi32>
        %select_n3A_307 = arith.select %lt3A_303, %add3A_306, %broadcast_in_dim3A_300 : vector<16xi1>, vector<16xi32>
        %broadcast_in_dim3A_308 = vector.shape_cast %select_n3A_307 : vector<16xi32> to vector<16x1xi32>
        %gather3A = vector.shape_cast %broadcast_in_dim3A_308 : vector<16x1xi32> to vector<16xi32>
        %gather3A_309 = tpu.dynamic_gather %and3A_298[%gather3A] in [0] : vector<16xi32>, vector<16xi32> -> vector<16xi32>
        %add3A_310 = arith.constant 0 : i32
        %add3A_311 = vector.broadcast %add3A_310 : i32 to vector<16xi32>
        %add3A_312 = arith.addi %iota3A, %add3A_311 : vector<16xi32>
        %gather3A_313 = arith.constant 0 : i32
        %gather3A_314 = arith.constant 0 : i32
        %gather3A_315 = tpu.memref_slice %arg10[%rem3A_122, %gather3A_313, %gather3A_314] : memref<8x64x128xf32, #tpu.memory_space<vmem>> -> memref<1x64x128xf32, #tpu.memory_space<vmem>>
        %gather3A_316 = tpu.memref_squeeze %gather3A_315 : memref<1x64x128xf32, #tpu.memory_space<vmem>> -> memref<64x128xf32, #tpu.memory_space<vmem>>
        %gather3A_317 = tpu.vector_load_idx %gather3A_316[%add3A_312, %gather3A_309] : memref<64x128xf32, #tpu.memory_space<vmem>>[vector<16xi32>, vector<16xi32>], vector<16xf32>,
        %swap3A = arith.index_cast %rem3A_257 : i32 to index
        %swap3A_318 = arith.index_cast %rem3A_259 : i32 to index
        %swap3A_319 = arith.constant 0 : index
        %swap3A_320 = tpu.vector_load %arg11[%swap3A, %swap3A_318, %swap3A_319] {strides = array<i32>} : memref<4x64x128xf32, #tpu.memory_space<vmem>>, vector<16xf32>,
        tpu.vector_store %arg11[%swap3A, %swap3A_318, %swap3A_319], %gather3A_317 {strides = array<i32>} : memref<4x64x128xf32, #tpu.memory_space<vmem>>, vector<16xf32>,
        %add3A_321 = arith.constant 16 : i32
        %add3A_322 = vector.broadcast %add3A_321 : i32 to vector<16xi32>
        %add3A_323 = arith.addi %iota3A, %add3A_322 : vector<16xi32>
        %gather3A_324 = arith.constant 0 : i32
        %gather3A_325 = arith.constant 0 : i32
        %gather3A_326 = tpu.memref_slice %arg10[%rem3A_122, %gather3A_324, %gather3A_325] : memref<8x64x128xf32, #tpu.memory_space<vmem>> -> memref<1x64x128xf32, #tpu.memory_space<vmem>>
        %gather3A_327 = tpu.memref_squeeze %gather3A_326 : memref<1x64x128xf32, #tpu.memory_space<vmem>> -> memref<64x128xf32, #tpu.memory_space<vmem>>
        %gather3A_328 = tpu.vector_load_idx %gather3A_327[%add3A_323, %gather3A_309] : memref<64x128xf32, #tpu.memory_space<vmem>>[vector<16xi32>, vector<16xi32>], vector<16xf32>,
        %swap3A_329 = arith.index_cast %rem3A_257 : i32 to index
        %swap3A_330 = arith.index_cast %rem3A_259 : i32 to index
        %swap3A_331 = arith.constant 16 : index
        %swap3A_332 = tpu.vector_load %arg11[%swap3A_329, %swap3A_330, %swap3A_331] {strides = array<i32>} : memref<4x64x128xf32, #tpu.memory_space<vmem>>, vector<16xf32>,
        tpu.vector_store %arg11[%swap3A_329, %swap3A_330, %swap3A_331], %gather3A_328 {strides = array<i32>} : memref<4x64x128xf32, #tpu.memory_space<vmem>>, vector<16xf32>,
        %add3A_333 = arith.constant 32 : i32
        %add3A_334 = vector.broadcast %add3A_333 : i32 to vector<16xi32>
        %add3A_335 = arith.addi %iota3A, %add3A_334 : vector<16xi32>
        %gather3A_336 = arith.constant 0 : i32
        %gather3A_337 = arith.constant 0 : i32
        %gather3A_338 = tpu.memref_slice %arg10[%rem3A_122, %gather3A_336, %gather3A_337] : memref<8x64x128xf32, #tpu.memory_space<vmem>> -> memref<1x64x128xf32, #tpu.memory_space<vmem>>
        %gather3A_339 = tpu.memref_squeeze %gather3A_338 : memref<1x64x128xf32, #tpu.memory_space<vmem>> -> memref<64x128xf32, #tpu.memory_space<vmem>>
        %gather3A_340 = tpu.vector_load_idx %gather3A_339[%add3A_335, %gather3A_309] : memref<64x128xf32, #tpu.memory_space<vmem>>[vector<16xi32>, vector<16xi32>], vector<16xf32>,
        %swap3A_341 = arith.index_cast %rem3A_257 : i32 to index
        %swap3A_342 = arith.index_cast %rem3A_259 : i32 to index
        %swap3A_343 = arith.constant 32 : index
        %swap3A_344 = tpu.vector_load %arg11[%swap3A_341, %swap3A_342, %swap3A_343] {strides = array<i32>} : memref<4x64x128xf32, #tpu.memory_space<vmem>>, vector<16xf32>,
        tpu.vector_store %arg11[%swap3A_341, %swap3A_342, %swap3A_343], %gather3A_340 {strides = array<i32>} : memref<4x64x128xf32, #tpu.memory_space<vmem>>, vector<16xf32>,
        %add3A_345 = arith.constant 48 : i32
        %add3A_346 = vector.broadcast %add3A_345 : i32 to vector<16xi32>
        %add3A_347 = arith.addi %iota3A, %add3A_346 : vector<16xi32>
        %gather3A_348 = arith.constant 0 : i32
        %gather3A_349 = arith.constant 0 : i32
        %gather3A_350 = tpu.memref_slice %arg10[%rem3A_122, %gather3A_348, %gather3A_349] : memref<8x64x128xf32, #tpu.memory_space<vmem>> -> memref<1x64x128xf32, #tpu.memory_space<vmem>>
        %gather3A_351 = tpu.memref_squeeze %gather3A_350 : memref<1x64x128xf32, #tpu.memory_space<vmem>> -> memref<64x128xf32, #tpu.memory_space<vmem>>
        %gather3A_352 = tpu.vector_load_idx %gather3A_351[%add3A_347, %gather3A_309] : memref<64x128xf32, #tpu.memory_space<vmem>>[vector<16xi32>, vector<16xi32>], vector<16xf32>,
        %swap3A_353 = arith.index_cast %rem3A_257 : i32 to index
        %swap3A_354 = arith.index_cast %rem3A_259 : i32 to index
        %swap3A_355 = arith.constant 48 : index
        %swap3A_356 = tpu.vector_load %arg11[%swap3A_353, %swap3A_354, %swap3A_355] {strides = array<i32>} : memref<4x64x128xf32, #tpu.memory_space<vmem>>, vector<16xf32>,
        tpu.vector_store %arg11[%swap3A_353, %swap3A_354, %swap3A_355], %gather3A_352 {strides = array<i32>} : memref<4x64x128xf32, #tpu.memory_space<vmem>>, vector<16xf32>,
        %eq3A_357 = arith.constant 63 : i32
        %eq3A_358 = arith.cmpi eq, %rem3A_259, %eq3A_357 : i32
        %convert_element_type3A_359 = arith.extui %eq3A_358 : i1 to i32
        %cond3A_360 = arith.constant 0 : i32
        %cond3A_361 = arith.cmpi ne, %convert_element_type3A_359, %cond3A_360 : i32
        scf.if %cond3A_361 {
          %jit3A_363 = arith.constant 64 : i32
          %div3A_364 = arith.divsi %while3A_230, %jit3A_363 : i32
          %sign3A_365 = arith.constant 0 : i32
          %sign3A_366 = arith.cmpi sgt, %while3A_230, %sign3A_365 : i32
          %sign3A_367 = arith.extui %sign3A_366 : i1 to i32
          %sign3A_368 = arith.constant 0 : i32
          %sign3A_369 = arith.cmpi slt, %while3A_230, %sign3A_368 : i32
          %sign3A_370 = arith.extui %sign3A_369 : i1 to i32
          %sign3A_371 = arith.subi %sign3A_367, %sign3A_370 : i32
          %sign3A_372 = arith.constant 0 : i32
          %sign3A_373 = arith.cmpi sgt, %jit3A_363, %sign3A_372 : i32
          %sign3A_374 = arith.extui %sign3A_373 : i1 to i32
          %sign3A_375 = arith.constant 0 : i32
          %sign3A_376 = arith.cmpi slt, %jit3A_363, %sign3A_375 : i32
          %sign3A_377 = arith.extui %sign3A_376 : i1 to i32
          %sign3A_378 = arith.subi %sign3A_374, %sign3A_377 : i32
          %ne3A_379 = arith.cmpi ne, %sign3A_371, %sign3A_378 : i32
          %rem3A_380 = arith.remsi %while3A_230, %jit3A_363 : i32
          %ne3A_381 = arith.constant 0 : i32
          %ne3A_382 = arith.cmpi ne, %rem3A_380, %ne3A_381 : i32
          %and3A_383 = arith.andi %ne3A_379, %ne3A_382 : i1
          %sub3A_384 = arith.constant 1 : i32
          %sub3A_385 = arith.subi %div3A_364, %sub3A_384 : i32
          %select_n3A_386 = arith.select %and3A_383, %sub3A_385, %div3A_364 : i32
          %dma_start3A = arith.constant 0 : i32
          %dma_start3A_387 = arith.constant 0 : i32
          %dma_start3A_388 = tpu.memref_slice %arg11[%rem3A_257, %dma_start3A, %dma_start3A_387] : memref<4x64x128xf32, #tpu.memory_space<vmem>> -> memref<1x64x128xf32, #tpu.memory_space<vmem>>
          %dma_start3A_389 = tpu.memref_squeeze %dma_start3A_388 : memref<1x64x128xf32, #tpu.memory_space<vmem>> -> memref<64x128xf32, #tpu.memory_space<vmem>>
          %dma_start3A_390 = arith.constant 0 : i32
          %dma_start3A_391 = tpu.memref_slice %arg9[%select_n3A_386, %dma_start3A_390] : memref<8x64xi32, #tpu.memory_space<vmem>> -> memref<1x64xi32, #tpu.memory_space<vmem>>
          %dma_start3A_392 = tpu.memref_squeeze %dma_start3A_391 : memref<1x64xi32, #tpu.memory_space<vmem>> -> memref<64xi32, #tpu.memory_space<vmem>>
          %dma_start3A_393 = arith.constant 0 : i32
          %dma_start3A_394 = arith.constant 0 : i32
          %dma_start3A_395 = tpu.memref_slice %arg6[%dma_start3A_393, %dma_start3A_394] : memref<16384x128xf32, #tpu.memory_space<hbm>> -> memref<16384x128xf32, #tpu.memory_space<hbm>>
          tpu.enqueue_indirect_dma source(%dma_start3A_389 : memref<64x128xf32, #tpu.memory_space<vmem>>) target(%dma_start3A_395 : memref<16384x128xf32, #tpu.memory_space<hbm>>) offsets(%dma_start3A_392 : memref<64xi32, #tpu.memory_space<vmem>>) semaphore(%arg13 : memref<!tpu.dma_semaphore, #tpu.memory_space<semaphore_mem>>)
        } else {
        }
        %while3A_362 = arith.constant 0 : i32
        scf.yield %while3A_362 : i32
      }
      %while3A_227 = arith.constant 1 : i32
      %while3A_228 = scf.for %while3A_230 = %while3A_224 to %while3A_220 step %while3A_227 iter_args(%while3A_231 = %while3A_226) -> (i32)  : i32 {
        %jit3A_232 = arith.constant 64 : i32
        %div3A_233 = arith.divsi %while3A_230, %jit3A_232 : i32
        %sign3A_234 = arith.constant 0 : i32
        %sign3A_235 = arith.cmpi sgt, %while3A_230, %sign3A_234 : i32
        %sign3A_236 = arith.extui %sign3A_235 : i1 to i32
        %sign3A_237 = arith.constant 0 : i32
        %sign3A_238 = arith.cmpi slt, %while3A_230, %sign3A_237 : i32
        %sign3A_239 = arith.extui %sign3A_238 : i1 to i32
        %sign3A_240 = arith.subi %sign3A_236, %sign3A_239 : i32
        %sign3A_241 = arith.constant 0 : i32
        %sign3A_242 = arith.cmpi sgt, %jit3A_232, %sign3A_241 : i32
        %sign3A_243 = arith.extui %sign3A_242 : i1 to i32
        %sign3A_244 = arith.constant 0 : i32
        %sign3A_245 = arith.cmpi slt, %jit3A_232, %sign3A_244 : i32
        %sign3A_246 = arith.extui %sign3A_245 : i1 to i32
        %sign3A_247 = arith.subi %sign3A_243, %sign3A_246 : i32
        %ne3A_248 = arith.cmpi ne, %sign3A_240, %sign3A_247 : i32
        %rem3A_249 = arith.remsi %while3A_230, %jit3A_232 : i32
        %ne3A_250 = arith.constant 0 : i32
        %ne3A_251 = arith.cmpi ne, %rem3A_249, %ne3A_250 : i32
        %and3A_252 = arith.andi %ne3A_248, %ne3A_251 : i1
        %sub3A_253 = arith.constant 1 : i32
        %sub3A_254 = arith.subi %div3A_233, %sub3A_253 : i32
        %select_n3A_255 = arith.select %and3A_252, %sub3A_254, %div3A_233 : i32
        %rem3A_256 = arith.constant 4 : i32
        %rem3A_257 = arith.remsi %select_n3A_255, %rem3A_256 : i32
        %rem3A_258 = arith.constant 64 : i32
        %rem3A_259 = arith.remsi %while3A_230, %rem3A_258 : i32
        %eq3A_260 = arith.constant 0 : i32
        %eq3A_261 = arith.cmpi eq, %rem3A_259, %eq3A_260 : i32
        %ge3A = arith.constant 256 : i32
        %ge3A_262 = arith.cmpi sge, %while3A_230, %ge3A : i32
        %and3A_263 = arith.andi %eq3A_261, %ge3A_262 : i1
        %convert_element_type3A_264 = arith.extui %and3A_263 : i1 to i32
        %cond3A_265 = arith.constant 0 : i32
        %cond3A_266 = arith.cmpi ne, %convert_element_type3A_264, %cond3A_265 : i32
        scf.if %cond3A_266 {
          %dma_wait3A_363 = arith.constant 0 : i32
          %dma_wait3A_364 = arith.constant 0 : i32
          %dma_wait3A_365 = arith.constant 0 : i32
          %dma_wait3A_366 = tpu.memref_slice %arg11[%dma_wait3A_363, %dma_wait3A_364, %dma_wait3A_365] : memref<4x64x128xf32, #tpu.memory_space<vmem>> -> memref<1x64x128xf32, #tpu.memory_space<vmem>>
          %dma_wait3A_367 = tpu.memref_squeeze %dma_wait3A_366 : memref<1x64x128xf32, #tpu.memory_space<vmem>> -> memref<64x128xf32, #tpu.memory_space<vmem>>
          %dma_wait3A_368 = arith.constant 0 : i32
          %dma_wait3A_369 = arith.constant 0 : i32
          %dma_wait3A_370 = tpu.memref_slice %arg6[%dma_wait3A_368, %dma_wait3A_369] : memref<16384x128xf32, #tpu.memory_space<hbm>> -> memref<64x128xf32, #tpu.memory_space<hbm>>
          %dma_wait3A_371 = arith.constant 0 : i32
          %dma_wait3A_372 = arith.constant 0 : i32
          %dma_wait3A_373 = tpu.memref_slice %arg6[%dma_wait3A_371, %dma_wait3A_372] : memref<16384x128xf32, #tpu.memory_space<hbm>> -> memref<64x128xf32, #tpu.memory_space<hbm>>
          %dma_wait3A_374 = arith.constant 0 : i32
          %dma_wait3A_375 = arith.constant 0 : i32
          %dma_wait3A_376 = tpu.memref_slice %arg11[%dma_wait3A_363, %dma_wait3A_374, %dma_wait3A_375] : memref<4x64x128xf32, #tpu.memory_space<vmem>> -> memref<1x64x128xf32, #tpu.memory_space<vmem>>
          %dma_wait3A_377 = tpu.memref_squeeze %dma_wait3A_376 : memref<1x64x128xf32, #tpu.memory_space<vmem>> -> memref<64x128xf32, #tpu.memory_space<vmem>>
          tpu.wait_dma2 semaphore(%arg13 : memref<!tpu.dma_semaphore, #tpu.memory_space<semaphore_mem>>) src(%dma_wait3A_377 : memref<64x128xf32, #tpu.memory_space<vmem>>) dst(%dma_wait3A_373 : memref<64x128xf32, #tpu.memory_space<hbm>>)
        } else {
        }
        %jit3A_267 = arith.constant 16 : i32
        %div3A_268 = arith.divsi %while3A_230, %jit3A_267 : i32
        %sign3A_269 = arith.constant 0 : i32
        %sign3A_270 = arith.cmpi sgt, %while3A_230, %sign3A_269 : i32
        %sign3A_271 = arith.extui %sign3A_270 : i1 to i32
        %sign3A_272 = arith.constant 0 : i32
        %sign3A_273 = arith.cmpi slt, %while3A_230, %sign3A_272 : i32
        %sign3A_274 = arith.extui %sign3A_273 : i1 to i32
        %sign3A_275 = arith.subi %sign3A_271, %sign3A_274 : i32
        %sign3A_276 = arith.constant 0 : i32
        %sign3A_277 = arith.cmpi sgt, %jit3A_267, %sign3A_276 : i32
        %sign3A_278 = arith.extui %sign3A_277 : i1 to i32
        %sign3A_279 = arith.constant 0 : i32
        %sign3A_280 = arith.cmpi slt, %jit3A_267, %sign3A_279 : i32
        %sign3A_281 = arith.extui %sign3A_280 : i1 to i32
        %sign3A_282 = arith.subi %sign3A_278, %sign3A_281 : i32
        %ne3A_283 = arith.cmpi ne, %sign3A_275, %sign3A_282 : i32
        %rem3A_284 = arith.remsi %while3A_230, %jit3A_267 : i32
        %ne3A_285 = arith.constant 0 : i32
        %ne3A_286 = arith.cmpi ne, %rem3A_284, %ne3A_285 : i32
        %and3A_287 = arith.andi %ne3A_283, %ne3A_286 : i1
        %sub3A_288 = arith.constant 1 : i32
        %sub3A_289 = arith.subi %div3A_268, %sub3A_288 : i32
        %select_n3A_290 = arith.select %and3A_287, %sub3A_289, %div3A_268 : i32
        %mul3A_291 = arith.constant 16 : i32
        %mul3A_292 = arith.muli %select_n3A_290, %mul3A_291 : i32
        %multiple_of3A_293 = tpu.assume_multiple %mul3A_292, 8 : i32
        %get3A_294 = arith.index_cast %multiple_of3A_293 : i32 to index
        %get3A_295 = tpu.vector_load %arg7[%get3A_294] {strides = array<i32>} : memref<512xi32, #tpu.memory_space<vmem>>, vector<16xi32>,
        %and3A_296 = arith.constant 127 : i32
        %and3A_297 = vector.broadcast %and3A_296 : i32 to vector<16xi32>
        %and3A_298 = arith.andi %get3A_295, %and3A_297 : vector<16xi32>
        %sub3A_299 = arith.subi %while3A_230, %multiple_of3A_293 : i32
        %broadcast_in_dim3A_300 = vector.broadcast %sub3A_299 : i32 to vector<16xi32>
        %lt3A_301 = arith.constant 0 : i32
        %lt3A_302 = vector.broadcast %lt3A_301 : i32 to vector<16xi32>
        %lt3A_303 = arith.cmpi slt, %broadcast_in_dim3A_300, %lt3A_302 : vector<16xi32>
        %add3A_304 = arith.constant 16 : i32
        %add3A_305 = vector.broadcast %add3A_304 : i32 to vector<16xi32>
        %add3A_306 = arith.addi %broadcast_in_dim3A_300, %add3A_305 : vector<16xi32>
        %select_n3A_307 = arith.select %lt3A_303, %add3A_306, %broadcast_in_dim3A_300 : vector<16xi1>, vector<16xi32>
        %broadcast_in_dim3A_308 = vector.shape_cast %select_n3A_307 : vector<16xi32> to vector<16x1xi32>
        %gather3A = vector.shape_cast %broadcast_in_dim3A_308 : vector<16x1xi32> to vector<16xi32>
        %gather3A_309 = tpu.dynamic_gather %and3A_298[%gather3A] in [0] : vector<16xi32>, vector<16xi32> -> vector<16xi32>
        %add3A_310 = arith.constant 0 : i32
        %add3A_311 = vector.broadcast %add3A_310 : i32 to vector<16xi32>
        %add3A_312 = arith.addi %iota3A, %add3A_311 : vector<16xi32>
        %gather3A_313 = arith.constant 0 : i32
        %gather3A_314 = arith.constant 0 : i32
        %gather3A_315 = tpu.memref_slice %arg10[%rem3A_122, %gather3A_313, %gather3A_314] : memref<8x64x128xf32, #tpu.memory_space<vmem>> -> memref<1x64x128xf32, #tpu.memory_space<vmem>>
        %gather3A_316 = tpu.memref_squeeze %gather3A_315 : memref<1x64x128xf32, #tpu.memory_space<vmem>> -> memref<64x128xf32, #tpu.memory_space<vmem>>
        %gather3A_317 = tpu.vector_load_idx %gather3A_316[%add3A_312, %gather3A_309] : memref<64x128xf32, #tpu.memory_space<vmem>>[vector<16xi32>, vector<16xi32>], vector<16xf32>,
        %swap3A = arith.index_cast %rem3A_257 : i32 to index
        %swap3A_318 = arith.index_cast %rem3A_259 : i32 to index
        %swap3A_319 = arith.constant 0 : index
        %swap3A_320 = tpu.vector_load %arg11[%swap3A, %swap3A_318, %swap3A_319] {strides = array<i32>} : memref<4x64x128xf32, #tpu.memory_space<vmem>>, vector<16xf32>,
        tpu.vector_store %arg11[%swap3A, %swap3A_318, %swap3A_319], %gather3A_317 {strides = array<i32>} : memref<4x64x128xf32, #tpu.memory_space<vmem>>, vector<16xf32>,
        %add3A_321 = arith.constant 16 : i32
        %add3A_322 = vector.broadcast %add3A_321 : i32 to vector<16xi32>
        %add3A_323 = arith.addi %iota3A, %add3A_322 : vector<16xi32>
        %gather3A_324 = arith.constant 0 : i32
        %gather3A_325 = arith.constant 0 : i32
        %gather3A_326 = tpu.memref_slice %arg10[%rem3A_122, %gather3A_324, %gather3A_325] : memref<8x64x128xf32, #tpu.memory_space<vmem>> -> memref<1x64x128xf32, #tpu.memory_space<vmem>>
        %gather3A_327 = tpu.memref_squeeze %gather3A_326 : memref<1x64x128xf32, #tpu.memory_space<vmem>> -> memref<64x128xf32, #tpu.memory_space<vmem>>
        %gather3A_328 = tpu.vector_load_idx %gather3A_327[%add3A_323, %gather3A_309] : memref<64x128xf32, #tpu.memory_space<vmem>>[vector<16xi32>, vector<16xi32>], vector<16xf32>,
        %swap3A_329 = arith.index_cast %rem3A_257 : i32 to index
        %swap3A_330 = arith.index_cast %rem3A_259 : i32 to index
        %swap3A_331 = arith.constant 16 : index
        %swap3A_332 = tpu.vector_load %arg11[%swap3A_329, %swap3A_330, %swap3A_331] {strides = array<i32>} : memref<4x64x128xf32, #tpu.memory_space<vmem>>, vector<16xf32>,
        tpu.vector_store %arg11[%swap3A_329, %swap3A_330, %swap3A_331], %gather3A_328 {strides = array<i32>} : memref<4x64x128xf32, #tpu.memory_space<vmem>>, vector<16xf32>,
        %add3A_333 = arith.constant 32 : i32
        %add3A_334 = vector.broadcast %add3A_333 : i32 to vector<16xi32>
        %add3A_335 = arith.addi %iota3A, %add3A_334 : vector<16xi32>
        %gather3A_336 = arith.constant 0 : i32
        %gather3A_337 = arith.constant 0 : i32
        %gather3A_338 = tpu.memref_slice %arg10[%rem3A_122, %gather3A_336, %gather3A_337] : memref<8x64x128xf32, #tpu.memory_space<vmem>> -> memref<1x64x128xf32, #tpu.memory_space<vmem>>
        %gather3A_339 = tpu.memref_squeeze %gather3A_338 : memref<1x64x128xf32, #tpu.memory_space<vmem>> -> memref<64x128xf32, #tpu.memory_space<vmem>>
        %gather3A_340 = tpu.vector_load_idx %gather3A_339[%add3A_335, %gather3A_309] : memref<64x128xf32, #tpu.memory_space<vmem>>[vector<16xi32>, vector<16xi32>], vector<16xf32>,
        %swap3A_341 = arith.index_cast %rem3A_257 : i32 to index
        %swap3A_342 = arith.index_cast %rem3A_259 : i32 to index
        %swap3A_343 = arith.constant 32 : index
        %swap3A_344 = tpu.vector_load %arg11[%swap3A_341, %swap3A_342, %swap3A_343] {strides = array<i32>} : memref<4x64x128xf32, #tpu.memory_space<vmem>>, vector<16xf32>,
        tpu.vector_store %arg11[%swap3A_341, %swap3A_342, %swap3A_343], %gather3A_340 {strides = array<i32>} : memref<4x64x128xf32, #tpu.memory_space<vmem>>, vector<16xf32>,
        %add3A_345 = arith.constant 48 : i32
        %add3A_346 = vector.broadcast %add3A_345 : i32 to vector<16xi32>
        %add3A_347 = arith.addi %iota3A, %add3A_346 : vector<16xi32>
        %gather3A_348 = arith.constant 0 : i32
        %gather3A_349 = arith.constant 0 : i32
        %gather3A_350 = tpu.memref_slice %arg10[%rem3A_122, %gather3A_348, %gather3A_349] : memref<8x64x128xf32, #tpu.memory_space<vmem>> -> memref<1x64x128xf32, #tpu.memory_space<vmem>>
        %gather3A_351 = tpu.memref_squeeze %gather3A_350 : memref<1x64x128xf32, #tpu.memory_space<vmem>> -> memref<64x128xf32, #tpu.memory_space<vmem>>
        %gather3A_352 = tpu.vector_load_idx %gather3A_351[%add3A_347, %gather3A_309] : memref<64x128xf32, #tpu.memory_space<vmem>>[vector<16xi32>, vector<16xi32>], vector<16xf32>,
        %swap3A_353 = arith.index_cast %rem3A_257 : i32 to index
        %swap3A_354 = arith.index_cast %rem3A_259 : i32 to index
        %swap3A_355 = arith.constant 48 : index
        %swap3A_356 = tpu.vector_load %arg11[%swap3A_353, %swap3A_354, %swap3A_355] {strides = array<i32>} : memref<4x64x128xf32, #tpu.memory_space<vmem>>, vector<16xf32>,
        tpu.vector_store %arg11[%swap3A_353, %swap3A_354, %swap3A_355], %gather3A_352 {strides = array<i32>} : memref<4x64x128xf32, #tpu.memory_space<vmem>>, vector<16xf32>,
        %eq3A_357 = arith.constant 63 : i32
        %eq3A_358 = arith.cmpi eq, %rem3A_259, %eq3A_357 : i32
        %convert_element_type3A_359 = arith.extui %eq3A_358 : i1 to i32
        %cond3A_360 = arith.constant 0 : i32
        %cond3A_361 = arith.cmpi ne, %convert_element_type3A_359, %cond3A_360 : i32
        scf.if %cond3A_361 {
          %jit3A_363 = arith.constant 64 : i32
          %div3A_364 = arith.divsi %while3A_230, %jit3A_363 : i32
          %sign3A_365 = arith.constant 0 : i32
          %sign3A_366 = arith.cmpi sgt, %while3A_230, %sign3A_365 : i32
          %sign3A_367 = arith.extui %sign3A_366 : i1 to i32
          %sign3A_368 = arith.constant 0 : i32
          %sign3A_369 = arith.cmpi slt, %while3A_230, %sign3A_368 : i32
          %sign3A_370 = arith.extui %sign3A_369 : i1 to i32
          %sign3A_371 = arith.subi %sign3A_367, %sign3A_370 : i32
          %sign3A_372 = arith.constant 0 : i32
          %sign3A_373 = arith.cmpi sgt, %jit3A_363, %sign3A_372 : i32
          %sign3A_374 = arith.extui %sign3A_373 : i1 to i32
          %sign3A_375 = arith.constant 0 : i32
          %sign3A_376 = arith.cmpi slt, %jit3A_363, %sign3A_375 : i32
          %sign3A_377 = arith.extui %sign3A_376 : i1 to i32
          %sign3A_378 = arith.subi %sign3A_374, %sign3A_377 : i32
          %ne3A_379 = arith.cmpi ne, %sign3A_371, %sign3A_378 : i32
          %rem3A_380 = arith.remsi %while3A_230, %jit3A_363 : i32
          %ne3A_381 = arith.constant 0 : i32
          %ne3A_382 = arith.cmpi ne, %rem3A_380, %ne3A_381 : i32
          %and3A_383 = arith.andi %ne3A_379, %ne3A_382 : i1
          %sub3A_384 = arith.constant 1 : i32
          %sub3A_385 = arith.subi %div3A_364, %sub3A_384 : i32
          %select_n3A_386 = arith.select %and3A_383, %sub3A_385, %div3A_364 : i32
          %dma_start3A = arith.constant 0 : i32
          %dma_start3A_387 = arith.constant 0 : i32
          %dma_start3A_388 = tpu.memref_slice %arg11[%rem3A_257, %dma_start3A, %dma_start3A_387] : memref<4x64x128xf32, #tpu.memory_space<vmem>> -> memref<1x64x128xf32, #tpu.memory_space<vmem>>
          %dma_start3A_389 = tpu.memref_squeeze %dma_start3A_388 : memref<1x64x128xf32, #tpu.memory_space<vmem>> -> memref<64x128xf32, #tpu.memory_space<vmem>>
          %dma_start3A_390 = arith.constant 0 : i32
          %dma_start3A_391 = tpu.memref_slice %arg9[%select_n3A_386, %dma_start3A_390] : memref<8x64xi32, #tpu.memory_space<vmem>> -> memref<1x64xi32, #tpu.memory_space<vmem>>
          %dma_start3A_392 = tpu.memref_squeeze %dma_start3A_391 : memref<1x64xi32, #tpu.memory_space<vmem>> -> memref<64xi32, #tpu.memory_space<vmem>>
          %dma_start3A_393 = arith.constant 0 : i32
          %dma_start3A_394 = arith.constant 0 : i32
          %dma_start3A_395 = tpu.memref_slice %arg6[%dma_start3A_393, %dma_start3A_394] : memref<16384x128xf32, #tpu.memory_space<hbm>> -> memref<16384x128xf32, #tpu.memory_space<hbm>>
          tpu.enqueue_indirect_dma source(%dma_start3A_389 : memref<64x128xf32, #tpu.memory_space<vmem>>) target(%dma_start3A_395 : memref<16384x128xf32, #tpu.memory_space<hbm>>) offsets(%dma_start3A_392 : memref<64xi32, #tpu.memory_space<vmem>>) semaphore(%arg13 : memref<!tpu.dma_semaphore, #tpu.memory_space<semaphore_mem>>)
        } else {
        }
        %while3A_362 = arith.constant 0 : i32
        scf.yield %while3A_362 : i32
      }
      %while3A_229 = arith.constant 0 : i32
      scf.yield %while3A_229 : i32
    }
    %dma_wait3A = arith.constant 0 : i32
    %dma_wait3A_61 = arith.constant 0 : i32
    %dma_wait3A_62 = arith.constant 0 : i32
    %dma_wait3A_63 = tpu.memref_slice %arg11[%dma_wait3A, %dma_wait3A_61, %dma_wait3A_62] : memref<4x64x128xf32, #tpu.memory_space<vmem>> -> memref<1x64x128xf32, #tpu.memory_space<vmem>>
    %dma_wait3A_64 = tpu.memref_squeeze %dma_wait3A_63 : memref<1x64x128xf32, #tpu.memory_space<vmem>> -> memref<64x128xf32, #tpu.memory_space<vmem>>
    %dma_wait3A_65 = arith.constant 0 : i32
    %dma_wait3A_66 = arith.constant 0 : i32
    %dma_wait3A_67 = tpu.memref_slice %arg6[%dma_wait3A_65, %dma_wait3A_66] : memref<16384x128xf32, #tpu.memory_space<hbm>> -> memref<64x128xf32, #tpu.memory_space<hbm>>
    %dma_wait3A_68 = arith.constant 0 : i32
    %dma_wait3A_69 = arith.constant 0 : i32
    %dma_wait3A_70 = tpu.memref_slice %arg6[%dma_wait3A_68, %dma_wait3A_69] : memref<16384x128xf32, #tpu.memory_space<hbm>> -> memref<64x128xf32, #tpu.memory_space<hbm>>
    %dma_wait3A_71 = arith.constant 0 : i32
    %dma_wait3A_72 = arith.constant 0 : i32
    %dma_wait3A_73 = tpu.memref_slice %arg11[%dma_wait3A, %dma_wait3A_71, %dma_wait3A_72] : memref<4x64x128xf32, #tpu.memory_space<vmem>> -> memref<1x64x128xf32, #tpu.memory_space<vmem>>
    %dma_wait3A_74 = tpu.memref_squeeze %dma_wait3A_73 : memref<1x64x128xf32, #tpu.memory_space<vmem>> -> memref<64x128xf32, #tpu.memory_space<vmem>>
    tpu.wait_dma2 semaphore(%arg13 : memref<!tpu.dma_semaphore, #tpu.memory_space<semaphore_mem>>) src(%dma_wait3A_74 : memref<64x128xf32, #tpu.memory_space<vmem>>) dst(%dma_wait3A_70 : memref<64x128xf32, #tpu.memory_space<hbm>>)
    %dma_wait3A_75 = arith.constant 0 : i32
    %dma_wait3A_76 = arith.constant 0 : i32
    %dma_wait3A_77 = arith.constant 0 : i32
    %dma_wait3A_78 = tpu.memref_slice %arg11[%dma_wait3A_75, %dma_wait3A_76, %dma_wait3A_77] : memref<4x64x128xf32, #tpu.memory_space<vmem>> -> memref<1x64x128xf32, #tpu.memory_space<vmem>>
    %dma_wait3A_79 = tpu.memref_squeeze %dma_wait3A_78 : memref<1x64x128xf32, #tpu.memory_space<vmem>> -> memref<64x128xf32, #tpu.memory_space<vmem>>
    %dma_wait3A_80 = arith.constant 0 : i32
    %dma_wait3A_81 = arith.constant 0 : i32
    %dma_wait3A_82 = tpu.memref_slice %arg6[%dma_wait3A_80, %dma_wait3A_81] : memref<16384x128xf32, #tpu.memory_space<hbm>> -> memref<64x128xf32, #tpu.memory_space<hbm>>
    %dma_wait3A_83 = arith.constant 0 : i32
    %dma_wait3A_84 = arith.constant 0 : i32
    %dma_wait3A_85 = tpu.memref_slice %arg6[%dma_wait3A_83, %dma_wait3A_84] : memref<16384x128xf32, #tpu.memory_space<hbm>> -> memref<64x128xf32, #tpu.memory_space<hbm>>
    %dma_wait3A_86 = arith.constant 0 : i32
    %dma_wait3A_87 = arith.constant 0 : i32
    %dma_wait3A_88 = tpu.memref_slice %arg11[%dma_wait3A_75, %dma_wait3A_86, %dma_wait3A_87] : memref<4x64x128xf32, #tpu.memory_space<vmem>> -> memref<1x64x128xf32, #tpu.memory_space<vmem>>
    %dma_wait3A_89 = tpu.memref_squeeze %dma_wait3A_88 : memref<1x64x128xf32, #tpu.memory_space<vmem>> -> memref<64x128xf32, #tpu.memory_space<vmem>>
    tpu.wait_dma2 semaphore(%arg13 : memref<!tpu.dma_semaphore, #tpu.memory_space<semaphore_mem>>) src(%dma_wait3A_89 : memref<64x128xf32, #tpu.memory_space<vmem>>) dst(%dma_wait3A_85 : memref<64x128xf32, #tpu.memory_space<hbm>>)
    %dma_wait3A_90 = arith.constant 0 : i32
    %dma_wait3A_91 = arith.constant 0 : i32
    %dma_wait3A_92 = arith.constant 0 : i32
    %dma_wait3A_93 = tpu.memref_slice %arg11[%dma_wait3A_90, %dma_wait3A_91, %dma_wait3A_92] : memref<4x64x128xf32, #tpu.memory_space<vmem>> -> memref<1x64x128xf32, #tpu.memory_space<vmem>>
    %dma_wait3A_94 = tpu.memref_squeeze %dma_wait3A_93 : memref<1x64x128xf32, #tpu.memory_space<vmem>> -> memref<64x128xf32, #tpu.memory_space<vmem>>
    %dma_wait3A_95 = arith.constant 0 : i32
    %dma_wait3A_96 = arith.constant 0 : i32
    %dma_wait3A_97 = tpu.memref_slice %arg6[%dma_wait3A_95, %dma_wait3A_96] : memref<16384x128xf32, #tpu.memory_space<hbm>> -> memref<64x128xf32, #tpu.memory_space<hbm>>
    %dma_wait3A_98 = arith.constant 0 : i32
    %dma_wait3A_99 = arith.constant 0 : i32
    %dma_wait3A_100 = tpu.memref_slice %arg6[%dma_wait3A_98, %dma_wait3A_99] : memref<16384x128xf32, #tpu.memory_space<hbm>> -> memref<64x128xf32, #tpu.memory_space<hbm>>
    %dma_wait3A_101 = arith.constant 0 : i32
    %dma_wait3A_102 = arith.constant 0 : i32
    %dma_wait3A_103 = tpu.memref_slice %arg11[%dma_wait3A_90, %dma_wait3A_101, %dma_wait3A_102] : memref<4x64x128xf32, #tpu.memory_space<vmem>> -> memref<1x64x128xf32, #tpu.memory_space<vmem>>
    %dma_wait3A_104 = tpu.memref_squeeze %dma_wait3A_103 : memref<1x64x128xf32, #tpu.memory_space<vmem>> -> memref<64x128xf32, #tpu.memory_space<vmem>>
    tpu.wait_dma2 semaphore(%arg13 : memref<!tpu.dma_semaphore, #tpu.memory_space<semaphore_mem>>) src(%dma_wait3A_104 : memref<64x128xf32, #tpu.memory_space<vmem>>) dst(%dma_wait3A_100 : memref<64x128xf32, #tpu.memory_space<hbm>>)
    %dma_wait3A_105 = arith.constant 0 : i32
    %dma_wait3A_106 = arith.constant 0 : i32
    %dma_wait3A_107 = arith.constant 0 : i32
    %dma_wait3A_108 = tpu.memref_slice %arg11[%dma_wait3A_105, %dma_wait3A_106, %dma_wait3A_107] : memref<4x64x128xf32, #tpu.memory_space<vmem>> -> memref<1x64x128xf32, #tpu.memory_space<vmem>>
    %dma_wait3A_109 = tpu.memref_squeeze %dma_wait3A_108 : memref<1x64x128xf32, #tpu.memory_space<vmem>> -> memref<64x128xf32, #tpu.memory_space<vmem>>
    %dma_wait3A_110 = arith.constant 0 : i32
    %dma_wait3A_111 = arith.constant 0 : i32
    %dma_wait3A_112 = tpu.memref_slice %arg6[%dma_wait3A_110, %dma_wait3A_111] : memref<16384x128xf32, #tpu.memory_space<hbm>> -> memref<64x128xf32, #tpu.memory_space<hbm>>
    %dma_wait3A_113 = arith.constant 0 : i32
    %dma_wait3A_114 = arith.constant 0 : i32
    %dma_wait3A_115 = tpu.memref_slice %arg6[%dma_wait3A_113, %dma_wait3A_114] : memref<16384x128xf32, #tpu.memory_space<hbm>> -> memref<64x128xf32, #tpu.memory_space<hbm>>
    %dma_wait3A_116 = arith.constant 0 : i32
    %dma_wait3A_117 = arith.constant 0 : i32
    %dma_wait3A_118 = tpu.memref_slice %arg11[%dma_wait3A_105, %dma_wait3A_116, %dma_wait3A_117] : memref<4x64x128xf32, #tpu.memory_space<vmem>> -> memref<1x64x128xf32, #tpu.memory_space<vmem>>
    %dma_wait3A_119 = tpu.memref_squeeze %dma_wait3A_118 : memref<1x64x128xf32, #tpu.memory_space<vmem>> -> memref<64x128xf32, #tpu.memory_space<vmem>>
    tpu.wait_dma2 semaphore(%arg13 : memref<!tpu.dma_semaphore, #tpu.memory_space<semaphore_mem>>) src(%dma_wait3A_119 : memref<64x128xf32, #tpu.memory_space<vmem>>) dst(%dma_wait3A_115 : memref<64x128xf32, #tpu.memory_space<hbm>>)
    return
  }
}

</mosaic_0001>

<sc_bundles>
// kernel: kernel.3.cloned.1.call-start
scs
__scs_entry_jumppad:
0x0: {  	(pc) =	sbr.rel $0x88, $3  }
0x1: {  	(tag) =	ssettag $0x0;
	lr =	simm.s32 $0x1  }
0x2: {  	[smem:$0x3F9F] =	sst lr;
	_ =	strace $0xD0000000  }
0x3: {  	_ = 	snop  }
0x4: {  	_ = 	snop  }
0x5: {  	_ = 	snop  }
0x6: {  	_ = 	snop  }
0x7: {  	_ = 	snop  }
__scs_overlays_trampoline_lowered:
0x8: {  	[smem:$0x3FAE] =	sst s0  }
0x9: {  	[smem:$0x3FAF] =	sst s1  }
0xa: {  	[smem:$0x3FB0] =	sst s2  }
0xb: {  	[smem:$0x3FB1] =	sst s3  }
0xc: {  	[smem:$0x3FB2] =	sst s4  }
0xd: {  	[smem:$0x3FB3] =	sst s5  }
0xe: {  	[smem:$0x3FB4] =	sst s6  }
0xf: {  	[smem:$0x3FB5] =	sst s7  }
0x10: {  	[smem:$0x3FB6] =	sst s8  }
0x11: {  	[smem:$0x3FB7] =	sst s9;
	s0 =	simm.s32 @!p0 $0x0  }
0x12: {  	s1 =	sld [smem:$0x3F9D];
	s0 =	simm.s32 @p0 $0x1  }
0x13: {  	[smem:$0x3FB8] =	sst s0;
	s0 =	simm.s32 @!p1 $0x0  }
0x14: {  	s2 =	sld [smem:$0x3F9C];
	s0 =	simm.s32 @p1 $0x1  }
0x15: {  	[smem:$0x3FB9] =	sst s0;
	s0 =	simm.s32 @!p2 $0x0  }
0x16: {  	s3 =	sld [smem:$0x3FDB];
	s0 =	simm.s32 @p2 $0x1  }
0x17: {  	s4 =	simm.s32 $0x1BF5;
	[smem:$0x3FBB] =	sst s0  }
0x18: {  	s0 =	sld [smem:$0x3F9E];
	_ =	swait.ge [sflag:s4], $0x0  }
0x19: {  	s7 =	sld [smem:$0x3F9F]  }
0x1a: {  	s8 =	sadd.s32 $0xFFFFE003, lr  }
0x1b: {  	s9 =	sadd.s32 $0xFFFFFEF7, lr;
	s5 =	simm.s32 $0xFFFFFFFF;
	p2 =	slt.u32 s8, $0xFFFFF086  }
0x1c: {  	p1 =	slt.u32 s9, $0xF7A;
	s5 =	simm.s32 @!p2 $0x0  }
0x1d: {  	s5 =	simm.s32 @p1 $0x1;
	p0 =	seq.s32 s7, s2  }
0x1e: {  	s7 =	smul.u32 @!p0 $0xF7A, s2;
	p2 =	seq.s32 @!p0 s5, $0x0  }
0x1f: {  	s9 =	smul.u32 $0xF7A, s1;
	s8 =	simm.s32 @!p0 $0x1BF5;
	p2 =	por !p2, p0  }
0x20: {  	[sflag:s8] =	ssyncset.s32 @!p0 $0xFFFFF086;
	s6 =	sadd.s32 @!p0 s3, s7;
	s7 =	simm.s32 @!p0 $0x108  }
0x21: {  	s3 =	sadd.s32 s3, s9;
	s6 =	sadd.s32 @!p0 $0x88, s6;
	s7 =	simm.s32 @p2 $0x1082  }
0x22: {  	[simem:s7], [sflag:s8] =	dma.local @!p0 [hbm:s6], $0xF7A  }
0x23: {  	s9 =	sor.u32 $0xD0000000, s2;
	s6 =	simm.s32 $0x108;
	_ =	swait.ge @!p0 [sflag:s8], $0x0  }
0x24: {  	s3 =	sadd.s32 $0x88, s3;
	s6 =	simm.s32 @!p1 $0x1082;
	[sflag:s4] =	ssyncset.s32 $0xFFFFF086  }
0x25: {  	[simem:s6], [sflag:s4] =	dma.local [hbm:s3], $0xF7A  }
0x26: {  	[smem:$0x3F9F] =	sst s1;
	(tag) =	ssettag s2;
	_ =	strace s9  }
0x27: {  	s1 =	sld [smem:$0x3FAF]  }
0x28: {  	s2 =	sld [smem:$0x3FB0]  }
0x29: {  	s4 =	sld [smem:$0x3FB2]  }
0x2a: {  	p0 =	seq.s32 s5, $0x0;
	s5 =	sld [smem:$0x3FB3]  }
0x2b: {  	s6 =	sld [smem:$0x3FB4]  }
0x2c: {  	s7 =	sld [smem:$0x3FB5]  }
0x2d: {  	s3 =	simm.s32 $0x108;
	s8 =	sld [smem:$0x3FB6]  }
0x2e: {  	s3 =	simm.s32 @!p0 $0x1082;
	s9 =	sld [smem:$0x3FB7]  }
0x2f: {  	lr =	sadd.s32 s0, s3;
	s0 =	sld [smem:$0x3FAE]  }
0x30: {  	s3 =	sld [smem:$0x3FB1]  }
0x31: {  	[smem:$0x3FBA] =	sst s10  }
0x32: {  	s10 =	sld [smem:$0x3FB8];
	_ =	sdelay $0x3  }
0x33: {  	p0 =	seq.s32 s10, $0x1;
	s10 =	sld [smem:$0x3FBA];
	_ =	sdelay $0x3  }
0x34: {  	[smem:$0x3FBA] =	sst s10  }
0x35: {  	s10 =	sld [smem:$0x3FB9];
	_ =	sdelay $0x3  }
0x36: {  	p1 =	seq.s32 s10, $0x1;
	s10 =	sld [smem:$0x3FBA];
	_ =	sdelay $0x3  }
0x37: {  	[smem:$0x3FBA] =	sst s10  }
0x38: {  	s10 =	sld [smem:$0x3FBB]  }
0x39: {  	_ = 	snop;
	(pc) =	sbr.ind lr, $3  }
0x3a: {  	_ = 	snop  }
0x3b: {  	_ = 	snop  }
0x3c: {  	p2 =	seq.s32 s10, $0x1;
	s10 =	sld [smem:$0x3FBA]  }
0x3d: {  	_ =	shalt  }
0x3e: {  	_ =	shalt  }
0x3f: {  	_ =	shalt  }
0x40: {  	_ =	shalt  }
0x41: {  	_ =	shalt  }
0x42: {  	_ =	shalt  }
0x43: {  	_ =	shalt  }
0x44: {  	_ =	shalt  }
0x45: {  	_ =	shalt  }
0x46: {  	_ =	shalt  }
0x47: {  	_ =	shalt  }
0x48: {  	_ =	shalt  }
0x49: {  	_ =	shalt  }
0x4a: {  	_ =	shalt  }
0x4b: {  	_ =	shalt  }
0x4c: {  	_ =	shalt  }
0x4d: {  	_ =	shalt  }
0x4e: {  	_ =	shalt  }
0x4f: {  	_ =	shalt  }
0x50: {  	_ =	shalt  }
0x51: {  	_ =	shalt  }
0x52: {  	_ =	shalt  }
0x53: {  	_ =	shalt  }
0x54: {  	_ =	shalt  }
0x55: {  	_ =	shalt  }
0x56: {  	_ =	shalt  }
0x57: {  	_ =	shalt  }
0x58: {  	_ =	shalt  }
0x59: {  	_ =	shalt  }
0x5a: {  	_ =	shalt  }
0x5b: {  	_ =	shalt  }
0x5c: {  	_ =	shalt  }
0x5d: {  	_ =	shalt  }
0x5e: {  	_ =	shalt  }
0x5f: {  	_ =	shalt  }
0x60: {  	_ =	shalt  }
0x61: {  	_ =	shalt  }
0x62: {  	_ =	shalt  }
0x63: {  	_ =	shalt  }
0x64: {  	_ =	shalt  }
0x65: {  	_ =	shalt  }
0x66: {  	_ =	shalt  }
0x67: {  	_ =	shalt  }
0x68: {  	_ =	shalt  }
0x69: {  	_ =	shalt  }
0x6a: {  	_ =	shalt  }
0x6b: {  	_ =	shalt  }
0x6c: {  	_ =	shalt  }
0x6d: {  	_ =	shalt  }
0x6e: {  	_ =	shalt  }
0x6f: {  	_ =	shalt  }
0x70: {  	_ =	shalt  }
0x71: {  	_ =	shalt  }
0x72: {  	_ =	shalt  }
0x73: {  	_ =	shalt  }
0x74: {  	_ =	shalt  }
0x75: {  	_ =	shalt  }
0x76: {  	_ =	shalt  }
0x77: {  	_ =	shalt  }
0x78: {  	_ =	shalt  }
0x79: {  	_ =	shalt  }
0x7a: {  	_ =	shalt  }
0x7b: {  	_ =	shalt  }
0x7c: {  	_ =	shalt  }
0x7d: {  	_ =	shalt  }
0x7e: {  	_ =	shalt  }
0x7f: {  	_ =	shalt  }
0x80: {  	_ =	shalt  }
0x81: {  	_ =	shalt  }
0x82: {  	_ =	shalt  }
0x83: {  	_ =	shalt  }
0x84: {  	_ =	shalt  }
0x85: {  	_ =	shalt  }
0x86: {  	_ =	shalt  }
0x87: {  	_ =	shalt  }
.Lfunc_end0:
.L_simem_size_0:
called_computation_lowered:
.L_overlay_start_0:
0x88: {  	s2 =	sld [smem:$0x3FD9]  }
0x89: {  	s3 =	sld [smem:$0x3FFE];
	_ =	sdelay $0x1  }
0x8a: {  	s1 =	srdreg.scid  }
0x8b: {  	s0 =	sand.u32 $0x1, s1  }
0x8c: {  	s17 =	sshll.u32 s0, $0xA;
	s2 =	sadd.s32 s3, s2  }
0x8d: {  	s2 =	sadd.s32 s2, s17  }
0x8e: {  	[smem:$0x3FC6] =	sst s2  }
0x8f: {  	_ = 	snop  }
0x90: {  	s2 =	sld [smem:$0x3FC8]  }
0x91: {  	s18 =	sld [smem:$0x3FD0];
	(tm) =	ssettm $0x1  }
0x92: {  	s4 =	sld [smem:$0x3FFB];
	_ =	sdelay $0x3  }
0x93: {  	_ =	strace s4  }
0x94: {  	s4 =	sld [smem:$0x3FFC];
	_ =	sdelay $0x3  }
0x95: {  	_ =	strace s4  }
0x96: {  	s4 =	sld [smem:$0x3FFD];
	_ =	sdelay $0x3  }
0x97: {  	_ =	strace s4  }
0x98: {  	_ =	strace $0x8FFFFFFF  }
0x99: {  	s19 =	sld [smem:$0x3FDB];
	_ =	sdelay $0x1  }
0x9a: {  	s5 =	simm.s32 $_scs_section_size  }
0x9b: {  	s6 =	simm.s32 $_size__tile_overlayer_lowered;
	s7 =	simm.s32 $_tile_overlayer_lowered  }
0x9c: {  	s22 =	simm.s32 $0x1BFF;
	s21 =	sshll.u32 s7, $0x1;
	s4 =	sadd.s32 s5, s19  }
0x9d: {  	s8 =	simm.s32 $0x0;
	s20 =	sshll.u32 s6, $0x1;
	s6 =	sadd.s32 s21, s4  }
0x9e: {  	[timem:s8], [sflag:s22] =	dma.local [hbm:s6], s20  }
0x9f: {  	_ =	swait.ge [sflag:s22], s20  }
0xa0: {  	s5 =	ssub.s32 $0x0, s20;
	[sflag:s22] =	ssyncset.done $0x0  }
0xa1: {  	[sflag:s22] =	ssyncadd.s32 s5;
	_ =	sdelay $0x1  }
0xa2: {  	s23 =	simm.s32 $0x1B8B  }
0xa3: {  	_ =	swait.ge [sflag:s23], $0x1  }
0xa4: {  	[sflag:s23] =	ssyncset.done $0x0  }
0xa5: {  	s25 =	simm.s32 $0x1B8E;
	s24 =	sld [smem:$0x3FFE];
	[sflag:s23] =	ssyncadd.s32 $0xFFFFFFFF  }
0xa6: {  	s26 =	simm.s32 $execute0_lowered;
	[smem:$0x3FD2] =	sst s25  }
0xa7: {  	s6 =	sshll.u32 s26, $0x1;
	_ =	strace $0x80000046;
	[dreg:$0x1] =	wrdreg $0xFFFFFFFF  }
0xa8: {  	s28 =	simm.s32 $_size_execute0_lowered;
	s4 =	sadd.s32 s4, s6;
	[dreg:$0x0] =	wrdreg $0x0  }
0xa9: {  	s6 =	sshll.u32 s28, $0x1;
	[dreg:$0x2] =	wrdreg s4  }
0xaa: {  	[dreg:$0x3] =	wrdreg s6  }
0xab: {  	[dreg:$0x4] =	wrdreg $0xC0  }
0xac: {  	_ =	task [dreg:s8], $0x5FFFF  }
0xad: {  	[dreg:$0x1] =	wrdreg $0xFFFFFFFF  }
0xae: {  	[dreg:$0x0] =	wrdreg $0x60  }
0xaf: {  	[dreg:$0x2] =	wrdreg s24  }
0xb0: {  	[dreg:$0x3] =	wrdreg s18  }
0xb1: {  	[dreg:$0x4] =	wrdreg s2  }
0xb2: {  	[dreg:$0x5] =	wrdreg $0x9  }
0xb3: {  	_ =	task.clear_ibuf [dreg:s8], $0x6FFFF;
	_ =	strace $0x90000046  }
0xb4: {  	s29 =	simm.s32 $0x9;
	_ =	strace $0x80000048  }
0xb5: {  	_ =	swait.ge [sflag:s29], $0x1  }
0xb6: {  	[sflag:s29] =	ssyncadd.s32 $0xFFFFFFFF  }
0xb7: {  	_ =	strace $0x90000048  }
0xb8: {  	_ =	sfence  }
0xb9: {  	s30 =	sld [smem:$0x0];
	_ =	sdelay $0x2  }
0xba: {  	s31 =	sshll.u32 s1, $0xD;
	s1 =	sshrl.u32 s1, $0x2  }
0xbb: {  	s3 =	sand.u32 $0x4000, s31;
	s1 =	sadd.s32 s1, s30  }
0xbc: {  	s0 =	sor.u32 s3, s0;
	s1 =	sshll.u32 s1, $0x11  }
0xbd: {  	s0 =	sor.u32 s1, s0  }
0xbe: {  	s0 =	sadd.s32 $0x8F2B, s0  }
0xbf: {  	[sflag:s0] =	ssyncadd.remote.s32 $0x1  }
0xc0: {  	_ =	sfence.sel $0xFFFF  }
0xc1: {  	[dreg:$0x0] =	wrdreg $0xFFFFFFFF;
	(pc) =	sbr.abs _section_cstart, $3  }
0xc2: {  	[dreg:$0x1] =	wrdreg $0xFFFFFFFF  }
0xc3: {  	_ =	task.clear_ibuf [dreg:s8], $0x2FFFF;
	_ =	strace $0x9FFFFFFF  }
0xc4: {  	(tm) =	ssettm $0x7FFFFFFF  }
0xc5: {  	_ =	shalt  }
tec
execute0_lowered:
.L_overlay_start_1:
0x0: {  	(tag) =	ssettag $0x1  }
0x1: {  	s5 =	rddreg [dreg:$0x0]  }
0x2: {  	s6 =	rddreg [dreg:$0x1]  }
0x3: {  	s1 =	rddreg [dreg:$0x2]  }
0x4: {  	s0 =	rddreg [dreg:$0x3];
	s2 =	simm.s32 $0x0  }
0x5: {  	v0 =	vimm.s32 $0xEDCBA987;
	s7 =	srdreg.scid;
	s3 =	stileid.u32;
	s11 =	simm.s32 $0x9  }
0x6: {  	v1 =	vimm.s32 $0x65432100;
	s12 =	simm.s32 $0x0;
	[smem:$0x7FF] =	sst s2;
	v0 =	vunpack.c.l.s4.s8 v0;
	s4 =	sadd.s32 $0x800, s5  }
0x7: {  	v1 =	vunpack.c.l.s4.s8 v1;
	s8 =	sadd.s32 $0xC00, s5;
	s7 =	sand.u32 $0x1, s7;
	s9 =	sshll.u32 s3, $0x1  }
.Ltmp0:
0x8: {  	_ =	strace $0x80000047;
	[dreg:$0x4] =	wrdreg s8;
	v2 =	vunpack.c.0.s8.s32 v0;
	(pc) =	sbr.rel .LBB2_1-.Ltmp0, $4  }
0x9: {  	vm0 =	vmmov $0x1;
	s30 =	ssub.s32 $0x2, s7;
	s7 =	sor.u32 s7, s9;
	s9 =	simm.s32 $0x480;
	v3 =	vunpack.c.0.s8.s32 v1;
	v0 =	vlaneseq.u32  }
0xa: {  	v4 =	vimm.s32 $0x200;
	s31 =	sshrl.u32 s30, $0x1;
	s10 =	sshll.u32 s7, $0x6;
	s7 =	sshll.u32 s7, $0x7;
	v1 =	vmul.u32 $0x80, v0;
	v2 =	vand.u32 $0xF, v2  }
0xb: {  	vm1 =	vcmask $0x1318;
	s8 =	ssub.s32 s30, s31;
	s5 =	sadd.s32 s5, s10;
	s6 =	sadd.s32 s6, s7;
	v2 =	vcombine.low v3, v2;
	v3 =	vimm.s32 $0xF  }
0xc: {  	s10 =	simm.s32 $0x200;
	s7 =	smax.u32 s8, $0x1;
	s8 =	simm.s32 $0xA;
	v5 =	vor.u32 $0x800, v1;
	v6 =	vor.u32 $0x1000, v1;
	v7 =	vor.u32 $0x1800, v1  }
.LBB2_16:
0xd: {  	_ =	swait.ge [sflag:s11], $0x2000  }
0xe: {  	[sflag:s11] =	ssyncset.done $0x0  }
0xf: {  	[sflag:s11] =	ssyncadd.s32 $0xFFFFE000  }
0x10: {  	_ =	swait.ge [sflag:s11], $0x2000  }
0x11: {  	[sflag:s11] =	ssyncset.done $0x0  }
0x12: {  	s12 =	sadd.s32 $0x1, s12;
	[sflag:s11] =	ssyncadd.s32 $0xFFFFE000  }
0x13: {  	p0 =	sne.s32 s12, s7;
	_ =	swait.ge [sflag:s11], $0x2000  }
.Ltmp1:
0x14: {  	[sflag:s11] =	ssyncset.done $0x0;
	(pc) =	sbr.rel @!p0 .LBB2_17-.Ltmp1, $4  }
0x15: {  	[sflag:s11] =	ssyncadd.s32 $0xFFFFE000  }
0x16: {  	_ =	swait.ge [sflag:s11], $0x2000  }
0x17: {  	[sflag:s11] =	ssyncset.done $0x0  }
0x18: {  	[sflag:s11] =	ssyncadd.s32 $0xFFFFE000  }
.LBB2_1:
0x19: {  	[tilespmem:s2], [sflag:$0xA] =	stream.linear.gather [hbm4b:s5+s2], $0x200, $0x38;
	[tilespmem:$0x18880] =	vst v63  }
0x1a: {  	_ =	swait.ge [sflag:s8], $0x200  }
0x1b: {  	[sflag:s8] =	ssyncset.done $0x0  }
0x1c: {  	[sflag:s8] =	ssyncadd.s32 $0xFFFFFE00  }
0x1d: {  	[tilespmem:s9], [sflag:$0xA] =	stream.linear.gather [hbm4b:s6+s2], $0x400, $0x38;
	[tilespmem:$0x18880] =	vst v63  }
0x1e: {  	_ =	swait.ge [sflag:s8], $0x400  }
0x1f: {  	[sflag:s8] =	ssyncset.done $0x0  }
0x20: {  	[sflag:s8] =	ssyncadd.s32 $0xFFFFFC00  }
0x21: {  	v8 =	vld [tilespmem:s2+$0x0];
	_ =	sdelay $0x4  }
0x22: {  	v8 =	vshra.s32 v8, $0x7  }
0x23: {  	v9 =	vperm.xlane v8, v2  }
0x24: {  	v10 =	vimm.s32 $0xFFFFFFFF  }
0x25: {  	v9 =	vsel vm0, v10, v9  }
0x26: {  	vm2 =	vne.s32 v8, v9  }
0x27: {  	v9 =	vmpcnt.ones.xlane vm2;
	_ =	sdelay $0x1  }
0x28: {  	v9 =	vxor.u32 $0x80000000, v9  }
0x29: {  	(xrf0) =	vmax.scan.msk.u32 $0xffff, v9;
	_ =	sdelay $0x5  }
0x2a: {  	v9, _, _ =	vpop (xrf0)  }
0x2b: {  	(v2sf) =	vpush v9, $0xF;
	v9 =	vor.u32 s2, v0  }
0x2c: {  	s13 =	simm.s32 $0x10;
	[tilespmem:s2+$0x200] =	vst.msk vm2, v9  }
0x2d: {  	v9 =	vld [tilespmem:s13+$0x0];
	_ =	sdelay $0x4  }
0x2e: {  	v9 =	vshra.s32 v9, $0x7  }
0x2f: {  	v8 =	vperm.xlane v8, v3;
	v10 =	vperm.xlane v9, v2;
	_ =	sdelay $0x1  }
0x30: {  	v8 =	vsel vm0, v8, v10  }
0x31: {  	vm2 =	vne.s32 v9, v8  }
0x32: {  	v8 =	vmpcnt.ones.xlane vm2;
	_ =	sdelay $0x1  }
0x33: {  	v10 =	vxor.u32 $0x80000000, v8  }
0x34: {  	(xrf0) =	vmax.scan.msk.u32 $0xffff, v10;
	_ =	sdelay $0x1  }
0x35: {  	v9 =	vperm.xlane v9, v3;
	s15 =	spop (v2sf)  }
0x36: {  	s14 =	simm.s32 $0x20;
	v8 =	vor.u32 s13, v0;
	s15 =	sadd.s32 $0x0, s15  }
.LBB2_2:
0x37: {  	v10 =	vor.u32 s14, v0;
	p0 =	sne.s32 s14, $0x1F0;
	s14 =	sadd.s32 $0x10, s14;
	s15 =	sadd.s32 $0x80000000, s15;
	v11 =	vmov v9  }
0x38: {  	[tilespmem:s15+$0x200] =	vst.msk vm2, v8;
	v8 =	vmov v10  }
0x39: {  	s13 =	sadd.s32 $0x10, s13;
	v9, _, _ =	vpop (xrf0)  }
0x3a: {  	v10 =	vld [tilespmem:s13+$0x0];
	(v2sf) =	vpush v9, $0xF;
	_ =	sdelay $0x4  }
0x3b: {  	v10 =	vshra.s32 v10, $0x7  }
0x3c: {  	v12 =	vperm.xlane v10, v2;
	v9 =	vperm.xlane v10, v3;
	_ =	sdelay $0x1  }
0x3d: {  	v11 =	vsel vm0, v11, v12  }
0x3e: {  	vm2 =	vne.s32 v10, v11  }
0x3f: {  	v10 =	vmpcnt.ones.xlane vm2;
	_ =	sdelay $0x1  }
.Ltmp2:
0x40: {  	v10 =	vxor.u32 $0x80000000, v10;
	(pc) =	sbr.rel @p0 .LBB2_2-.Ltmp2, $3  }
0x41: {  	(xrf0) =	vmax.scan.msk.u32 $0xffff, v10;
	_ =	sdelay $0x1  }
0x42: {  	s16 =	spop (v2sf)  }
0x43: {  	s15 =	sadd.s32 s16, s15  }
0x44: {  	_ =	sdelay $0x1  }
0x45: {  	v9, _, _ =	vpop (xrf0)  }
0x46: {  	(v2sf) =	vpush v9, $0xF;
	_ =	sdelay $0xe  }
0x47: {  	s14 =	sadd.s32 $0x80000000, s15;
	s13 =	spop (v2sf)  }
0x48: {  	s13 =	sadd.s32 s13, s14  }
0x49: {  	s13 =	sadd.s32 $0x80000000, s13  }
0x4a: {  	v63 =	vmov s13;
	p0 =	slt.s32 s13, $0x1  }
.Ltmp3:
0x4b: {  	_ = 	snop;
	(pc) =	sbr.rel @p0 .LBB2_16-.Ltmp3, $3  }
0x4c: {  	_ =	sdelay $0x1  }
0x4d: {  	[tilespmem:s14+$0x200] =	vst.msk vm2, v8  }
0x4e: {  	[tilespmem:v63+s10+$0x0] =	vst.idx.msk $0x1, v4  }
0x4f: {  	v8 =	vld [tilespmem:$0x200];
	_ =	sdelay $0x4  }
0x50: {  	v8 =	vnsel vm0, $0x0, v8  }
0x51: {  	(xrf0) =	vadd.scan.msk.s32 $0xffff, v8;
	_ =	sdelay $0x5  }
0x52: {  	v8, _, _ =	vpop (xrf0)  }
0x53: {  	(v2sf) =	vpush v8, $0xF;
	_ =	sdelay $0xe  }
0x54: {  	s14 =	spop (v2sf)  }
0x55: {  	s15 =	sand.u32 $0xF, s14  }
0x56: {  	s16 =	sshra.s32 s14, $0x1F;
	p0 =	slt.s32 s14, $0x1;
	p1 =	sne.s32 s15, $0x0  }
0x57: {  	s31 =	sshrl.u32 s16, $0x1C;
	p0 =	por !p0, !p1  }
0x58: {  	s16 =	simm.s32 $0x1;
	s15 =	sadd.s32 s31, s14;
	p0 =	por !p0, !p0  }
0x59: {  	s15 =	sshrl.u32 s15, $0x4;
	s16 =	simm.s32 @!p0 $0x0  }
0x5a: {  	s15 =	ssub.s32 s15, s16  }
0x5b: {  	s15 =	sshll.u32 s15, $0x4  }
0x5c: {  	v8 =	vld [tilespmem:s15+$0x0];
	_ =	sdelay $0x1  }
0x5d: {  	s14 =	ssub.s32 s14, s15  }
0x5e: {  	v9 =	vmov s14  }
0x5f: {  	vm2 =	veq.s32 v9, v0  }
0x60: {  	v8 =	vnsel vm2, $0x0, v8  }
0x61: {  	(xrf0) =	vadd.scan.msk.s32 $0xffff, v8;
	_ =	sdelay $0x5  }
0x62: {  	v8, _, _ =	vpop (xrf0)  }
0x63: {  	(v2sf) =	vpush v8, $0xF;
	_ =	sdelay $0xe  }
0x64: {  	s14 =	spop (v2sf)  }
0x65: {  	p0 =	sgt.s32 s14, $0xF41FF  }
0x66: {  	s15 =	simm.s32 @p0 $0x0  }
0x67: {  	s16 =	simm.s32 @p0 $0x880;
	s14 =	sand.u32 @!p0 $0xFFFFF80, s14;
	s17 =	simm.s32 @!p0 $0x880  }
0x68: {  	[tilespmem:s16], [sflag:$0x1] =	stream.linear.gather @p0 [hbm4b:s4+s15], $0x2000, $0x38;
	[tilespmem:$0x18880] =	vst v63  }
0x69: {  	s14 =	sadd.s32 @!p0 s1, s14;
	s15 =	simm.s32 @!p0 $0x400;
	s16 =	simm.s32 @!p0 $0x7A1400  }
0x6a: {  	[tilespmem:s17], [sflag:$0x1] =	stream.strided.gather @!p0 [hbm4b:s14+s15], $0x2000, s16, s15, $0x38;
	[tilespmem:$0x18880] =	vst v63  }
0x6b: {  	p0 =	seq.s32 s13, $0x1  }
0x6c: {  	v8 =	vld @!p0 [tilespmem:$0x200];
	_ =	sdelay $0x3  }
0x6d: {  	vm2 =	vcmask @!p0 $0x308  }
0x6e: {  	v8 =	vsel @!p0 vm2, $0x0, v8  }
0x6f: {  	(xrf0) =	vadd.scan.msk.s32 @!p0 $0xffff, v8;
	_ =	sdelay $0x5  }
0x70: {  	v8, _, _ =	vpop @!p0 (xrf0)  }
0x71: {  	(v2sf) =	vpush @!p0 v8, $0xF;
	_ =	sdelay $0xe  }
0x72: {  	s14 =	spop @!p0 (v2sf)  }
0x73: {  	s15 =	sand.u32 @!p0 $0xF, s14  }
0x74: {  	p1 =	slt.s32 @!p0 s14, $0x1;
	p2 =	sne.s32 @!p0 s15, $0x0  }
0x75: {  	s15 =	sshra.s32 @!p0 s14, $0x1F;
	p1 =	por @!p0 !p1, !p2  }
0x76: {  	s15 =	sshrl.u32 @!p0 s15, $0x1C;
	p1 =	por @!p0 !p1, !p1  }
0x77: {  	s16 =	simm.s32 @!p0 $0x1;
	s15 =	sadd.s32 @!p0 s15, s14;
	p1 =	por !p1, p0  }
0x78: {  	s15 =	sshrl.u32 @!p0 s15, $0x4;
	s16 =	simm.s32 @p1 $0x0  }
0x79: {  	s15 =	ssub.s32 @!p0 s15, s16  }
0x7a: {  	s15 =	sshll.u32 @!p0 s15, $0x4  }
0x7b: {  	v8 =	vld @!p0 [tilespmem:s15+$0x0];
	_ =	sdelay $0x1  }
0x7c: {  	s14 =	ssub.s32 @!p0 s14, s15  }
0x7d: {  	v10 =	vlaneseq.u32 @!p0;
	v9 =	vmov @!p0 s14  }
0x7e: {  	vm2 =	veq.s32 @!p0 v9, v10  }
0x7f: {  	v8 =	vnsel @!p0 vm2, $0x0, v8  }
0x80: {  	(xrf0) =	vadd.scan.msk.s32 @!p0 $0xffff, v8;
	_ =	sdelay $0x5  }
0x81: {  	v8, _, _ =	vpop @!p0 (xrf0)  }
0x82: {  	(v2sf) =	vpush @!p0 v8, $0xF;
	_ =	sdelay $0xe  }
0x83: {  	s14 =	spop @!p0 (v2sf)  }
0x84: {  	p1 =	sgt.s32 @!p0 s14, $0xF41FF  }
0x85: {  	p2 =	por !p1, p0  }
0x86: {  	p1 =	por p1, p0;
	s15 =	simm.s32 @!p2 $0x0  }
0x87: {  	s16 =	simm.s32 @!p2 $0x2880;
	s14 =	sand.u32 @!p1 $0xFFFFF80, s14;
	s17 =	simm.s32 @!p1 $0x2880  }
0x88: {  	[tilespmem:s16], [sflag:$0x2] =	stream.linear.gather @!p2 [hbm4b:s4+s15], $0x2000, $0x38;
	[tilespmem:$0x18880] =	vst v63  }
0x89: {  	s14 =	sadd.s32 @!p1 s1, s14;
	s15 =	simm.s32 @!p1 $0x400;
	s16 =	simm.s32 @!p1 $0x7A1400  }
0x8a: {  	[tilespmem:s17], [sflag:$0x2] =	stream.strided.gather @!p1 [hbm4b:s14+s15], $0x2000, s16, s15, $0x38;
	[tilespmem:$0x18880] =	vst v63  }
0x8b: {  	p1 =	slt.u32 @!p0 s13, $0x3  }
0x8c: {  	p0 =	por p0, p1  }
0x8d: {  	v8 =	vld @!p0 [tilespmem:$0x200];
	_ =	sdelay $0x3  }
0x8e: {  	vm2 =	vcmask @!p0 $0x70C  }
0x8f: {  	v8 =	vsel @!p0 vm2, $0x0, v8  }
0x90: {  	(xrf0) =	vadd.scan.msk.s32 @!p0 $0xffff, v8;
	_ =	sdelay $0x5  }
0x91: {  	v8, _, _ =	vpop @!p0 (xrf0)  }
0x92: {  	(v2sf) =	vpush @!p0 v8, $0xF;
	_ =	sdelay $0xe  }
0x93: {  	s14 =	spop @!p0 (v2sf)  }
0x94: {  	s15 =	sand.u32 @!p0 $0xF, s14  }
0x95: {  	p1 =	slt.s32 @!p0 s14, $0x1;
	p2 =	sne.s32 @!p0 s15, $0x0  }
0x96: {  	s15 =	sshra.s32 @!p0 s14, $0x1F;
	p1 =	por @!p0 !p1, !p2  }
0x97: {  	s15 =	sshrl.u32 @!p0 s15, $0x1C;
	p1 =	por @!p0 !p1, !p1  }
0x98: {  	s16 =	simm.s32 @!p0 $0x1;
	s15 =	sadd.s32 @!p0 s15, s14;
	p1 =	por !p1, p0  }
0x99: {  	s15 =	sshrl.u32 @!p0 s15, $0x4;
	s16 =	simm.s32 @p1 $0x0  }
0x9a: {  	s15 =	ssub.s32 @!p0 s15, s16  }
0x9b: {  	s15 =	sshll.u32 @!p0 s15, $0x4  }
0x9c: {  	v8 =	vld @!p0 [tilespmem:s15+$0x0];
	_ =	sdelay $0x1  }
0x9d: {  	s14 =	ssub.s32 @!p0 s14, s15  }
0x9e: {  	v10 =	vlaneseq.u32 @!p0;
	v9 =	vmov @!p0 s14  }
0x9f: {  	vm2 =	veq.s32 @!p0 v9, v10  }
0xa0: {  	v8 =	vnsel @!p0 vm2, $0x0, v8  }
0xa1: {  	(xrf0) =	vadd.scan.msk.s32 @!p0 $0xffff, v8;
	_ =	sdelay $0x5  }
0xa2: {  	v8, _, _ =	vpop @!p0 (xrf0)  }
0xa3: {  	(v2sf) =	vpush @!p0 v8, $0xF;
	_ =	sdelay $0xe  }
0xa4: {  	s14 =	spop @!p0 (v2sf)  }
0xa5: {  	p1 =	sgt.s32 @!p0 s14, $0xF41FF  }
0xa6: {  	p2 =	por !p1, p0  }
0xa7: {  	p1 =	por p1, p0;
	s15 =	simm.s32 @!p2 $0x0  }
0xa8: {  	s16 =	simm.s32 @!p2 $0x4880;
	s14 =	sand.u32 @!p1 $0xFFFFF80, s14;
	s17 =	simm.s32 @!p1 $0x4880  }
0xa9: {  	[tilespmem:s16], [sflag:$0x3] =	stream.linear.gather @!p2 [hbm4b:s4+s15], $0x2000, $0x38;
	[tilespmem:$0x18880] =	vst v63  }
0xaa: {  	s14 =	sadd.s32 @!p1 s1, s14;
	s15 =	simm.s32 @!p1 $0x400;
	s16 =	simm.s32 @!p1 $0x7A1400  }
0xab: {  	[tilespmem:s17], [sflag:$0x3] =	stream.strided.gather @!p1 [hbm4b:s14+s15], $0x2000, s16, s15, $0x38;
	[tilespmem:$0x18880] =	vst v63  }
0xac: {  	p1 =	seq.s32 @!p0 s13, $0x3  }
0xad: {  	p0 =	por p0, p1  }
0xae: {  	v8 =	vld @!p0 [tilespmem:$0x200];
	_ =	sdelay $0x3  }
0xaf: {  	vm2 =	vcmask @!p0 $0xB10  }
0xb0: {  	v8 =	vsel @!p0 vm2, $0x0, v8  }
0xb1: {  	(xrf0) =	vadd.scan.msk.s32 @!p0 $0xffff, v8;
	_ =	sdelay $0x5  }
0xb2: {  	v8, _, _ =	vpop @!p0 (xrf0)  }
0xb3: {  	(v2sf) =	vpush @!p0 v8, $0xF;
	_ =	sdelay $0xe  }
0xb4: {  	s14 =	spop @!p0 (v2sf)  }
0xb5: {  	s15 =	sand.u32 @!p0 $0xF, s14  }
0xb6: {  	p1 =	slt.s32 @!p0 s14, $0x1;
	p2 =	sne.s32 @!p0 s15, $0x0  }
0xb7: {  	s15 =	sshra.s32 @!p0 s14, $0x1F;
	p1 =	por @!p0 !p1, !p2  }
0xb8: {  	s15 =	sshrl.u32 @!p0 s15, $0x1C;
	p1 =	por @!p0 !p1, !p1  }
0xb9: {  	s16 =	simm.s32 @!p0 $0x1;
	s15 =	sadd.s32 @!p0 s15, s14;
	p1 =	por !p1, p0  }
0xba: {  	s15 =	sshrl.u32 @!p0 s15, $0x4;
	s16 =	simm.s32 @p1 $0x0  }
0xbb: {  	s15 =	ssub.s32 @!p0 s15, s16  }
0xbc: {  	s15 =	sshll.u32 @!p0 s15, $0x4  }
0xbd: {  	v8 =	vld @!p0 [tilespmem:s15+$0x0];
	_ =	sdelay $0x1  }
0xbe: {  	s14 =	ssub.s32 @!p0 s14, s15  }
0xbf: {  	v10 =	vlaneseq.u32 @!p0;
	v9 =	vmov @!p0 s14  }
0xc0: {  	vm2 =	veq.s32 @!p0 v9, v10  }
0xc1: {  	v8 =	vnsel @!p0 vm2, $0x0, v8  }
0xc2: {  	(xrf0) =	vadd.scan.msk.s32 @!p0 $0xffff, v8;
	_ =	sdelay $0x5  }
0xc3: {  	v8, _, _ =	vpop @!p0 (xrf0)  }
0xc4: {  	(v2sf) =	vpush @!p0 v8, $0xF;
	_ =	sdelay $0xe  }
0xc5: {  	s14 =	spop @!p0 (v2sf)  }
0xc6: {  	p1 =	sgt.s32 @!p0 s14, $0xF41FF  }
0xc7: {  	p2 =	por !p1, p0  }
0xc8: {  	p1 =	por p1, p0;
	s15 =	simm.s32 @!p2 $0x0  }
0xc9: {  	s16 =	simm.s32 @!p2 $0x6880;
	s14 =	sand.u32 @!p1 $0xFFFFF80, s14;
	s17 =	simm.s32 @!p1 $0x6880  }
0xca: {  	[tilespmem:s16], [sflag:$0x4] =	stream.linear.gather @!p2 [hbm4b:s4+s15], $0x2000, $0x38;
	[tilespmem:$0x18880] =	vst v63  }
0xcb: {  	s14 =	sadd.s32 @!p1 s1, s14;
	s15 =	simm.s32 @!p1 $0x400;
	s16 =	simm.s32 @!p1 $0x7A1400  }
0xcc: {  	[tilespmem:s17], [sflag:$0x4] =	stream.strided.gather @!p1 [hbm4b:s14+s15], $0x2000, s16, s15, $0x38;
	[tilespmem:$0x18880] =	vst v63  }
0xcd: {  	p1 =	slt.u32 @!p0 s13, $0x5  }
0xce: {  	p0 =	por p0, p1  }
0xcf: {  	v8 =	vld @!p0 [tilespmem:$0x200];
	_ =	sdelay $0x3  }
0xd0: {  	vm2 =	vcmask @!p0 $0xF14  }
0xd1: {  	v8 =	vsel @!p0 vm2, $0x0, v8  }
0xd2: {  	(xrf0) =	vadd.scan.msk.s32 @!p0 $0xffff, v8;
	_ =	sdelay $0x5  }
0xd3: {  	v8, _, _ =	vpop @!p0 (xrf0)  }
0xd4: {  	(v2sf) =	vpush @!p0 v8, $0xF;
	_ =	sdelay $0xe  }
0xd5: {  	s14 =	spop @!p0 (v2sf)  }
0xd6: {  	s15 =	sand.u32 @!p0 $0xF, s14  }
0xd7: {  	p1 =	slt.s32 @!p0 s14, $0x1;
	p2 =	sne.s32 @!p0 s15, $0x0  }
0xd8: {  	s15 =	sshra.s32 @!p0 s14, $0x1F;
	p1 =	por @!p0 !p1, !p2  }
0xd9: {  	s15 =	sshrl.u32 @!p0 s15, $0x1C;
	p1 =	por @!p0 !p1, !p1  }
0xda: {  	s16 =	simm.s32 @!p0 $0x1;
	s15 =	sadd.s32 @!p0 s15, s14;
	p1 =	por !p1, p0  }
0xdb: {  	s15 =	sshrl.u32 @!p0 s15, $0x4;
	s16 =	simm.s32 @p1 $0x0  }
0xdc: {  	s15 =	ssub.s32 @!p0 s15, s16  }
0xdd: {  	s15 =	sshll.u32 @!p0 s15, $0x4  }
0xde: {  	v8 =	vld @!p0 [tilespmem:s15+$0x0];
	_ =	sdelay $0x1  }
0xdf: {  	s14 =	ssub.s32 @!p0 s14, s15  }
0xe0: {  	v10 =	vlaneseq.u32 @!p0;
	v9 =	vmov @!p0 s14  }
0xe1: {  	vm2 =	veq.s32 @!p0 v9, v10  }
0xe2: {  	v8 =	vnsel @!p0 vm2, $0x0, v8  }
0xe3: {  	(xrf0) =	vadd.scan.msk.s32 @!p0 $0xffff, v8;
	_ =	sdelay $0x5  }
0xe4: {  	v8, _, _ =	vpop @!p0 (xrf0)  }
0xe5: {  	(v2sf) =	vpush @!p0 v8, $0xF;
	_ =	sdelay $0xe  }
0xe6: {  	s14 =	spop @!p0 (v2sf)  }
0xe7: {  	p1 =	sgt.s32 @!p0 s14, $0xF41FF  }
0xe8: {  	p2 =	por !p1, p0  }
0xe9: {  	p1 =	por p1, p0;
	s15 =	simm.s32 @!p2 $0x0  }
0xea: {  	s16 =	simm.s32 @!p2 $0x8880;
	s14 =	sand.u32 @!p1 $0xFFFFF80, s14;
	s17 =	simm.s32 @!p1 $0x8880  }
0xeb: {  	[tilespmem:s16], [sflag:$0x5] =	stream.linear.gather @!p2 [hbm4b:s4+s15], $0x2000, $0x38;
	[tilespmem:$0x18880] =	vst v63  }
0xec: {  	s14 =	sadd.s32 @!p1 s1, s14;
	s15 =	simm.s32 @!p1 $0x400;
	s16 =	simm.s32 @!p1 $0x7A1400  }
0xed: {  	[tilespmem:s17], [sflag:$0x5] =	stream.strided.gather @!p1 [hbm4b:s14+s15], $0x2000, s16, s15, $0x38;
	[tilespmem:$0x18880] =	vst v63  }
0xee: {  	p1 =	seq.s32 @!p0 s13, $0x5  }
0xef: {  	p0 =	por p0, p1  }
.Ltmp4:
0xf0: {  	_ = 	snop;
	(pc) =	sbr.rel @p0 .LBB2_6-.Ltmp4, $1  }
0xf1: {  	_ =	sdelay $0x3  }
0xf2: {  	v8 =	vld [tilespmem:$0x200];
	_ =	sdelay $0x4  }
0xf3: {  	v8 =	vsel vm1, $0x0, v8  }
0xf4: {  	(xrf0) =	vadd.scan.msk.s32 $0xffff, v8;
	_ =	sdelay $0x5  }
0xf5: {  	v8, _, _ =	vpop (xrf0)  }
0xf6: {  	(v2sf) =	vpush v8, $0xF;
	_ =	sdelay $0xe  }
0xf7: {  	s14 =	spop (v2sf)  }
0xf8: {  	s15 =	sand.u32 $0xF, s14  }
0xf9: {  	s16 =	sshra.s32 s14, $0x1F;
	p0 =	slt.s32 s14, $0x1;
	p1 =	sne.s32 s15, $0x0  }
0xfa: {  	s31 =	sshrl.u32 s16, $0x1C;
	p0 =	por !p0, !p1  }
0xfb: {  	s16 =	simm.s32 $0x1;
	s15 =	sadd.s32 s31, s14;
	p0 =	por !p0, !p0  }
0xfc: {  	s15 =	sshrl.u32 s15, $0x4;
	s16 =	simm.s32 @!p0 $0x0  }
0xfd: {  	s15 =	ssub.s32 s15, s16  }
0xfe: {  	s15 =	sshll.u32 s15, $0x4  }
0xff: {  	v8 =	vld [tilespmem:s15+$0x0];
	_ =	sdelay $0x1  }
0x100: {  	s14 =	ssub.s32 s14, s15  }
0x101: {  	v9 =	vmov s14  }
0x102: {  	vm2 =	veq.s32 v9, v0  }
0x103: {  	v8 =	vnsel vm2, $0x0, v8  }
0x104: {  	(xrf0) =	vadd.scan.msk.s32 $0xffff, v8;
	_ =	sdelay $0x5  }
0x105: {  	v8, _, _ =	vpop (xrf0)  }
0x106: {  	(v2sf) =	vpush v8, $0xF;
	_ =	sdelay $0xe  }
0x107: {  	s14 =	spop (v2sf)  }
0x108: {  	p0 =	sgt.s32 s14, $0xF41FF  }
0x109: {  	s15 =	simm.s32 @p0 $0x0  }
0x10a: {  	s16 =	simm.s32 @p0 $0xA880;
	s14 =	sand.u32 @!p0 $0xFFFFF80, s14;
	s17 =	simm.s32 @!p0 $0xA880  }
0x10b: {  	[tilespmem:s16], [sflag:$0x6] =	stream.linear.gather @p0 [hbm4b:s4+s15], $0x2000, $0x38;
	[tilespmem:$0x18880] =	vst v63  }
0x10c: {  	s14 =	sadd.s32 @!p0 s1, s14;
	s15 =	simm.s32 @!p0 $0x400;
	s16 =	simm.s32 @!p0 $0x7A1400  }
0x10d: {  	[tilespmem:s17], [sflag:$0x6] =	stream.strided.gather @!p0 [hbm4b:s14+s15], $0x2000, s16, s15, $0x38;
	[tilespmem:$0x18880] =	vst v63  }
0x10e: {  	p0 =	slt.u32 s13, $0x7  }
0x10f: {  	v8 =	vld @!p0 [tilespmem:$0x200];
	_ =	sdelay $0x3  }
0x110: {  	vm2 =	vcmask @!p0 $0x171C  }
0x111: {  	v8 =	vsel @!p0 vm2, $0x0, v8  }
0x112: {  	(xrf0) =	vadd.scan.msk.s32 @!p0 $0xffff, v8;
	_ =	sdelay $0x5  }
0x113: {  	v8, _, _ =	vpop @!p0 (xrf0)  }
0x114: {  	(v2sf) =	vpush @!p0 v8, $0xF;
	_ =	sdelay $0xe  }
0x115: {  	s14 =	spop @!p0 (v2sf)  }
0x116: {  	s15 =	sand.u32 @!p0 $0xF, s14  }
0x117: {  	p1 =	slt.s32 @!p0 s14, $0x1;
	p2 =	sne.s32 @!p0 s15, $0x0  }
0x118: {  	s15 =	sshra.s32 @!p0 s14, $0x1F;
	p1 =	por @!p0 !p1, !p2  }
0x119: {  	s15 =	sshrl.u32 @!p0 s15, $0x1C;
	p1 =	por @!p0 !p1, !p1  }
0x11a: {  	s16 =	simm.s32 @!p0 $0x1;
	s15 =	sadd.s32 @!p0 s15, s14;
	p1 =	por !p1, p0  }
0x11b: {  	s15 =	sshrl.u32 @!p0 s15, $0x4;
	s16 =	simm.s32 @p1 $0x0  }
0x11c: {  	s15 =	ssub.s32 @!p0 s15, s16  }
0x11d: {  	s15 =	sshll.u32 @!p0 s15, $0x4  }
0x11e: {  	v8 =	vld @!p0 [tilespmem:s15+$0x0];
	_ =	sdelay $0x1  }
0x11f: {  	s14 =	ssub.s32 @!p0 s14, s15  }
0x120: {  	v10 =	vlaneseq.u32 @!p0;
	v9 =	vmov @!p0 s14  }
0x121: {  	vm2 =	veq.s32 @!p0 v9, v10  }
0x122: {  	v8 =	vnsel @!p0 vm2, $0x0, v8  }
0x123: {  	(xrf0) =	vadd.scan.msk.s32 @!p0 $0xffff, v8;
	_ =	sdelay $0x5  }
0x124: {  	v8, _, _ =	vpop @!p0 (xrf0)  }
0x125: {  	(v2sf) =	vpush @!p0 v8, $0xF;
	_ =	sdelay $0xe  }
0x126: {  	s14 =	spop @!p0 (v2sf)  }
0x127: {  	p1 =	sgt.s32 @!p0 s14, $0xF41FF  }
0x128: {  	p2 =	por !p1, p0  }
0x129: {  	p0 =	por p1, p0;
	s15 =	simm.s32 @!p2 $0x0  }
0x12a: {  	s16 =	simm.s32 @!p2 $0xC880;
	s14 =	sand.u32 @!p0 $0xFFFFF80, s14;
	s17 =	simm.s32 @!p0 $0xC880  }
0x12b: {  	[tilespmem:s16], [sflag:$0x7] =	stream.linear.gather @!p2 [hbm4b:s4+s15], $0x2000, $0x38;
	[tilespmem:$0x18880] =	vst v63  }
0x12c: {  	s14 =	sadd.s32 @!p0 s1, s14;
	s15 =	simm.s32 @!p0 $0x400;
	s16 =	simm.s32 @!p0 $0x7A1400  }
0x12d: {  	[tilespmem:s17], [sflag:$0x7] =	stream.strided.gather @!p0 [hbm4b:s14+s15], $0x2000, s16, s15, $0x38;
	[tilespmem:$0x18880] =	vst v63  }
.LBB2_6:
.Ltmp5:
0x12e: {  	(pc) =	sbr.rel .LBB2_8-.Ltmp5, $2  }
0x12f: {  	_ =	sdelay $0x2  }
0x130: {  	s14 =	simm.s32 $0x0  }
.LBB2_10:
0x131: {  	_ = 	snop  }
.LBB2_15:
0x132: {  	_ =	sdelay $0x1  }
0x133: {  	p3 =	por p6, p5  }
0x134: {  	s17 =	simm.s32 @!p3 $0x9;
	[tilespmem:s24+$0x10] =	vst @p1 v8;
	p1 =	por p2, !p1  }
0x135: {  	[hbm4b:s26+s21] =	stream.indirect.scatter @!p1 [tilespmem:s25], [sflag:$0x9], $0x80, s23, s21, $0xb8;
	[tilespmem:$0x18880] =	vst v63  }
0x136: {  	_ =	swait.ge @!p3 [sflag:s17], $0x2000  }
0x137: {  	[sflag:s17] =	ssyncset.done @!p3 $0x0  }
0x138: {  	s28 =	sshll.u32 s28, $0x4;
	[sflag:s17] =	ssyncadd.s32 @!p3 $0xFFFFE000  }
0x139: {  	v8 =	vld [tilespmem:s28+$0x0];
	_ =	sdelay $0x2  }
0x13a: {  	s17 =	ssub.s32 s19, s28  }
0x13b: {  	v9 =	vmov s17  }
0x13c: {  	v9 =	vadd.s32 $0x10, v9;
	v8 =	vand.u32 $0x7F, v8  }
0x13d: {  	p0 =	por !p0, !p4;
	v8 =	vperm.xlane v8, v9  }
0x13e: {  	p0 =	por !p0, !p0;
	s17 =	simm.s32 $0x1  }
0x13f: {  	s18 =	sshra.s32 s20, $0x6;
	s17 =	simm.s32 @!p0 $0x0;
	v9 =	vadd.s32 v1, v8  }
0x140: {  	s17 =	ssub.s32 s18, s17  }
0x141: {  	s29 =	sshrl.u32 s17, $0x1E  }
0x142: {  	s20 =	sadd.s32 s29, s17  }
0x143: {  	s20 =	sand.u32 $0xFFFFFFFC, s20  }
0x144: {  	s20 =	ssub.s32 s17, s20;
	v9 =	vld.idx.msk [tilespmem:v9+s15+$0x0], $0xffff  }
0x145: {  	s18 =	sshll.u32 s18, $0xF;
	s20 =	sshll.u32 s20, $0xF;
	v10 =	vadd.s32 v5, v8  }
0x146: {  	s18 =	ssub.s32 s20, s18  }
0x147: {  	s18 =	sshra.s32 s18, $0x2  }
0x148: {  	s16 =	sadd.s32 s18, s16  }
0x149: {  	[tilespmem:s16+$0xFFFFFFE0] =	vst v9  }
0x14a: {  	v9 =	vld.idx.msk [tilespmem:v10+s15+$0x0], $0xffff  }
0x14b: {  	v63 =	vadd.s32 v6, v8;
	_ =	sdelay $0x3  }
0x14c: {  	[tilespmem:s16+$0xFFFFFFF0] =	vst v9  }
0x14d: {  	v9 =	vld.idx.msk [tilespmem:v63+s15+$0x0], $0xffff  }
0x14e: {  	v8 =	vadd.s32 v7, v8;
	_ =	sdelay $0x3  }
0x14f: {  	[tilespmem:s16+$0x0] =	vst v9  }
0x150: {  	v8 =	vld.idx.msk [tilespmem:v8+s15+$0x0], $0xffff  }
0x151: {  	s30 =	sor.u32 $0x3F, s22  }
0x152: {  	p0 =	sne.s32 s30, s19  }
0x153: {  	s15 =	sshll.u32 @!p0 s17, $0x9  }
0x154: {  	s19 =	simm.s32 @!p0 $0x40;
	s31 =	sshra.s32 s20, $0x2;
	s15 =	sshra.s32 @!p0 s15, $0x2  }
0x155: {  	s18 =	sadd.s32 $0x10880, s31;
	s17 =	rddreg [dreg:$0x4];
	s15 =	sadd.s32 @!p0 $0x480, s15;
	[tilespmem:s16+$0x10] =	vst v8  }
0x156: {  	[hbm4b:s17+s19] =	stream.indirect.scatter @!p0 [tilespmem:s18], [sflag:$0x9], $0x80, s15, s19, $0xb8;
	[tilespmem:$0x18880] =	vst v63  }
.LBB2_7:
0x157: {  	p0 =	seq.s32 s14, s13  }
.Ltmp6:
0x158: {  	_ = 	snop;
	(pc) =	sbr.rel @p0 .LBB2_16-.Ltmp6, $1  }
0x159: {  	_ =	sdelay $0x3  }
.LBB2_8:
0x15a: {  	s15 =	sadd.s32 $0x7, s14  }
0x15b: {  	p0 =	sge.s32 s15, s13  }
0x15c: {  	s16 =	sand.u32 @!p0 $0xF, s15  }
0x15d: {  	p1 =	slt.s32 @!p0 s15, $0x1;
	p2 =	sne.s32 @!p0 s16, $0x0  }
0x15e: {  	s16 =	sshra.s32 @!p0 s15, $0x1F;
	p1 =	por @!p0 !p1, !p2  }
0x15f: {  	s17 =	sshrl.u32 @!p0 s16, $0x1C;
	p1 =	por @!p0 !p1, !p1  }
0x160: {  	s18 =	simm.s32 @!p0 $0x1;
	s17 =	sadd.s32 @!p0 s17, s15;
	p1 =	por !p1, p0  }
0x161: {  	s17 =	sshrl.u32 @!p0 s17, $0x4;
	s18 =	simm.s32 @p1 $0x0  }
0x162: {  	s17 =	ssub.s32 @!p0 s17, s18  }
0x163: {  	s17 =	sshll.u32 @!p0 s17, $0x4  }
0x164: {  	v8 =	vld @!p0 [tilespmem:s17+$0x200];
	_ =	sdelay $0x1  }
0x165: {  	s17 =	ssub.s32 @!p0 s15, s17  }
0x166: {  	v10 =	vlaneseq.u32 @!p0;
	v9 =	vmov @!p0 s17  }
0x167: {  	vm2 =	veq.s32 @!p0 v9, v10  }
0x168: {  	v8 =	vnsel @!p0 vm2, $0x0, v8  }
0x169: {  	(xrf0) =	vadd.scan.msk.s32 @!p0 $0xffff, v8;
	_ =	sdelay $0x5  }
0x16a: {  	v8, _, _ =	vpop @!p0 (xrf0)  }
0x16b: {  	(v2sf) =	vpush @!p0 v8, $0xF;
	_ =	sdelay $0xe  }
0x16c: {  	s17 =	spop @!p0 (v2sf)  }
0x16d: {  	s18 =	sand.u32 @!p0 $0xF, s17  }
0x16e: {  	p1 =	slt.s32 @!p0 s17, $0x1;
	p2 =	sne.s32 @!p0 s18, $0x0  }
0x16f: {  	s18 =	sshra.s32 @!p0 s17, $0x1F;
	p1 =	por @!p0 !p1, !p2  }
0x170: {  	s18 =	sshrl.u32 @!p0 s18, $0x1C;
	p1 =	por @!p0 !p1, !p1  }
0x171: {  	s19 =	simm.s32 @!p0 $0x1;
	s18 =	sadd.s32 @!p0 s18, s17;
	p1 =	por !p1, p0  }
0x172: {  	s18 =	sshrl.u32 @!p0 s18, $0x4;
	s19 =	simm.s32 @p1 $0x0  }
0x173: {  	s18 =	ssub.s32 @!p0 s18, s19  }
0x174: {  	s18 =	sshll.u32 @!p0 s18, $0x4  }
0x175: {  	v8 =	vld @!p0 [tilespmem:s18+$0x0];
	_ =	sdelay $0x1  }
0x176: {  	s17 =	ssub.s32 @!p0 s17, s18  }
0x177: {  	v9 =	vmov @!p0 s17  }
0x178: {  	vm2 =	veq.s32 @!p0 v9, v10  }
0x179: {  	v8 =	vnsel @!p0 vm2, $0x0, v8  }
0x17a: {  	(xrf0) =	vadd.scan.msk.s32 @!p0 $0xffff, v8;
	_ =	sdelay $0x5  }
0x17b: {  	v8, _, _ =	vpop @!p0 (xrf0)  }
0x17c: {  	(v2sf) =	vpush @!p0 v8, $0xF;
	_ =	sdelay $0xa  }
0x17d: {  	s16 =	sshrl.u32 @!p0 s16, $0x1D  }
0x17e: {  	s16 =	sadd.s32 @!p0 s16, s15  }
0x17f: {  	s16 =	sand.u32 @!p0 $0xFFFFFFF8, s16  }
0x180: {  	s16 =	ssub.s32 @!p0 s15, s16  }
0x181: {  	s15 =	sshll.u32 @!p0 s16, $0xF;
	s17 =	spop @!p0 (v2sf)  }
0x182: {  	s15 =	sshra.s32 @!p0 s15, $0x2;
	p1 =	sgt.s32 @!p0 s17, $0xF41FF  }
0x183: {  	s18 =	sor.u32 @!p0 $0x880, s15;
	p2 =	por !p1, p0;
	p0 =	por p1, p0  }
0x184: {  	s15 =	sadd.s32 @!p2 $0x1, s16;
	s19 =	simm.s32 @!p2 $0x0;
	s17 =	sand.u32 @!p0 $0xFFFFF80, s17  }
0x185: {  	[tilespmem:s18], [sflag:s15] =	stream.linear.gather @!p2 [hbm4b:s4+s19], $0x2000, $0x38;
	[tilespmem:$0x18880] =	vst v63  }
0x186: {  	s16 =	sadd.s32 @!p0 $0x1, s16;
	s20 =	simm.s32 @!p0 $0x7A1400;
	s15 =	sand.u32 $0x7, s14  }
0x187: {  	s17 =	sadd.s32 @!p0 s1, s17;
	s19 =	simm.s32 @!p0 $0x400;
	s26 =	sadd.s32 $0x1, s15  }
0x188: {  	[tilespmem:s18], [sflag:s16] =	stream.strided.gather @!p0 [hbm4b:s17+s19], $0x2000, s20, s19, $0x38;
	[tilespmem:$0x18880] =	vst v63  }
0x189: {  	_ =	swait.ge [sflag:s26], $0x2000  }
0x18a: {  	s28 =	sand.u32 $0x7FFFFFF0, s14;
	[sflag:s26] =	ssyncset.done $0x0  }
0x18b: {  	s29 =	sand.u32 $0xF, s14;
	s14 =	sadd.s32 $0x1, s14;
	[sflag:s26] =	ssyncadd.s32 $0xFFFFE000  }
0x18c: {  	s30 =	sand.u32 $0x7FFFFFF0, s14;
	v8 =	vld [tilespmem:s28+$0x200]  }
0x18d: {  	v61 =	vld [tilespmem:s30+$0x200];
	_ =	sdelay $0x1  }
0x18e: {  	v62 =	vmov s29;
	s31 =	sand.u32 $0xF, s14  }
0x18f: {  	vm2 =	veq.s32 v62, v0;
	v63 =	vmov s31  }
0x190: {  	v8 =	vnsel vm2, $0x0, v8;
	vm2 =	veq.s32 v63, v0  }
0x191: {  	(xrf0) =	vadd.scan.msk.s32 $0xffff, v8;
	v8 =	vnsel vm2, $0x0, v61  }
0x192: {  	(xrf0) =	vadd.scan.msk.s32 $0xffff, v8;
	_ =	sdelay $0x4  }
0x193: {  	v8, _, _ =	vpop (xrf0)  }
0x194: {  	(v2sf) =	vpush v8, $0xF;
	v8, _, _ =	vpop (xrf0)  }
0x195: {  	(v2sf) =	vpush v8, $0xF;
	_ =	sdelay $0xd  }
0x196: {  	s19 =	spop (v2sf)  }
0x197: {  	s17 =	spop (v2sf)  }
0x198: {  	p0 =	sge.s32 s19, s17  }
.Ltmp7:
0x199: {  	_ = 	snop;
	(pc) =	sbr.rel @p0 .LBB2_7-.Ltmp7, $1  }
0x19a: {  	_ =	sdelay $0x3  }
0x19b: {  	s15 =	sshll.u32 s15, $0xD;
	s16 =	sshll.u32 s19, $0x9;
	s18 =	sadd.s32 $0x1, s19  }
0x19c: {  	p0 =	slt.s32 s19, $0x1;
	p5 =	slt.s32 s19, $0x100;
	s20 =	sand.u32 $0xF, s19  }
0x19d: {  	s21 =	sshra.s32 s19, $0x1F;
	s23 =	simm.s32 $0x1;
	s15 =	sor.u32 $0x880, s15  }
0x19e: {  	s16 =	sshra.s32 s16, $0x2;
	p2 =	seq.s32 s17, s18;
	p1 =	sne.s32 s20, $0x0  }
.Ltmp8:
0x19f: {  	s31 =	sshrl.u32 s21, $0x1A;
	s21 =	sshrl.u32 s21, $0x1C;
	(pc) =	sbr.rel @p2 .LBB2_10-.Ltmp8, $4  }
0x1a0: {  	s16 =	sadd.s32 $0x108A0, s16;
	p1 =	por !p0, !p1;
	s20 =	sadd.s32 s31, s19  }
0x1a1: {  	s21 =	sadd.s32 s21, s19;
	p1 =	por !p1, !p1;
	s22 =	sand.u32 $0xFFFFFFC0, s20  }
0x1a2: {  	s21 =	sshrl.u32 s21, $0x4;
	s23 =	simm.s32 @!p1 $0x0;
	p4 =	sne.s32 s19, s22  }
0x1a3: {  	p6 =	sne.s32 @!p5 s19, s22;
	p1 =	por $0x0, $0x0;
	s28 =	ssub.s32 s21, s23  }
0x1a4: {  	p1 =	por p6, p5  }
0x1a5: {  	s21 =	simm.s32 @!p1 $0x9  }
0x1a6: {  	_ =	swait.ge @!p1 [sflag:s21], $0x2000  }
0x1a7: {  	[sflag:s21] =	ssyncset.done @!p1 $0x0  }
0x1a8: {  	s24 =	sshll.u32 s28, $0x4;
	[sflag:s21] =	ssyncadd.s32 @!p1 $0xFFFFE000  }
0x1a9: {  	v8 =	vld [tilespmem:s24+$0x0];
	_ =	sdelay $0x2  }
0x1aa: {  	s21 =	ssub.s32 s19, s24  }
0x1ab: {  	v9 =	vmov s21  }
0x1ac: {  	v9 =	vadd.s32 $0x10, v9;
	v8 =	vand.u32 $0x7F, v8  }
0x1ad: {  	p0 =	por !p0, !p4;
	v8 =	vperm.xlane v8, v9  }
0x1ae: {  	p0 =	por !p0, !p0;
	s21 =	simm.s32 $0x1  }
0x1af: {  	s20 =	sshra.s32 s20, $0x6;
	s21 =	simm.s32 @!p0 $0x0;
	v9 =	vadd.s32 v1, v8  }
0x1b0: {  	s21 =	ssub.s32 s20, s21  }
0x1b1: {  	s23 =	sshrl.u32 s21, $0x1E  }
0x1b2: {  	s23 =	sadd.s32 s23, s21  }
0x1b3: {  	s23 =	sand.u32 $0xFFFFFFFC, s23  }
0x1b4: {  	s23 =	ssub.s32 s21, s23;
	v9 =	vld.idx.msk [tilespmem:v9+s15+$0x0], $0xffff  }
0x1b5: {  	s20 =	sshll.u32 s20, $0xF;
	s23 =	sshll.u32 s23, $0xF;
	v10 =	vadd.s32 v5, v8  }
0x1b6: {  	s20 =	ssub.s32 s23, s20  }
0x1b7: {  	s20 =	sshra.s32 s20, $0x2  }
0x1b8: {  	s24 =	sadd.s32 s20, s16  }
0x1b9: {  	[tilespmem:s24+$0xFFFFFFE0] =	vst v9  }
0x1ba: {  	v9 =	vld.idx.msk [tilespmem:v10+s15+$0x0], $0xffff  }
0x1bb: {  	v10 =	vadd.s32 v6, v8;
	_ =	sdelay $0x1  }
0x1bc: {  	s25 =	sor.u32 $0x3F, s22;
	s29 =	sand.u32 $0xF, s18  }
0x1bd: {  	p5 =	slt.s32 s18, $0x100;
	s30 =	sshra.s32 s18, $0x1F;
	p2 =	sne.s32 s25, s19  }
0x1be: {  	p6 =	sne.s32 s29, $0x0;
	s31 =	sshrl.u32 s30, $0x1A;
	p0 =	slt.s32 s18, $0x1;
	[tilespmem:s24+$0xFFFFFFF0] =	vst v9  }
0x1bf: {  	s22 =	sshrl.u32 s30, $0x1C;
	s29 =	simm.s32 $0x1;
	p1 =	por !p0, !p6;
	v9 =	vld.idx.msk [tilespmem:v10+s15+$0x0], $0xffff  }
0x1c0: {  	s28 =	sadd.s32 s22, s18;
	s19 =	sadd.s32 $0x1, s18;
	p1 =	por !p1, !p1;
	v8 =	vadd.s32 v7, v8  }
0x1c1: {  	s28 =	sshrl.u32 s28, $0x4;
	p3 =	seq.s32 s17, s19;
	s29 =	simm.s32 @!p1 $0x0  }
.Ltmp9:
0x1c2: {  	p1 =	por $0x1, $0x1;
	s20 =	sshll.u32 @!p2 s21, $0x9;
	(pc) =	sbr.rel @p3 .LBB2_12-.Ltmp9, $4  }
0x1c3: {  	s28 =	ssub.s32 s28, s29;
	s26 =	sshra.s32 s23, $0x2;
	s20 =	sshra.s32 @!p2 s20, $0x2  }
0x1c4: {  	s25 =	sadd.s32 $0x10880, s26;
	s23 =	sadd.s32 @!p2 $0x480, s20;
	s20 =	sadd.s32 s31, s18;
	[tilespmem:s24+$0x0] =	vst v9  }
0x1c5: {  	s26 =	rddreg [dreg:$0x4];
	s21 =	simm.s32 @!p2 $0x40;
	s22 =	sand.u32 $0xFFFFFFC0, s20;
	v8 =	vld.idx.msk [tilespmem:v8+s15+$0x0], $0xffff  }
0x1c6: {  	s16 =	sadd.s32 $0x80, s16;
	p4 =	sne.s32 s18, s22;
	p6 =	sne.s32 @!p5 s18, s22  }
.LBB2_13:
0x1c7: {  	_ =	sdelay $0x2  }
0x1c8: {  	p5 =	por p6, p5  }
0x1c9: {  	s30 =	simm.s32 @!p5 $0x9;
	[tilespmem:s24+$0x10] =	vst v8  }
0x1ca: {  	[hbm4b:s26+s21] =	stream.indirect.scatter @!p2 [tilespmem:s25], [sflag:$0x9], $0x80, s23, s21, $0xb8;
	[tilespmem:$0x18880] =	vst v63  }
0x1cb: {  	_ =	swait.ge @!p5 [sflag:s30], $0x2000  }
0x1cc: {  	[sflag:s30] =	ssyncset.done @!p5 $0x0  }
0x1cd: {  	s24 =	sshll.u32 s28, $0x4;
	[sflag:s30] =	ssyncadd.s32 @!p5 $0xFFFFE000  }
0x1ce: {  	v8 =	vld [tilespmem:s24+$0x0];
	_ =	sdelay $0x2  }
0x1cf: {  	s21 =	ssub.s32 s18, s24  }
0x1d0: {  	v9 =	vmov s21  }
0x1d1: {  	v9 =	vadd.s32 $0x10, v9;
	v8 =	vand.u32 $0x7F, v8  }
0x1d2: {  	p0 =	por !p0, !p4;
	v8 =	vperm.xlane v8, v9  }
0x1d3: {  	p0 =	por !p0, !p0;
	s21 =	simm.s32 $0x1  }
0x1d4: {  	s20 =	sshra.s32 s20, $0x6;
	s21 =	simm.s32 @!p0 $0x0;
	v9 =	vadd.s32 v1, v8  }
0x1d5: {  	s24 =	ssub.s32 s20, s21  }
0x1d6: {  	s22 =	sor.u32 $0x3F, s22;
	s25 =	sshrl.u32 s24, $0x1E  }
0x1d7: {  	p2 =	sne.s32 s22, s18;
	s22 =	sadd.s32 s25, s24  }
0x1d8: {  	s22 =	sand.u32 $0xFFFFFFFC, s22  }
0x1d9: {  	s22 =	ssub.s32 s24, s22;
	v9 =	vld.idx.msk [tilespmem:v9+s15+$0x0], $0xffff  }
0x1da: {  	s20 =	sshll.u32 s20, $0xF;
	s22 =	sshll.u32 s22, $0xF;
	v10 =	vadd.s32 v5, v8  }
0x1db: {  	s20 =	ssub.s32 s22, s20  }
0x1dc: {  	s20 =	sshra.s32 s20, $0x2  }
0x1dd: {  	s23 =	sshll.u32 @!p2 s24, $0x9;
	s24 =	sadd.s32 s20, s16  }
0x1de: {  	[tilespmem:s24+$0xFFFFFFE0] =	vst v9  }
0x1df: {  	v9 =	vld.idx.msk [tilespmem:v10+s15+$0x0], $0xffff  }
0x1e0: {  	s29 =	smov.u32 s19;
	v10 =	vadd.s32 v6, v8  }
0x1e1: {  	s18 =	smov.u32 s29  }
0x1e2: {  	s29 =	sand.u32 $0xF, s18  }
0x1e3: {  	s19 =	sadd.s32 $0x1, s19;
	p0 =	slt.s32 s18, $0x1;
	p6 =	sne.s32 s29, $0x0  }
0x1e4: {  	p3 =	seq.s32 s17, s19;
	s29 =	simm.s32 $0x1;
	p4 =	por !p0, !p6;
	[tilespmem:s24+$0xFFFFFFF0] =	vst v9  }
0x1e5: {  	p5 =	slt.s32 s18, $0x100;
	s30 =	sshra.s32 s18, $0x1F;
	p4 =	por !p4, !p4;
	v9 =	vld.idx.msk [tilespmem:v10+s15+$0x0], $0xffff  }
0x1e6: {  	s21 =	simm.s32 @!p2 $0x40;
	s31 =	sshrl.u32 s30, $0x1A;
	s29 =	simm.s32 @!p4 $0x0;
	v8 =	vadd.s32 v7, v8  }
.Ltmp10:
0x1e7: {  	s23 =	sshra.s32 @!p2 s23, $0x2;
	s26 =	sshra.s32 s22, $0x2;
	(pc) =	sbr.rel @!p3 .LBB2_13-.Ltmp10, $4  }
0x1e8: {  	s23 =	sadd.s32 @!p2 $0x480, s23;
	s22 =	sshrl.u32 s30, $0x1C;
	s25 =	sadd.s32 $0x10880, s26  }
0x1e9: {  	s26 =	rddreg [dreg:$0x4];
	s28 =	sadd.s32 s22, s18;
	s20 =	sadd.s32 s31, s18  }
0x1ea: {  	s16 =	sadd.s32 $0x80, s16;
	s28 =	sshrl.u32 s28, $0x4;
	s22 =	sand.u32 $0xFFFFFFC0, s20;
	[tilespmem:s24+$0x0] =	vst v9  }
0x1eb: {  	s28 =	ssub.s32 s28, s29;
	p4 =	sne.s32 s18, s22;
	p6 =	sne.s32 @!p5 s18, s22;
	v8 =	vld.idx.msk [tilespmem:v8+s15+$0x0], $0xffff  }
.Ltmp11:
0x1ec: {  	(pc) =	sbr.rel .LBB2_15-.Ltmp11, $2  }
0x1ed: {  	_ =	sdelay $0x2  }
0x1ee: {  	s19 =	smov.u32 s18  }
.LBB2_12:
.Ltmp12:
0x1ef: {  	(pc) =	sbr.rel .LBB2_15-.Ltmp12, $2  }
0x1f0: {  	_ =	sdelay $0x2  }
0x1f1: {  	s19 =	smov.u32 s18  }
.LBB2_17:
0x1f2: {  	_ =	sfence.sel $0x180000  }
0x1f3: {  	[bflag:$0x0] =	sbarrier.arrive $0xFFFF  }
0x1f4: {  	p0 =	sne.s32 s3, $0x0;
	_ =	strace $0x90000047  }
0x1f5: {  	s0 =	sadd.s32 @!p0 $0x100000, s0;
	[bflag:$0x2] =	sbarrier.arrive $0xFFFF  }
0x1f6: {  	[sflag:s0] =	ssyncadd.tile.s32 @!p0 $0x1;
	_ =	shalt  }
.Lfunc_end2:
_tile_overlayer_lowered:
.L_overlay_start_2:
0x1f7: {  	(tag) =	ssettag $0x2  }
0x1f8: {  	s0 =	rddreg [dreg:$0x0];
	s2 =	stileid.u32  }
0x1f9: {  	s1 =	rddreg [dreg:$0x1];
	p0 =	sne.s32 s2, $0x0  }
0x1fa: {  	s3 =	rddreg [dreg:$0x2];
	[bflag:$0x3] =	sbarrier.arrive $0xFFFF;
	s2 =	simm.s32 @!p0 $0x1C0A  }
0x1fb: {  	[timem:s3], [sflag:s2] =	dma.local @!p0 [hbm:s0], s1  }
0x1fc: {  	s0 =	simm.s32 @!p0 $0xA  }
0x1fd: {  	_ =	swait.ge @!p0 [sflag:s0], s1  }
0x1fe: {  	s1 =	ssub.s32 @!p0 $0x0, s1;
	[sflag:s0] =	ssyncset.done @!p0 $0x0  }
0x1ff: {  	[sflag:s0] =	ssyncadd.s32 @!p0 s1  }
0x200: {  	[bflag:$0x3] =	sbarrier.arrive $0xFFFF  }
0x201: {  	_ =	shalt  }

</sc_bundles>
